<compile_context>
chip_gen: v7x
topology: tpu7x:2x2x1
jax: 0.10.2.dev20260603
libtpu: 0.0.44.dev20260713+nightly
codegen_flags: <defaults>
</compile_context>

<pallas_src>
import functools

import jax
import jax.numpy as jnp
from jax import lax
from jax.experimental import pallas as pl
from jax.experimental.pallas import tpu as pltpu
from jax.experimental.pallas import tpu_sc as plsc

_N = 10000
_NNZ = 320000
_E = 5000
_IN = 128
_H = 8
_C = 16
_HC = _H * _C
_NEG = 0.2

_NC = 2
_NS = 16
_NW = _NC * _NS
_PT = _NNZ // _NW
_K = 80
_NIT = _PT // _K



def _mm_body(x_ref, w_ref, o_ref):
    o_ref[...] = lax.dot_general(
        x_ref[...], w_ref[...], (((1,), (1,)), ((), ())),
        preferred_element_type=jnp.float32)


def _stage_a(X, W):
    return pl.pallas_call(
        _mm_body,
        grid=(10,),
        in_specs=[pl.BlockSpec((_N // 10, _IN), lambda i: (i, 0)),
                  pl.BlockSpec((_HC, _IN), lambda i: (0, 0))],
        out_specs=pl.BlockSpec((_N // 10, _HC), lambda i: (i, 0)),
        out_shape=jax.ShapeDtypeStruct((_N, _HC), jnp.float32),
    )(X, W)


_NB_B = 5
_NB_D = 3


def _sc_pipeline(nb, specs, pidx, wid, iA, iB, isA, isB, gi, si):
    ngf = _NIT // nb
    ntl = _NIT - ngf * nb

    def buf(spec, b):
        src, bufs, gsem, ssem, acc = spec
        return bufs[b] if src is not None else bufs

    def emit_group(g, ib, isem_cur, other_ib, isem_nxt):
        pltpu.make_async_copy(pidx.at[wid, pl.ds(0, nb)], ib, isem_cur).wait()

        descs = []
        for b in range(nb):
            @pl.when(g > 0)
            def _(b=b):
                for spec in specs:
                    _, _, _, ssem, acc = spec
                    pltpu.make_async_copy(buf(spec, b), acc.at[ib.at[0, si]],
                                          ssem[b]).wait()
            for spec in specs:
                src, bufs, gsem, _, _ = spec
                if src is not None:
                    descs.append(
                        pltpu.async_copy(src.at[ib.at[b, gi]], bufs[b],
                                         gsem[b]))
        @pl.when(g + 1 < ngf)
        def _():
            pltpu.async_copy(pidx.at[wid, pl.ds((g + 1) * nb, nb)],
                             other_ib, isem_nxt)

        di = 0
        for b in range(nb):
            for spec in specs:
                src, _, _, ssem, acc = spec
                if src is not None:
                    descs[di].wait()
                    di += 1
                pltpu.async_copy(buf(spec, b), acc.at[ib.at[b, si]], ssem[b],
                                 add=True)

    def group(g, carry):
        @pl.when(g % 2 == 0)
        def _():
            emit_group(g, iA, isA, iB, isB)

        @pl.when(g % 2 == 1)
        def _():
            emit_group(g, iB, isB, iA, isA)

        return carry

    pltpu.async_copy(pidx.at[wid, pl.ds(0, nb)], iA, isA)
    plsc.subcore_barrier()
    lax.fori_loop(0, ngf, group, 0)

    for b in range(nb):
        for spec in specs:
            _, _, _, ssem, acc = spec
            pltpu.make_async_copy(buf(spec, b), acc.at[iA.at[0, si]],
                                  ssem[b]).wait()
    if ntl:
        pltpu.sync_copy(pidx.at[wid, pl.ds(ngf * nb, ntl)],
                        iA.at[pl.ds(0, ntl)])
        descs = []
        for b in range(ntl):
            for spec in specs:
                src, bufs, gsem, _, _ = spec
                if src is not None:
                    descs.append(
                        pltpu.async_copy(src.at[iA.at[b, gi]], bufs[b],
                                         gsem[b]))
        di = 0
        for b in range(ntl):
            for spec in specs:
                src, _, _, _, acc = spec
                if src is not None:
                    descs[di].wait()
                    di += 1
                pltpu.sync_copy(buf(spec, b), acc.at[iA.at[b, si]], add=True)


def _b_body(x0, pidx, ones_h, zsum_h, zcnt_h, o_sum, o_cnt,
            iA, iB, ones_v, acc_s, cnt_s, *bufs):
    nb = _NB_B
    rows = list(bufs[:nb])
    gsem = list(bufs[nb:2 * nb])
    ssem = list(bufs[2 * nb:3 * nb])
    csem = list(bufs[3 * nb:4 * nb])
    isA, isB = bufs[4 * nb], bufs[4 * nb + 1]
    cid = lax.axis_index("c")
    sid = lax.axis_index("s")
    wid = cid * _NS + sid

    @pl.when(sid < 8)
    def _():
        r8 = _E // 8
        pltpu.sync_copy(zsum_h.at[pl.ds(sid * r8, r8)],
                        acc_s.at[pl.ds(sid * r8, r8)])

    @pl.when(sid >= 8)
    def _():
        r8 = _E // 8
        s8 = sid - 8
        pltpu.sync_copy(zcnt_h.at[pl.ds(s8 * r8, r8)],
                        cnt_s.at[pl.ds(s8 * r8, r8)])

    pltpu.sync_copy(ones_h, ones_v)

    specs = [(x0, rows, gsem, ssem, acc_s),
             (None, ones_v, None, csem, cnt_s)]
    _sc_pipeline(nb, specs, pidx, wid, iA, iB, isA, isB, gi=0, si=1)

    plsc.subcore_barrier()

    r8 = _E // 8

    @pl.when(sid < 8)
    def _():
        pltpu.sync_copy(acc_s.at[pl.ds(sid * r8, r8)],
                        o_sum.at[cid, pl.ds(sid * r8, r8)])

    @pl.when(sid >= 8)
    def _():
        s8 = sid - 8
        pltpu.sync_copy(cnt_s.at[pl.ds(s8 * r8, r8)],
                        o_cnt.at[cid, pl.ds(s8 * r8, r8)])


def _stage_b(X0, pidx, ones_h, zsum_h, zcnt_h):
    mesh = plsc.VectorSubcoreMesh(core_axis_name="c", subcore_axis_name="s")
    f = functools.partial(
        pl.kernel,
        out_type=(jax.ShapeDtypeStruct((_NC, _E, _HC), jnp.float32),
                  jax.ShapeDtypeStruct((_NC, _E, 16), jnp.float32)),
        mesh=mesh,
        scratch_types=[
            pltpu.VMEM((_NB_B, 2, _K), jnp.int32),
            pltpu.VMEM((_NB_B, 2, _K), jnp.int32),
            pltpu.VMEM((_K, 16), jnp.float32),
            pltpu.VMEM_SHARED((_E, _HC), jnp.float32),
            pltpu.VMEM_SHARED((_E, 16), jnp.float32),
            *[pltpu.VMEM((_K, _HC), jnp.float32) for _ in range(_NB_B)],
            *[pltpu.SemaphoreType.DMA for _ in range(4 * _NB_B + 2)],
        ],
        compiler_params=pltpu.CompilerParams(use_tc_tiling_on_sc=False),
    )(_b_body)
    return f(X0, pidx, ones_h, zsum_h, zcnt_h)


_C_NB = 5
_C_EB = _E // _C_NB


def _c_body(sum_ref, cnt_ref, att_ref, m_ref, mt_ref, oy_ref, ox_ref,
            xe_s, a_s, gm_s):
    p = pl.program_id(0)
    j = pl.program_id(1)

    @pl.when(p == 0)
    def _():
        s = sum_ref[0] + sum_ref[1]
        c = cnt_ref[0, :, 0:1] + cnt_ref[1, :, 0:1]
        xe = s / jnp.maximum(c, 1.0)
        alpha = lax.dot_general(xe * att_ref[...], m_ref[...],
                                (((1,), (0,)), ((), ())),
                                preferred_element_type=jnp.float32)
        a = jnp.where(alpha >= 0, alpha, _NEG * alpha)
        xe_s[pl.ds(j * _C_EB, _C_EB), :] = xe
        a_s[pl.ds(j * _C_EB, _C_EB), :] = a
        m = jnp.max(a)

        @pl.when(j == 0)
        def _():
            gm_s[0] = m

        @pl.when(j > 0)
        def _():
            gm_s[0] = jnp.maximum(gm_s[0], m)

    @pl.when(p == 1)
    def _():
        a = a_s[pl.ds(j * _C_EB, _C_EB), :]
        expa = jnp.exp(a - gm_s[0])
        expfull = lax.dot_general(expa, mt_ref[...], (((1,), (0,)), ((), ())),
                                  preferred_element_type=jnp.float32)
        ye = xe_s[pl.ds(j * _C_EB, _C_EB), :] * expfull
        oy_ref[...] = ye
        ox_ref[...] = jnp.concatenate([expa, jnp.zeros_like(expa)], axis=1)


def _stage_c(sums, cnts, att_row, M, MT):
    return pl.pallas_call(
        _c_body,
        grid=(2, _C_NB),
        in_specs=[pl.BlockSpec((2, _C_EB, _HC), lambda p, j: (0, j, 0)),
                  pl.BlockSpec((2, _C_EB, 16), lambda p, j: (0, j, 0)),
                  pl.BlockSpec((1, _HC), lambda p, j: (0, 0)),
                  pl.BlockSpec((_HC, _H), lambda p, j: (0, 0)),
                  pl.BlockSpec((_H, _HC), lambda p, j: (0, 0))],
        out_specs=[pl.BlockSpec((_C_EB, _HC), lambda p, j: (j, 0)),
                   pl.BlockSpec((_C_EB, 16), lambda p, j: (j, 0))],
        out_shape=[jax.ShapeDtypeStruct((_E, _HC), jnp.float32),
                   jax.ShapeDtypeStruct((_E, 16), jnp.float32)],
        scratch_shapes=[pltpu.VMEM((_E, _HC), jnp.float32),
                        pltpu.VMEM((_E, _H), jnp.float32),
                        pltpu.SMEM((1,), jnp.float32)],
    )(sums, cnts, att_row, M, MT)


def _d_body(tab_y, tab_x, pidx, zacc_h, zden_h, o_acc, o_den,
            iA, iB, acc_s, den_s, *bufs):
    nb = _NB_D
    rows = list(bufs[:nb])
    rows2 = list(bufs[nb:2 * nb])
    gsem = list(bufs[2 * nb:3 * nb])
    g2sem = list(bufs[3 * nb:4 * nb])
    ssem = list(bufs[4 * nb:5 * nb])
    s2sem = list(bufs[5 * nb:6 * nb])
    isA, isB = bufs[6 * nb], bufs[6 * nb + 1]
    cid = lax.axis_index("c")
    sid = lax.axis_index("s")
    wid = cid * _NS + sid

    rn = _N // _NS
    pltpu.sync_copy(zacc_h.at[pl.ds(sid * rn, rn)],
                    acc_s.at[pl.ds(sid * rn, rn)])
    pltpu.sync_copy(zden_h.at[pl.ds(sid * rn, rn)],
                    den_s.at[pl.ds(sid * rn, rn)])

    specs = [(tab_y, rows, gsem, ssem, acc_s),
             (tab_x, rows2, g2sem, s2sem, den_s)]
    _sc_pipeline(nb, specs, pidx, wid, iA, iB, isA, isB, gi=1, si=0)

    plsc.subcore_barrier()

    pltpu.sync_copy(acc_s.at[pl.ds(sid * rn, rn)],
                    o_acc.at[cid, pl.ds(sid * rn, rn)])
    pltpu.sync_copy(den_s.at[pl.ds(sid * rn, rn)],
                    o_den.at[cid, pl.ds(sid * rn, rn)])


def _stage_d(tab_y, tab_x, pidx, zacc_h, zden_h):
    mesh = plsc.VectorSubcoreMesh(core_axis_name="c", subcore_axis_name="s")
    f = functools.partial(
        pl.kernel,
        out_type=(jax.ShapeDtypeStruct((_NC, _N, _HC), jnp.float32),
                  jax.ShapeDtypeStruct((_NC, _N, 16), jnp.float32)),
        mesh=mesh,
        scratch_types=[
            pltpu.VMEM((_NB_D, 2, _K), jnp.int32),
            pltpu.VMEM((_NB_D, 2, _K), jnp.int32),
            pltpu.VMEM_SHARED((_N, _HC), jnp.float32),
            pltpu.VMEM_SHARED((_N, 16), jnp.float32),
            *[pltpu.VMEM((_K, _HC), jnp.float32) for _ in range(_NB_D)],
            *[pltpu.VMEM((_K, 16), jnp.float32) for _ in range(_NB_D)],
            *[pltpu.SemaphoreType.DMA for _ in range(4 * _NB_D + 2)],
        ],
        compiler_params=pltpu.CompilerParams(use_tc_tiling_on_sc=False),
    )(_d_body)
    return f(tab_y, tab_x, pidx, zacc_h, zden_h)


def _e_body(acc_ref, den_ref, mt_ref, o_ref):
    num = acc_ref[0] + acc_ref[1]
    den = den_ref[0, :, 0:_H] + den_ref[1, :, 0:_H]
    denfull = lax.dot_general(den, mt_ref[...], (((1,), (0,)), ((), ())),
                              preferred_element_type=jnp.float32)
    xv = num / (denfull + 1e-16)
    rn2 = jnp.sum(xv * xv, axis=1, keepdims=True)
    rn = jnp.sqrt(rn2)
    scale = jnp.where(rn > 0, 1.0 / rn, 0.0)
    o_ref[...] = xv * scale


def _stage_e(acc, den, MT):
    nb = 10
    rb = _N // nb
    return pl.pallas_call(
        _e_body,
        grid=(nb,),
        in_specs=[pl.BlockSpec((2, rb, _HC), lambda i: (0, i, 0)),
                  pl.BlockSpec((2, rb, 16), lambda i: (0, i, 0)),
                  pl.BlockSpec((_H, _HC), lambda i: (0, 0))],
        out_specs=pl.BlockSpec((rb, _HC), lambda i: (i, 0)),
        out_shape=jax.ShapeDtypeStruct((_N, _HC), jnp.float32),
    )(acc, den, MT)


def kernel(X, W, att_e, vertex, edges):
    vtx3 = vertex.astype(jnp.int32).reshape(_NW, _NIT, _K)
    edg3 = edges.astype(jnp.int32).reshape(_NW, _NIT, _K)
    pidx = jnp.stack([vtx3, edg3], axis=2)
    att_row = att_e.reshape(1, _HC)
    M = (jnp.arange(_HC)[:, None] // _C == jnp.arange(_H)[None, :]
         ).astype(jnp.float32)
    MT = M.T
    ones_h = jnp.ones((_K, 16), jnp.float32)
    zsum_h = jnp.zeros((_E, _HC), jnp.float32)
    zcnt_h = jnp.zeros((_E, 16), jnp.float32)
    zacc_h = jnp.zeros((_N, _HC), jnp.float32)
    zden_h = jnp.zeros((_N, 16), jnp.float32)

    X0 = _stage_a(X, W)
    sums, cnts = _stage_b(X0, pidx, ones_h, zsum_h, zcnt_h)
    tab_y, tab_x = _stage_c(sums, cnts, att_row, M, MT)
    acc, den = _stage_d(tab_y, tab_x, pidx, zacc_h, zden_h)
    return _stage_e(acc, den, MT)

# --- scband reference (transcript-rebuilt; emitter-appended) ---
"""Pipeline reference for scband-uni-gatconv-2594160246976 (READ-ONLY COPY).

The authoritative reference and input builder live on the scoring server;
editing this copy changes nothing except your own understanding.
"""

import jax, jax.numpy as jnp
import numpy as np

N = 10000      # num nodes
NNZ = 320000   # num incidence pairs (vertex, edge)
E = 5000       # num hyperedges
IN = 128       # in_channels
H = 8          # heads
C = 16         # out_channels per head
NEG_SLOPE = 0.2


def setup_inputs(seed: int = 0) -> dict:
    key = jax.random.key(seed)
    k1, k2, k3, k4, k5 = jax.random.split(key, 5)
    X = jax.random.normal(k1, (N, IN), dtype=jnp.float32)
    vertex = jax.random.randint(k2, (NNZ,), 0, N)
    edges = jax.random.randint(k3, (NNZ,), 0, E)
    # nn.Linear(IN, H*C, bias=False) weight [H*C, IN]
    bound = 1.0 / np.sqrt(IN)
    W = jax.random.uniform(k4, (H * C, IN), minval=-bound, maxval=bound, dtype=jnp.float32)
    # glorot for att_e [1, H, C]: stdv = sqrt(6/(H+C))
    stdv = float(np.sqrt(6.0 / (H + C)))
    att_e = jax.random.uniform(k5, (1, H, C), minval=-stdv, maxval=stdv, dtype=jnp.float32)
    return {"X": X, "W": W, "att_e": att_e, "vertex": vertex, "edges": edges}


def reference(X, W, att_e, vertex, edges):
    n = X.shape[0]
    X0 = X @ W.T                      # [N, H*C]
    Xr = X0.reshape(n, H, C)          # [N, H, C]
    Xve = Xr[vertex]                  # [NNZ, H, C] gather
    # scatter-mean over hyperedges (first_aggregate='mean')
    sums = jax.ops.segment_sum(Xve, edges, num_segments=E)
    cnt = jax.ops.segment_sum(jnp.ones((Xve.shape[0],), dtype=X.dtype), edges, num_segments=E)
    Xe = sums / jnp.clip(cnt, 1.0)[:, None, None]          # [E, H, C]
    alpha_e = (Xe * att_e).sum(-1)                          # [E, H]
    a_ev = alpha_e[edges]                                   # [NNZ, H]
    alpha = jax.nn.leaky_relu(a_ev, negative_slope=NEG_SLOPE)
    # softmax grouped by vertex (num_nodes=n)
    seg_max = jax.ops.segment_max(alpha, vertex, num_segments=n)  # [N, H]
    alpha = jnp.exp(alpha - seg_max[vertex])
    denom = jax.ops.segment_sum(alpha, vertex, num_segments=n)
    alpha = alpha / (denom[vertex] + 1e-16)                 # [NNZ, H]
    # dropout p=0.0 -> identity
    Xev = Xe[edges] * alpha[..., None]                      # [NNZ, H, C]
    Xv = jax.ops.segment_sum(Xev, vertex, num_segments=n)   # [N, H, C]
    out = Xv.reshape(n, H * C)
    # use_norm=True: row l2-normalize with detached norm
    rownorm = jax.lax.stop_gradient(jnp.linalg.norm(out, axis=1, keepdims=True))
    scale = jnp.where(rownorm > 0, 1.0 / rownorm, 0.0)
    out = out * scale
    # skip_sum=False
    return out

if __name__ == "__main__":
    import jax
    _d = setup_inputs()
    print(jax.jit(kernel)(*tuple(_d.values())))

</pallas_src>

<mosaic_0001>
#map = affine_map<(d0, d1) -> (0, 0)>
#map1 = affine_map<(d0, d1) -> (0, 0, 0, 0)>
#map2 = affine_map<(d0, d1) -> (0, 0, 0)>
module attributes {stable_mosaic.version = 14 : i64} {
  func.func @_b_body(%arg0: i32, %arg1: i32, %arg2: memref<10000x128xf32, #tpu.memory_space<hbm>>, %arg3: memref<32x125x2x80xi32, #tpu.memory_space<hbm>>, %arg4: memref<80x16xf32, #tpu.memory_space<hbm>>, %arg5: memref<5000x128xf32, #tpu.memory_space<hbm>>, %arg6: memref<5000x16xf32, #tpu.memory_space<hbm>>, %arg7: memref<2x5000x128xf32, #tpu.memory_space<hbm>>, %arg8: memref<2x5000x16xf32, #tpu.memory_space<hbm>>, %arg9: memref<5x2x80xi32, #tpu.memory_space<vmem>>, %arg10: memref<5x2x80xi32, #tpu.memory_space<vmem>>, %arg11: memref<80x16xf32, #tpu.memory_space<vmem>>, %arg12: memref<5000x128xf32, #tpu.memory_space<vmem_shared>>, %arg13: memref<5000x16xf32, #tpu.memory_space<vmem_shared>>, %arg14: memref<80x128xf32, #tpu.memory_space<vmem>>, %arg15: memref<80x128xf32, #tpu.memory_space<vmem>>, %arg16: memref<80x128xf32, #tpu.memory_space<vmem>>, %arg17: memref<80x128xf32, #tpu.memory_space<vmem>>, %arg18: memref<80x128xf32, #tpu.memory_space<vmem>>, %arg19: memref<!tpu.dma_semaphore, #tpu.memory_space<semaphore_mem>>, %arg20: memref<!tpu.dma_semaphore, #tpu.memory_space<semaphore_mem>>, %arg21: memref<!tpu.dma_semaphore, #tpu.memory_space<semaphore_mem>>, %arg22: memref<!tpu.dma_semaphore, #tpu.memory_space<semaphore_mem>>, %arg23: memref<!tpu.dma_semaphore, #tpu.memory_space<semaphore_mem>>, %arg24: memref<!tpu.dma_semaphore, #tpu.memory_space<semaphore_mem>>, %arg25: memref<!tpu.dma_semaphore, #tpu.memory_space<semaphore_mem>>, %arg26: memref<!tpu.dma_semaphore, #tpu.memory_space<semaphore_mem>>, %arg27: memref<!tpu.dma_semaphore, #tpu.memory_space<semaphore_mem>>, %arg28: memref<!tpu.dma_semaphore, #tpu.memory_space<semaphore_mem>>, %arg29: memref<!tpu.dma_semaphore, #tpu.memory_space<semaphore_mem>>, %arg30: memref<!tpu.dma_semaphore, #tpu.memory_space<semaphore_mem>>, %arg31: memref<!tpu.dma_semaphore, #tpu.memory_space<semaphore_mem>>, %arg32: memref<!tpu.dma_semaphore, #tpu.memory_space<semaphore_mem>>, %arg33: memref<!tpu.dma_semaphore, #tpu.memory_space<semaphore_mem>>, %arg34: memref<!tpu.dma_semaphore, #tpu.memory_space<semaphore_mem>>, %arg35: memref<!tpu.dma_semaphore, #tpu.memory_space<semaphore_mem>>, %arg36: memref<!tpu.dma_semaphore, #tpu.memory_space<semaphore_mem>>, %arg37: memref<!tpu.dma_semaphore, #tpu.memory_space<semaphore_mem>>, %arg38: memref<!tpu.dma_semaphore, #tpu.memory_space<semaphore_mem>>, %arg39: memref<!tpu.dma_semaphore, #tpu.memory_space<semaphore_mem>>, %arg40: memref<!tpu.dma_semaphore, #tpu.memory_space<semaphore_mem>>) attributes {dimension_semantics = [#tpu.dimension_semantics<core_parallel>, #tpu.dimension_semantics<subcore_parallel>], iteration_bounds = array<i64: 2, 16>, scalar_prefetch = 0 : i64, scratch_operands = 32 : i64, tpu.core_type = #tpu.core_type<sc_vector_subcore>, window_params = [{transform_indices = #map}, {transform_indices = #map1}, {transform_indices = #map}, {transform_indices = #map}, {transform_indices = #map}, {transform_indices = #map2}, {transform_indices = #map2}]} {
    %mul3A = arith.constant 16 : i32
    %mul3A_0 = arith.muli %arg0, %mul3A : i32
    %add3A = arith.addi %mul3A_0, %arg1 : i32
    %lt3A = arith.constant 8 : i32
    %lt3A_1 = arith.cmpi slt, %arg1, %lt3A : i32
    %convert_element_type3A = arith.extui %lt3A_1 : i1 to i32
    %cond3A = arith.constant 0 : i32
    %cond3A_2 = arith.cmpi ne, %convert_element_type3A, %cond3A : i32
    scf.if %cond3A_2 {
      %mul3A_111 = arith.constant 625 : i32
      %mul3A_112 = arith.muli %arg1, %mul3A_111 : i32
      %mul3A_113 = arith.constant 625 : i32
      %mul3A_114 = arith.muli %arg1, %mul3A_113 : i32
      "tpu.region"() ({
        %run_scoped3A = tpu.sem_alloc : memref<!tpu.dma_semaphore, #tpu.memory_space<semaphore_mem>>
        %dma_start3A_115 = arith.constant 0 : i32
        %dma_start3A_116 = tpu.memref_slice %arg12[%mul3A_114, %dma_start3A_115] : memref<5000x128xf32, #tpu.memory_space<vmem_shared>> -> memref<625x128xf32, #tpu.memory_space<vmem_shared>>
        %dma_start3A_117 = arith.constant 0 : i32
        %dma_start3A_118 = tpu.memref_slice %arg5[%mul3A_112, %dma_start3A_117] : memref<5000x128xf32, #tpu.memory_space<hbm>> -> memref<625x128xf32, #tpu.memory_space<hbm>>
        tpu.enqueue_dma source(%dma_start3A_118 : memref<625x128xf32, #tpu.memory_space<hbm>>) target(%dma_start3A_116 : memref<625x128xf32, #tpu.memory_space<vmem_shared>>) target_semaphore(%run_scoped3A : memref<!tpu.dma_semaphore, #tpu.memory_space<semaphore_mem>>)
        %dma_wait3A_119 = arith.constant 0 : i32
        %dma_wait3A_120 = tpu.memref_slice %arg12[%mul3A_114, %dma_wait3A_119] : memref<5000x128xf32, #tpu.memory_space<vmem_shared>> -> memref<625x128xf32, #tpu.memory_space<vmem_shared>>
        %dma_wait3A_121 = arith.constant 0 : i32
        %dma_wait3A_122 = tpu.memref_slice %arg5[%mul3A_112, %dma_wait3A_121] : memref<5000x128xf32, #tpu.memory_space<hbm>> -> memref<625x128xf32, #tpu.memory_space<hbm>>
        tpu.wait_dma2 semaphore(%run_scoped3A : memref<!tpu.dma_semaphore, #tpu.memory_space<semaphore_mem>>) src(%dma_wait3A_122 : memref<625x128xf32, #tpu.memory_space<hbm>>) dst(%dma_wait3A_120 : memref<625x128xf32, #tpu.memory_space<vmem_shared>>)
        tpu.yield
      }) : () -> ()
    } else {
    }
    %ge3A = arith.constant 8 : i32
    %ge3A_3 = arith.cmpi sge, %arg1, %ge3A : i32
    %convert_element_type3A_4 = arith.extui %ge3A_3 : i1 to i32
    %cond3A_5 = arith.constant 0 : i32
    %cond3A_6 = arith.cmpi ne, %convert_element_type3A_4, %cond3A_5 : i32
    scf.if %cond3A_6 {
      %sub3A = arith.constant 8 : i32
      %sub3A_111 = arith.subi %arg1, %sub3A : i32
      %mul3A_112 = arith.constant 625 : i32
      %mul3A_113 = arith.muli %sub3A_111, %mul3A_112 : i32
      %mul3A_114 = arith.constant 625 : i32
      %mul3A_115 = arith.muli %sub3A_111, %mul3A_114 : i32
      "tpu.region"() ({
        %run_scoped3A = tpu.sem_alloc : memref<!tpu.dma_semaphore, #tpu.memory_space<semaphore_mem>>
        %dma_start3A_116 = arith.constant 0 : i32
        %dma_start3A_117 = tpu.memref_slice %arg13[%mul3A_115, %dma_start3A_116] : memref<5000x16xf32, #tpu.memory_space<vmem_shared>> -> memref<625x16xf32, #tpu.memory_space<vmem_shared>>
        %dma_start3A_118 = arith.constant 0 : i32
        %dma_start3A_119 = tpu.memref_slice %arg6[%mul3A_113, %dma_start3A_118] : memref<5000x16xf32, #tpu.memory_space<hbm>> -> memref<625x16xf32, #tpu.memory_space<hbm>>
        tpu.enqueue_dma source(%dma_start3A_119 : memref<625x16xf32, #tpu.memory_space<hbm>>) target(%dma_start3A_117 : memref<625x16xf32, #tpu.memory_space<vmem_shared>>) target_semaphore(%run_scoped3A : memref<!tpu.dma_semaphore, #tpu.memory_space<semaphore_mem>>)
        %dma_wait3A_120 = arith.constant 0 : i32
        %dma_wait3A_121 = tpu.memref_slice %arg13[%mul3A_115, %dma_wait3A_120] : memref<5000x16xf32, #tpu.memory_space<vmem_shared>> -> memref<625x16xf32, #tpu.memory_space<vmem_shared>>
        %dma_wait3A_122 = arith.constant 0 : i32
        %dma_wait3A_123 = tpu.memref_slice %arg6[%mul3A_113, %dma_wait3A_122] : memref<5000x16xf32, #tpu.memory_space<hbm>> -> memref<625x16xf32, #tpu.memory_space<hbm>>
        tpu.wait_dma2 semaphore(%run_scoped3A : memref<!tpu.dma_semaphore, #tpu.memory_space<semaphore_mem>>) src(%dma_wait3A_123 : memref<625x16xf32, #tpu.memory_space<hbm>>) dst(%dma_wait3A_121 : memref<625x16xf32, #tpu.memory_space<vmem_shared>>)
        tpu.yield
      }) : () -> ()
    } else {
    }
    "tpu.region"() ({
      %run_scoped3A = tpu.sem_alloc : memref<!tpu.dma_semaphore, #tpu.memory_space<semaphore_mem>>
      tpu.enqueue_dma source(%arg4 : memref<80x16xf32, #tpu.memory_space<hbm>>) target(%arg11 : memref<80x16xf32, #tpu.memory_space<vmem>>) target_semaphore(%run_scoped3A : memref<!tpu.dma_semaphore, #tpu.memory_space<semaphore_mem>>)
      tpu.wait_dma2 semaphore(%run_scoped3A : memref<!tpu.dma_semaphore, #tpu.memory_space<semaphore_mem>>) src(%arg4 : memref<80x16xf32, #tpu.memory_space<hbm>>) dst(%arg11 : memref<80x16xf32, #tpu.memory_space<vmem>>)
      tpu.yield
    }) : () -> ()
    %dma_start3A = arith.constant 0 : i32
    %dma_start3A_7 = arith.constant 0 : i32
    %dma_start3A_8 = arith.constant 0 : i32
    %dma_start3A_9 = tpu.memref_slice %arg3[%add3A, %dma_start3A, %dma_start3A_7, %dma_start3A_8] : memref<32x125x2x80xi32, #tpu.memory_space<hbm>> -> memref<1x5x2x80xi32, #tpu.memory_space<hbm>>
    %dma_start3A_10 = tpu.memref_squeeze %dma_start3A_9 : memref<1x5x2x80xi32, #tpu.memory_space<hbm>> -> memref<5x2x80xi32, #tpu.memory_space<hbm>>
    %dma_start3A_11 = arith.constant 0 : i32
    %dma_start3A_12 = arith.constant 0 : i32
    %dma_start3A_13 = arith.constant 0 : i32
    %dma_start3A_14 = tpu.memref_slice %arg3[%add3A, %dma_start3A_11, %dma_start3A_12, %dma_start3A_13] : memref<32x125x2x80xi32, #tpu.memory_space<hbm>> -> memref<1x5x2x80xi32, #tpu.memory_space<hbm>>
    %dma_start3A_15 = tpu.memref_squeeze %dma_start3A_14 : memref<1x5x2x80xi32, #tpu.memory_space<hbm>> -> memref<5x2x80xi32, #tpu.memory_space<hbm>>
    tpu.enqueue_dma source(%dma_start3A_15 : memref<5x2x80xi32, #tpu.memory_space<hbm>>) target(%arg9 : memref<5x2x80xi32, #tpu.memory_space<vmem>>) target_semaphore(%arg34 : memref<!tpu.dma_semaphore, #tpu.memory_space<semaphore_mem>>)
    %barrier3A = arith.constant 0 : index
    tpu.barrier barrier_id(%barrier3A)
    %scan3A = arith.constant 0 : i32
    %scan3A_16 = arith.constant 0 : i32
    %scan3A_17 = arith.constant 25 : i32
    %scan3A_18 = arith.addi %scan3A_16, %scan3A_17 : i32
    %scan3A_19 = arith.constant 1 : i32
    scf.for %scan3A_111 = %scan3A_16 to %scan3A_18 step %scan3A_19  : i32 {
      %jit3A = arith.constant 2 : i32
      %eq3A = arith.constant 0 : i32
      %eq3A_112 = arith.cmpi eq, %jit3A, %eq3A : i32
      %jit3A_113 = arith.constant 1 : i32
      %select_n3A = arith.select %eq3A_112, %jit3A_113, %jit3A : i32
      %rem3A = arith.remsi %scan3A_111, %select_n3A : i32
      %ne3A = arith.constant 0 : i32
      %ne3A_114 = arith.cmpi ne, %rem3A, %ne3A : i32
      %lt3A_115 = arith.constant 0 : i32
      %lt3A_116 = arith.cmpi slt, %rem3A, %lt3A_115 : i32
      %lt3A_117 = arith.constant 0 : i32
      %lt3A_118 = arith.cmpi slt, %select_n3A, %lt3A_117 : i32
      %ne3A_119 = arith.xori %lt3A_116, %lt3A_118 : i1
      %and3A = arith.andi %ne3A_119, %ne3A_114 : i1
      %add3A_120 = arith.addi %rem3A, %select_n3A : i32
      %select_n3A_121 = arith.select %and3A, %add3A_120, %rem3A : i32
      %eq3A_122 = arith.constant 0 : i32
      %eq3A_123 = arith.cmpi eq, %select_n3A_121, %eq3A_122 : i32
      %convert_element_type3A_124 = arith.extui %eq3A_123 : i1 to i32
      %cond3A_125 = arith.constant 0 : i32
      %cond3A_126 = arith.cmpi ne, %convert_element_type3A_124, %cond3A_125 : i32
      scf.if %cond3A_126 {
        %dma_wait3A_148 = arith.constant 0 : i32
        %dma_wait3A_149 = arith.constant 0 : i32
        %dma_wait3A_150 = arith.constant 0 : i32
        %dma_wait3A_151 = tpu.memref_slice %arg3[%add3A, %dma_wait3A_148, %dma_wait3A_149, %dma_wait3A_150] : memref<32x125x2x80xi32, #tpu.memory_space<hbm>> -> memref<1x5x2x80xi32, #tpu.memory_space<hbm>>
        %dma_wait3A_152 = tpu.memref_squeeze %dma_wait3A_151 : memref<1x5x2x80xi32, #tpu.memory_space<hbm>> -> memref<5x2x80xi32, #tpu.memory_space<hbm>>
        %dma_wait3A_153 = arith.constant 0 : i32
        %dma_wait3A_154 = arith.constant 0 : i32
        %dma_wait3A_155 = arith.constant 0 : i32
        %dma_wait3A_156 = tpu.memref_slice %arg3[%add3A, %dma_wait3A_153, %dma_wait3A_154, %dma_wait3A_155] : memref<32x125x2x80xi32, #tpu.memory_space<hbm>> -> memref<1x5x2x80xi32, #tpu.memory_space<hbm>>
        %dma_wait3A_157 = tpu.memref_squeeze %dma_wait3A_156 : memref<1x5x2x80xi32, #tpu.memory_space<hbm>> -> memref<5x2x80xi32, #tpu.memory_space<hbm>>
        tpu.wait_dma2 semaphore(%arg34 : memref<!tpu.dma_semaphore, #tpu.memory_space<semaphore_mem>>) src(%dma_wait3A_157 : memref<5x2x80xi32, #tpu.memory_space<hbm>>) dst(%arg9 : memref<5x2x80xi32, #tpu.memory_space<vmem>>)
        %gt3A = arith.constant 0 : i32
        %gt3A_158 = arith.cmpi sgt, %scan3A_111, %gt3A : i32
        %convert_element_type3A_159 = arith.extui %gt3A_158 : i1 to i32
        %cond3A_160 = arith.constant 0 : i32
        %cond3A_161 = arith.cmpi ne, %convert_element_type3A_159, %cond3A_160 : i32
        scf.if %cond3A_161 {
          %dma_wait3A_349 = arith.constant 0 : i32
          %dma_wait3A_350 = arith.constant 1 : i32
          %dma_wait3A_351 = arith.constant 0 : i32
          %dma_wait3A_352 = tpu.memref_slice %arg9[%dma_wait3A_349, %dma_wait3A_350, %dma_wait3A_351] : memref<5x2x80xi32, #tpu.memory_space<vmem>> -> memref<1x1x80xi32, #tpu.memory_space<vmem>>
          %dma_wait3A_353 = tpu.memref_squeeze %dma_wait3A_352 : memref<1x1x80xi32, #tpu.memory_space<vmem>> -> memref<80xi32, #tpu.memory_space<vmem>>
          %dma_wait3A_354 = arith.constant 0 : i32
          %dma_wait3A_355 = arith.constant 0 : i32
          %dma_wait3A_356 = tpu.memref_slice %arg12[%dma_wait3A_354, %dma_wait3A_355] : memref<5000x128xf32, #tpu.memory_space<vmem_shared>> -> memref<5000x128xf32, #tpu.memory_space<vmem_shared>>
          tpu.wait_indirect_dma semaphore(%arg24 : memref<!tpu.dma_semaphore, #tpu.memory_space<semaphore_mem>>) src(%arg14 : memref<80x128xf32, #tpu.memory_space<vmem>>) dst(%dma_wait3A_356 : memref<5000x128xf32, #tpu.memory_space<vmem_shared>>)
          %dma_wait3A_357 = arith.constant 0 : i32
          %dma_wait3A_358 = arith.constant 1 : i32
          %dma_wait3A_359 = arith.constant 0 : i32
          %dma_wait3A_360 = tpu.memref_slice %arg9[%dma_wait3A_357, %dma_wait3A_358, %dma_wait3A_359] : memref<5x2x80xi32, #tpu.memory_space<vmem>> -> memref<1x1x80xi32, #tpu.memory_space<vmem>>
          %dma_wait3A_361 = tpu.memref_squeeze %dma_wait3A_360 : memref<1x1x80xi32, #tpu.memory_space<vmem>> -> memref<80xi32, #tpu.memory_space<vmem>>
          %dma_wait3A_362 = arith.constant 0 : i32
          %dma_wait3A_363 = arith.constant 0 : i32
          %dma_wait3A_364 = tpu.memref_slice %arg13[%dma_wait3A_362, %dma_wait3A_363] : memref<5000x16xf32, #tpu.memory_space<vmem_shared>> -> memref<5000x16xf32, #tpu.memory_space<vmem_shared>>
          tpu.wait_indirect_dma semaphore(%arg29 : memref<!tpu.dma_semaphore, #tpu.memory_space<semaphore_mem>>) src(%arg11 : memref<80x16xf32, #tpu.memory_space<vmem>>) dst(%dma_wait3A_364 : memref<5000x16xf32, #tpu.memory_space<vmem_shared>>)
        } else {
        }
        %dma_start3A_162 = arith.constant 0 : i32
        %dma_start3A_163 = arith.constant 0 : i32
        %dma_start3A_164 = arith.constant 0 : i32
        %dma_start3A_165 = tpu.memref_slice %arg9[%dma_start3A_162, %dma_start3A_163, %dma_start3A_164] : memref<5x2x80xi32, #tpu.memory_space<vmem>> -> memref<1x1x80xi32, #tpu.memory_space<vmem>>
        %dma_start3A_166 = tpu.memref_squeeze %dma_start3A_165 : memref<1x1x80xi32, #tpu.memory_space<vmem>> -> memref<80xi32, #tpu.memory_space<vmem>>
        %dma_start3A_167 = arith.constant 0 : i32
        %dma_start3A_168 = arith.constant 0 : i32
        %dma_start3A_169 = tpu.memref_slice %arg2[%dma_start3A_167, %dma_start3A_168] : memref<10000x128xf32, #tpu.memory_space<hbm>> -> memref<10000x128xf32, #tpu.memory_space<hbm>>
        tpu.enqueue_indirect_dma source(%dma_start3A_169 : memref<10000x128xf32, #tpu.memory_space<hbm>>) target(%arg14 : memref<80x128xf32, #tpu.memory_space<vmem>>) offsets(%dma_start3A_166 : memref<80xi32, #tpu.memory_space<vmem>>) semaphore(%arg19 : memref<!tpu.dma_semaphore, #tpu.memory_space<semaphore_mem>>)
        %gt3A_170 = arith.constant 0 : i32
        %gt3A_171 = arith.cmpi sgt, %scan3A_111, %gt3A_170 : i32
        %convert_element_type3A_172 = arith.extui %gt3A_171 : i1 to i32
        %cond3A_173 = arith.constant 0 : i32
        %cond3A_174 = arith.cmpi ne, %convert_element_type3A_172, %cond3A_173 : i32
        scf.if %cond3A_174 {
          %dma_wait3A_349 = arith.constant 0 : i32
          %dma_wait3A_350 = arith.constant 1 : i32
          %dma_wait3A_351 = arith.constant 0 : i32
          %dma_wait3A_352 = tpu.memref_slice %arg9[%dma_wait3A_349, %dma_wait3A_350, %dma_wait3A_351] : memref<5x2x80xi32, #tpu.memory_space<vmem>> -> memref<1x1x80xi32, #tpu.memory_space<vmem>>
          %dma_wait3A_353 = tpu.memref_squeeze %dma_wait3A_352 : memref<1x1x80xi32, #tpu.memory_space<vmem>> -> memref<80xi32, #tpu.memory_space<vmem>>
          %dma_wait3A_354 = arith.constant 0 : i32
          %dma_wait3A_355 = arith.constant 0 : i32
          %dma_wait3A_356 = tpu.memref_slice %arg12[%dma_wait3A_354, %dma_wait3A_355] : memref<5000x128xf32, #tpu.memory_space<vmem_shared>> -> memref<5000x128xf32, #tpu.memory_space<vmem_shared>>
          tpu.wait_indirect_dma semaphore(%arg25 : memref<!tpu.dma_semaphore, #tpu.memory_space<semaphore_mem>>) src(%arg15 : memref<80x128xf32, #tpu.memory_space<vmem>>) dst(%dma_wait3A_356 : memref<5000x128xf32, #tpu.memory_space<vmem_shared>>)
          %dma_wait3A_357 = arith.constant 0 : i32
          %dma_wait3A_358 = arith.constant 1 : i32
          %dma_wait3A_359 = arith.constant 0 : i32
          %dma_wait3A_360 = tpu.memref_slice %arg9[%dma_wait3A_357, %dma_wait3A_358, %dma_wait3A_359] : memref<5x2x80xi32, #tpu.memory_space<vmem>> -> memref<1x1x80xi32, #tpu.memory_space<vmem>>
          %dma_wait3A_361 = tpu.memref_squeeze %dma_wait3A_360 : memref<1x1x80xi32, #tpu.memory_space<vmem>> -> memref<80xi32, #tpu.memory_space<vmem>>
          %dma_wait3A_362 = arith.constant 0 : i32
          %dma_wait3A_363 = arith.constant 0 : i32
          %dma_wait3A_364 = tpu.memref_slice %arg13[%dma_wait3A_362, %dma_wait3A_363] : memref<5000x16xf32, #tpu.memory_space<vmem_shared>> -> memref<5000x16xf32, #tpu.memory_space<vmem_shared>>
          tpu.wait_indirect_dma semaphore(%arg30 : memref<!tpu.dma_semaphore, #tpu.memory_space<semaphore_mem>>) src(%arg11 : memref<80x16xf32, #tpu.memory_space<vmem>>) dst(%dma_wait3A_364 : memref<5000x16xf32, #tpu.memory_space<vmem_shared>>)
        } else {
        }
        %dma_start3A_175 = arith.constant 1 : i32
        %dma_start3A_176 = arith.constant 0 : i32
        %dma_start3A_177 = arith.constant 0 : i32
        %dma_start3A_178 = tpu.memref_slice %arg9[%dma_start3A_175, %dma_start3A_176, %dma_start3A_177] : memref<5x2x80xi32, #tpu.memory_space<vmem>> -> memref<1x1x80xi32, #tpu.memory_space<vmem>>
        %dma_start3A_179 = tpu.memref_squeeze %dma_start3A_178 : memref<1x1x80xi32, #tpu.memory_space<vmem>> -> memref<80xi32, #tpu.memory_space<vmem>>
        %dma_start3A_180 = arith.constant 0 : i32
        %dma_start3A_181 = arith.constant 0 : i32
        %dma_start3A_182 = tpu.memref_slice %arg2[%dma_start3A_180, %dma_start3A_181] : memref<10000x128xf32, #tpu.memory_space<hbm>> -> memref<10000x128xf32, #tpu.memory_space<hbm>>
        tpu.enqueue_indirect_dma source(%dma_start3A_182 : memref<10000x128xf32, #tpu.memory_space<hbm>>) target(%arg15 : memref<80x128xf32, #tpu.memory_space<vmem>>) offsets(%dma_start3A_179 : memref<80xi32, #tpu.memory_space<vmem>>) semaphore(%arg20 : memref<!tpu.dma_semaphore, #tpu.memory_space<semaphore_mem>>)
        %gt3A_183 = arith.constant 0 : i32
        %gt3A_184 = arith.cmpi sgt, %scan3A_111, %gt3A_183 : i32
        %convert_element_type3A_185 = arith.extui %gt3A_184 : i1 to i32
        %cond3A_186 = arith.constant 0 : i32
        %cond3A_187 = arith.cmpi ne, %convert_element_type3A_185, %cond3A_186 : i32
        scf.if %cond3A_187 {
          %dma_wait3A_349 = arith.constant 0 : i32
          %dma_wait3A_350 = arith.constant 1 : i32
          %dma_wait3A_351 = arith.constant 0 : i32
          %dma_wait3A_352 = tpu.memref_slice %arg9[%dma_wait3A_349, %dma_wait3A_350, %dma_wait3A_351] : memref<5x2x80xi32, #tpu.memory_space<vmem>> -> memref<1x1x80xi32, #tpu.memory_space<vmem>>
          %dma_wait3A_353 = tpu.memref_squeeze %dma_wait3A_352 : memref<1x1x80xi32, #tpu.memory_space<vmem>> -> memref<80xi32, #tpu.memory_space<vmem>>
          %dma_wait3A_354 = arith.constant 0 : i32
          %dma_wait3A_355 = arith.constant 0 : i32
          %dma_wait3A_356 = tpu.memref_slice %arg12[%dma_wait3A_354, %dma_wait3A_355] : memref<5000x128xf32, #tpu.memory_space<vmem_shared>> -> memref<5000x128xf32, #tpu.memory_space<vmem_shared>>
          tpu.wait_indirect_dma semaphore(%arg26 : memref<!tpu.dma_semaphore, #tpu.memory_space<semaphore_mem>>) src(%arg16 : memref<80x128xf32, #tpu.memory_space<vmem>>) dst(%dma_wait3A_356 : memref<5000x128xf32, #tpu.memory_space<vmem_shared>>)
          %dma_wait3A_357 = arith.constant 0 : i32
          %dma_wait3A_358 = arith.constant 1 : i32
          %dma_wait3A_359 = arith.constant 0 : i32
          %dma_wait3A_360 = tpu.memref_slice %arg9[%dma_wait3A_357, %dma_wait3A_358, %dma_wait3A_359] : memref<5x2x80xi32, #tpu.memory_space<vmem>> -> memref<1x1x80xi32, #tpu.memory_space<vmem>>
          %dma_wait3A_361 = tpu.memref_squeeze %dma_wait3A_360 : memref<1x1x80xi32, #tpu.memory_space<vmem>> -> memref<80xi32, #tpu.memory_space<vmem>>
          %dma_wait3A_362 = arith.constant 0 : i32
          %dma_wait3A_363 = arith.constant 0 : i32
          %dma_wait3A_364 = tpu.memref_slice %arg13[%dma_wait3A_362, %dma_wait3A_363] : memref<5000x16xf32, #tpu.memory_space<vmem_shared>> -> memref<5000x16xf32, #tpu.memory_space<vmem_shared>>
          tpu.wait_indirect_dma semaphore(%arg31 : memref<!tpu.dma_semaphore, #tpu.memory_space<semaphore_mem>>) src(%arg11 : memref<80x16xf32, #tpu.memory_space<vmem>>) dst(%dma_wait3A_364 : memref<5000x16xf32, #tpu.memory_space<vmem_shared>>)
        } else {
        }
        %dma_start3A_188 = arith.constant 2 : i32
        %dma_start3A_189 = arith.constant 0 : i32
        %dma_start3A_190 = arith.constant 0 : i32
        %dma_start3A_191 = tpu.memref_slice %arg9[%dma_start3A_188, %dma_start3A_189, %dma_start3A_190] : memref<5x2x80xi32, #tpu.memory_space<vmem>> -> memref<1x1x80xi32, #tpu.memory_space<vmem>>
        %dma_start3A_192 = tpu.memref_squeeze %dma_start3A_191 : memref<1x1x80xi32, #tpu.memory_space<vmem>> -> memref<80xi32, #tpu.memory_space<vmem>>
        %dma_start3A_193 = arith.constant 0 : i32
        %dma_start3A_194 = arith.constant 0 : i32
        %dma_start3A_195 = tpu.memref_slice %arg2[%dma_start3A_193, %dma_start3A_194] : memref<10000x128xf32, #tpu.memory_space<hbm>> -> memref<10000x128xf32, #tpu.memory_space<hbm>>
        tpu.enqueue_indirect_dma source(%dma_start3A_195 : memref<10000x128xf32, #tpu.memory_space<hbm>>) target(%arg16 : memref<80x128xf32, #tpu.memory_space<vmem>>) offsets(%dma_start3A_192 : memref<80xi32, #tpu.memory_space<vmem>>) semaphore(%arg21 : memref<!tpu.dma_semaphore, #tpu.memory_space<semaphore_mem>>)
        %gt3A_196 = arith.constant 0 : i32
        %gt3A_197 = arith.cmpi sgt, %scan3A_111, %gt3A_196 : i32
        %convert_element_type3A_198 = arith.extui %gt3A_197 : i1 to i32
        %cond3A_199 = arith.constant 0 : i32
        %cond3A_200 = arith.cmpi ne, %convert_element_type3A_198, %cond3A_199 : i32
        scf.if %cond3A_200 {
          %dma_wait3A_349 = arith.constant 0 : i32
          %dma_wait3A_350 = arith.constant 1 : i32
          %dma_wait3A_351 = arith.constant 0 : i32
          %dma_wait3A_352 = tpu.memref_slice %arg9[%dma_wait3A_349, %dma_wait3A_350, %dma_wait3A_351] : memref<5x2x80xi32, #tpu.memory_space<vmem>> -> memref<1x1x80xi32, #tpu.memory_space<vmem>>
          %dma_wait3A_353 = tpu.memref_squeeze %dma_wait3A_352 : memref<1x1x80xi32, #tpu.memory_space<vmem>> -> memref<80xi32, #tpu.memory_space<vmem>>
          %dma_wait3A_354 = arith.constant 0 : i32
          %dma_wait3A_355 = arith.constant 0 : i32
          %dma_wait3A_356 = tpu.memref_slice %arg12[%dma_wait3A_354, %dma_wait3A_355] : memref<5000x128xf32, #tpu.memory_space<vmem_shared>> -> memref<5000x128xf32, #tpu.memory_space<vmem_shared>>
          tpu.wait_indirect_dma semaphore(%arg27 : memref<!tpu.dma_semaphore, #tpu.memory_space<semaphore_mem>>) src(%arg17 : memref<80x128xf32, #tpu.memory_space<vmem>>) dst(%dma_wait3A_356 : memref<5000x128xf32, #tpu.memory_space<vmem_shared>>)
          %dma_wait3A_357 = arith.constant 0 : i32
          %dma_wait3A_358 = arith.constant 1 : i32
          %dma_wait3A_359 = arith.constant 0 : i32
          %dma_wait3A_360 = tpu.memref_slice %arg9[%dma_wait3A_357, %dma_wait3A_358, %dma_wait3A_359] : memref<5x2x80xi32, #tpu.memory_space<vmem>> -> memref<1x1x80xi32, #tpu.memory_space<vmem>>
          %dma_wait3A_361 = tpu.memref_squeeze %dma_wait3A_360 : memref<1x1x80xi32, #tpu.memory_space<vmem>> -> memref<80xi32, #tpu.memory_space<vmem>>
          %dma_wait3A_362 = arith.constant 0 : i32
          %dma_wait3A_363 = arith.constant 0 : i32
          %dma_wait3A_364 = tpu.memref_slice %arg13[%dma_wait3A_362, %dma_wait3A_363] : memref<5000x16xf32, #tpu.memory_space<vmem_shared>> -> memref<5000x16xf32, #tpu.memory_space<vmem_shared>>
          tpu.wait_indirect_dma semaphore(%arg32 : memref<!tpu.dma_semaphore, #tpu.memory_space<semaphore_mem>>) src(%arg11 : memref<80x16xf32, #tpu.memory_space<vmem>>) dst(%dma_wait3A_364 : memref<5000x16xf32, #tpu.memory_space<vmem_shared>>)
        } else {
        }
        %dma_start3A_201 = arith.constant 3 : i32
        %dma_start3A_202 = arith.constant 0 : i32
        %dma_start3A_203 = arith.constant 0 : i32
        %dma_start3A_204 = tpu.memref_slice %arg9[%dma_start3A_201, %dma_start3A_202, %dma_start3A_203] : memref<5x2x80xi32, #tpu.memory_space<vmem>> -> memref<1x1x80xi32, #tpu.memory_space<vmem>>
        %dma_start3A_205 = tpu.memref_squeeze %dma_start3A_204 : memref<1x1x80xi32, #tpu.memory_space<vmem>> -> memref<80xi32, #tpu.memory_space<vmem>>
        %dma_start3A_206 = arith.constant 0 : i32
        %dma_start3A_207 = arith.constant 0 : i32
        %dma_start3A_208 = tpu.memref_slice %arg2[%dma_start3A_206, %dma_start3A_207] : memref<10000x128xf32, #tpu.memory_space<hbm>> -> memref<10000x128xf32, #tpu.memory_space<hbm>>
        tpu.enqueue_indirect_dma source(%dma_start3A_208 : memref<10000x128xf32, #tpu.memory_space<hbm>>) target(%arg17 : memref<80x128xf32, #tpu.memory_space<vmem>>) offsets(%dma_start3A_205 : memref<80xi32, #tpu.memory_space<vmem>>) semaphore(%arg22 : memref<!tpu.dma_semaphore, #tpu.memory_space<semaphore_mem>>)
        %gt3A_209 = arith.constant 0 : i32
        %gt3A_210 = arith.cmpi sgt, %scan3A_111, %gt3A_209 : i32
        %convert_element_type3A_211 = arith.extui %gt3A_210 : i1 to i32
        %cond3A_212 = arith.constant 0 : i32
        %cond3A_213 = arith.cmpi ne, %convert_element_type3A_211, %cond3A_212 : i32
        scf.if %cond3A_213 {
          %dma_wait3A_349 = arith.constant 0 : i32
          %dma_wait3A_350 = arith.constant 1 : i32
          %dma_wait3A_351 = arith.constant 0 : i32
          %dma_wait3A_352 = tpu.memref_slice %arg9[%dma_wait3A_349, %dma_wait3A_350, %dma_wait3A_351] : memref<5x2x80xi32, #tpu.memory_space<vmem>> -> memref<1x1x80xi32, #tpu.memory_space<vmem>>
          %dma_wait3A_353 = tpu.memref_squeeze %dma_wait3A_352 : memref<1x1x80xi32, #tpu.memory_space<vmem>> -> memref<80xi32, #tpu.memory_space<vmem>>
          %dma_wait3A_354 = arith.constant 0 : i32
          %dma_wait3A_355 = arith.constant 0 : i32
          %dma_wait3A_356 = tpu.memref_slice %arg12[%dma_wait3A_354, %dma_wait3A_355] : memref<5000x128xf32, #tpu.memory_space<vmem_shared>> -> memref<5000x128xf32, #tpu.memory_space<vmem_shared>>
          tpu.wait_indirect_dma semaphore(%arg28 : memref<!tpu.dma_semaphore, #tpu.memory_space<semaphore_mem>>) src(%arg18 : memref<80x128xf32, #tpu.memory_space<vmem>>) dst(%dma_wait3A_356 : memref<5000x128xf32, #tpu.memory_space<vmem_shared>>)
          %dma_wait3A_357 = arith.constant 0 : i32
          %dma_wait3A_358 = arith.constant 1 : i32
          %dma_wait3A_359 = arith.constant 0 : i32
          %dma_wait3A_360 = tpu.memref_slice %arg9[%dma_wait3A_357, %dma_wait3A_358, %dma_wait3A_359] : memref<5x2x80xi32, #tpu.memory_space<vmem>> -> memref<1x1x80xi32, #tpu.memory_space<vmem>>
          %dma_wait3A_361 = tpu.memref_squeeze %dma_wait3A_360 : memref<1x1x80xi32, #tpu.memory_space<vmem>> -> memref<80xi32, #tpu.memory_space<vmem>>
          %dma_wait3A_362 = arith.constant 0 : i32
          %dma_wait3A_363 = arith.constant 0 : i32
          %dma_wait3A_364 = tpu.memref_slice %arg13[%dma_wait3A_362, %dma_wait3A_363] : memref<5000x16xf32, #tpu.memory_space<vmem_shared>> -> memref<5000x16xf32, #tpu.memory_space<vmem_shared>>
          tpu.wait_indirect_dma semaphore(%arg33 : memref<!tpu.dma_semaphore, #tpu.memory_space<semaphore_mem>>) src(%arg11 : memref<80x16xf32, #tpu.memory_space<vmem>>) dst(%dma_wait3A_364 : memref<5000x16xf32, #tpu.memory_space<vmem_shared>>)
        } else {
        }
        %dma_start3A_214 = arith.constant 4 : i32
        %dma_start3A_215 = arith.constant 0 : i32
        %dma_start3A_216 = arith.constant 0 : i32
        %dma_start3A_217 = tpu.memref_slice %arg9[%dma_start3A_214, %dma_start3A_215, %dma_start3A_216] : memref<5x2x80xi32, #tpu.memory_space<vmem>> -> memref<1x1x80xi32, #tpu.memory_space<vmem>>
        %dma_start3A_218 = tpu.memref_squeeze %dma_start3A_217 : memref<1x1x80xi32, #tpu.memory_space<vmem>> -> memref<80xi32, #tpu.memory_space<vmem>>
        %dma_start3A_219 = arith.constant 0 : i32
        %dma_start3A_220 = arith.constant 0 : i32
        %dma_start3A_221 = tpu.memref_slice %arg2[%dma_start3A_219, %dma_start3A_220] : memref<10000x128xf32, #tpu.memory_space<hbm>> -> memref<10000x128xf32, #tpu.memory_space<hbm>>
        tpu.enqueue_indirect_dma source(%dma_start3A_221 : memref<10000x128xf32, #tpu.memory_space<hbm>>) target(%arg18 : memref<80x128xf32, #tpu.memory_space<vmem>>) offsets(%dma_start3A_218 : memref<80xi32, #tpu.memory_space<vmem>>) semaphore(%arg23 : memref<!tpu.dma_semaphore, #tpu.memory_space<semaphore_mem>>)
        %add3A_222 = arith.constant 1 : i32
        %add3A_223 = arith.addi %scan3A_111, %add3A_222 : i32
        %lt3A_224 = arith.constant 25 : i32
        %lt3A_225 = arith.cmpi slt, %add3A_223, %lt3A_224 : i32
        %convert_element_type3A_226 = arith.extui %lt3A_225 : i1 to i32
        %cond3A_227 = arith.constant 0 : i32
        %cond3A_228 = arith.cmpi ne, %convert_element_type3A_226, %cond3A_227 : i32
        scf.if %cond3A_228 {
          %add3A_349 = arith.constant 1 : i32
          %add3A_350 = arith.addi %scan3A_111, %add3A_349 : i32
          %mul3A_351 = arith.constant 5 : i32
          %mul3A_352 = arith.muli %add3A_350, %mul3A_351 : i32
          %dma_start3A_353 = arith.constant 0 : i32
          %dma_start3A_354 = arith.constant 0 : i32
          %dma_start3A_355 = tpu.memref_slice %arg3[%add3A, %mul3A_352, %dma_start3A_353, %dma_start3A_354] : memref<32x125x2x80xi32, #tpu.memory_space<hbm>> -> memref<1x5x2x80xi32, #tpu.memory_space<hbm>>
          %dma_start3A_356 = tpu.memref_squeeze %dma_start3A_355 : memref<1x5x2x80xi32, #tpu.memory_space<hbm>> -> memref<5x2x80xi32, #tpu.memory_space<hbm>>
          %dma_start3A_357 = arith.constant 0 : i32
          %dma_start3A_358 = arith.constant 0 : i32
          %dma_start3A_359 = tpu.memref_slice %arg3[%add3A, %mul3A_352, %dma_start3A_357, %dma_start3A_358] : memref<32x125x2x80xi32, #tpu.memory_space<hbm>> -> memref<1x5x2x80xi32, #tpu.memory_space<hbm>>
          %dma_start3A_360 = tpu.memref_squeeze %dma_start3A_359 : memref<1x5x2x80xi32, #tpu.memory_space<hbm>> -> memref<5x2x80xi32, #tpu.memory_space<hbm>>
          tpu.enqueue_dma source(%dma_start3A_360 : memref<5x2x80xi32, #tpu.memory_space<hbm>>) target(%arg10 : memref<5x2x80xi32, #tpu.memory_space<vmem>>) target_semaphore(%arg35 : memref<!tpu.dma_semaphore, #tpu.memory_space<semaphore_mem>>)
        } else {
        }
        %dma_wait3A_229 = arith.constant 0 : i32
        %dma_wait3A_230 = arith.constant 0 : i32
        %dma_wait3A_231 = arith.constant 0 : i32
        %dma_wait3A_232 = tpu.memref_slice %arg9[%dma_wait3A_229, %dma_wait3A_230, %dma_wait3A_231] : memref<5x2x80xi32, #tpu.memory_space<vmem>> -> memref<1x1x80xi32, #tpu.memory_space<vmem>>
        %dma_wait3A_233 = tpu.memref_squeeze %dma_wait3A_232 : memref<1x1x80xi32, #tpu.memory_space<vmem>> -> memref<80xi32, #tpu.memory_space<vmem>>
        %dma_wait3A_234 = arith.constant 0 : i32
        %dma_wait3A_235 = arith.constant 0 : i32
        %dma_wait3A_236 = tpu.memref_slice %arg2[%dma_wait3A_234, %dma_wait3A_235] : memref<10000x128xf32, #tpu.memory_space<hbm>> -> memref<10000x128xf32, #tpu.memory_space<hbm>>
        tpu.wait_indirect_dma semaphore(%arg19 : memref<!tpu.dma_semaphore, #tpu.memory_space<semaphore_mem>>) src(%dma_wait3A_236 : memref<10000x128xf32, #tpu.memory_space<hbm>>) dst(%arg14 : memref<80x128xf32, #tpu.memory_space<vmem>>)
        %dma_start3A_237 = arith.constant 0 : i32
        %dma_start3A_238 = arith.constant 1 : i32
        %dma_start3A_239 = arith.constant 0 : i32
        %dma_start3A_240 = tpu.memref_slice %arg9[%dma_start3A_237, %dma_start3A_238, %dma_start3A_239] : memref<5x2x80xi32, #tpu.memory_space<vmem>> -> memref<1x1x80xi32, #tpu.memory_space<vmem>>
        %dma_start3A_241 = tpu.memref_squeeze %dma_start3A_240 : memref<1x1x80xi32, #tpu.memory_space<vmem>> -> memref<80xi32, #tpu.memory_space<vmem>>
        %dma_start3A_242 = arith.constant 0 : i32
        %dma_start3A_243 = arith.constant 0 : i32
        %dma_start3A_244 = tpu.memref_slice %arg12[%dma_start3A_242, %dma_start3A_243] : memref<5000x128xf32, #tpu.memory_space<vmem_shared>> -> memref<5000x128xf32, #tpu.memory_space<vmem_shared>>
        tpu.enqueue_indirect_dma source(%arg14 : memref<80x128xf32, #tpu.memory_space<vmem>>) target(%dma_start3A_244 : memref<5000x128xf32, #tpu.memory_space<vmem_shared>>) offsets(%dma_start3A_241 : memref<80xi32, #tpu.memory_space<vmem>>) semaphore(%arg24 : memref<!tpu.dma_semaphore, #tpu.memory_space<semaphore_mem>>) {add = true}
        %dma_start3A_245 = arith.constant 0 : i32
        %dma_start3A_246 = arith.constant 1 : i32
        %dma_start3A_247 = arith.constant 0 : i32
        %dma_start3A_248 = tpu.memref_slice %arg9[%dma_start3A_245, %dma_start3A_246, %dma_start3A_247] : memref<5x2x80xi32, #tpu.memory_space<vmem>> -> memref<1x1x80xi32, #tpu.memory_space<vmem>>
        %dma_start3A_249 = tpu.memref_squeeze %dma_start3A_248 : memref<1x1x80xi32, #tpu.memory_space<vmem>> -> memref<80xi32, #tpu.memory_space<vmem>>
        %dma_start3A_250 = arith.constant 0 : i32
        %dma_start3A_251 = arith.constant 0 : i32
        %dma_start3A_252 = tpu.memref_slice %arg13[%dma_start3A_250, %dma_start3A_251] : memref<5000x16xf32, #tpu.memory_space<vmem_shared>> -> memref<5000x16xf32, #tpu.memory_space<vmem_shared>>
        tpu.enqueue_indirect_dma source(%arg11 : memref<80x16xf32, #tpu.memory_space<vmem>>) target(%dma_start3A_252 : memref<5000x16xf32, #tpu.memory_space<vmem_shared>>) offsets(%dma_start3A_249 : memref<80xi32, #tpu.memory_space<vmem>>) semaphore(%arg29 : memref<!tpu.dma_semaphore, #tpu.memory_space<semaphore_mem>>) {add = true}
        %dma_wait3A_253 = arith.constant 1 : i32
        %dma_wait3A_254 = arith.constant 0 : i32
        %dma_wait3A_255 = arith.constant 0 : i32
        %dma_wait3A_256 = tpu.memref_slice %arg9[%dma_wait3A_253, %dma_wait3A_254, %dma_wait3A_255] : memref<5x2x80xi32, #tpu.memory_space<vmem>> -> memref<1x1x80xi32, #tpu.memory_space<vmem>>
        %dma_wait3A_257 = tpu.memref_squeeze %dma_wait3A_256 : memref<1x1x80xi32, #tpu.memory_space<vmem>> -> memref<80xi32, #tpu.memory_space<vmem>>
        %dma_wait3A_258 = arith.constant 0 : i32
        %dma_wait3A_259 = arith.constant 0 : i32
        %dma_wait3A_260 = tpu.memref_slice %arg2[%dma_wait3A_258, %dma_wait3A_259] : memref<10000x128xf32, #tpu.memory_space<hbm>> -> memref<10000x128xf32, #tpu.memory_space<hbm>>
        tpu.wait_indirect_dma semaphore(%arg20 : memref<!tpu.dma_semaphore, #tpu.memory_space<semaphore_mem>>) src(%dma_wait3A_260 : memref<10000x128xf32, #tpu.memory_space<hbm>>) dst(%arg15 : memref<80x128xf32, #tpu.memory_space<vmem>>)
        %dma_start3A_261 = arith.constant 1 : i32
        %dma_start3A_262 = arith.constant 1 : i32
        %dma_start3A_263 = arith.constant 0 : i32
        %dma_start3A_264 = tpu.memref_slice %arg9[%dma_start3A_261, %dma_start3A_262, %dma_start3A_263] : memref<5x2x80xi32, #tpu.memory_space<vmem>> -> memref<1x1x80xi32, #tpu.memory_space<vmem>>
        %dma_start3A_265 = tpu.memref_squeeze %dma_start3A_264 : memref<1x1x80xi32, #tpu.memory_space<vmem>> -> memref<80xi32, #tpu.memory_space<vmem>>
        %dma_start3A_266 = arith.constant 0 : i32
        %dma_start3A_267 = arith.constant 0 : i32
        %dma_start3A_268 = tpu.memref_slice %arg12[%dma_start3A_266, %dma_start3A_267] : memref<5000x128xf32, #tpu.memory_space<vmem_shared>> -> memref<5000x128xf32, #tpu.memory_space<vmem_shared>>
        tpu.enqueue_indirect_dma source(%arg15 : memref<80x128xf32, #tpu.memory_space<vmem>>) target(%dma_start3A_268 : memref<5000x128xf32, #tpu.memory_space<vmem_shared>>) offsets(%dma_start3A_265 : memref<80xi32, #tpu.memory_space<vmem>>) semaphore(%arg25 : memref<!tpu.dma_semaphore, #tpu.memory_space<semaphore_mem>>) {add = true}
        %dma_start3A_269 = arith.constant 1 : i32
        %dma_start3A_270 = arith.constant 1 : i32
        %dma_start3A_271 = arith.constant 0 : i32
        %dma_start3A_272 = tpu.memref_slice %arg9[%dma_start3A_269, %dma_start3A_270, %dma_start3A_271] : memref<5x2x80xi32, #tpu.memory_space<vmem>> -> memref<1x1x80xi32, #tpu.memory_space<vmem>>
        %dma_start3A_273 = tpu.memref_squeeze %dma_start3A_272 : memref<1x1x80xi32, #tpu.memory_space<vmem>> -> memref<80xi32, #tpu.memory_space<vmem>>
        %dma_start3A_274 = arith.constant 0 : i32
        %dma_start3A_275 = arith.constant 0 : i32
        %dma_start3A_276 = tpu.memref_slice %arg13[%dma_start3A_274, %dma_start3A_275] : memref<5000x16xf32, #tpu.memory_space<vmem_shared>> -> memref<5000x16xf32, #tpu.memory_space<vmem_shared>>
        tpu.enqueue_indirect_dma source(%arg11 : memref<80x16xf32, #tpu.memory_space<vmem>>) target(%dma_start3A_276 : memref<5000x16xf32, #tpu.memory_space<vmem_shared>>) offsets(%dma_start3A_273 : memref<80xi32, #tpu.memory_space<vmem>>) semaphore(%arg30 : memref<!tpu.dma_semaphore, #tpu.memory_space<semaphore_mem>>) {add = true}
        %dma_wait3A_277 = arith.constant 2 : i32
        %dma_wait3A_278 = arith.constant 0 : i32
        %dma_wait3A_279 = arith.constant 0 : i32
        %dma_wait3A_280 = tpu.memref_slice %arg9[%dma_wait3A_277, %dma_wait3A_278, %dma_wait3A_279] : memref<5x2x80xi32, #tpu.memory_space<vmem>> -> memref<1x1x80xi32, #tpu.memory_space<vmem>>
        %dma_wait3A_281 = tpu.memref_squeeze %dma_wait3A_280 : memref<1x1x80xi32, #tpu.memory_space<vmem>> -> memref<80xi32, #tpu.memory_space<vmem>>
        %dma_wait3A_282 = arith.constant 0 : i32
        %dma_wait3A_283 = arith.constant 0 : i32
        %dma_wait3A_284 = tpu.memref_slice %arg2[%dma_wait3A_282, %dma_wait3A_283] : memref<10000x128xf32, #tpu.memory_space<hbm>> -> memref<10000x128xf32, #tpu.memory_space<hbm>>
        tpu.wait_indirect_dma semaphore(%arg21 : memref<!tpu.dma_semaphore, #tpu.memory_space<semaphore_mem>>) src(%dma_wait3A_284 : memref<10000x128xf32, #tpu.memory_space<hbm>>) dst(%arg16 : memref<80x128xf32, #tpu.memory_space<vmem>>)
        %dma_start3A_285 = arith.constant 2 : i32
        %dma_start3A_286 = arith.constant 1 : i32
        %dma_start3A_287 = arith.constant 0 : i32
        %dma_start3A_288 = tpu.memref_slice %arg9[%dma_start3A_285, %dma_start3A_286, %dma_start3A_287] : memref<5x2x80xi32, #tpu.memory_space<vmem>> -> memref<1x1x80xi32, #tpu.memory_space<vmem>>
        %dma_start3A_289 = tpu.memref_squeeze %dma_start3A_288 : memref<1x1x80xi32, #tpu.memory_space<vmem>> -> memref<80xi32, #tpu.memory_space<vmem>>
        %dma_start3A_290 = arith.constant 0 : i32
        %dma_start3A_291 = arith.constant 0 : i32
        %dma_start3A_292 = tpu.memref_slice %arg12[%dma_start3A_290, %dma_start3A_291] : memref<5000x128xf32, #tpu.memory_space<vmem_shared>> -> memref<5000x128xf32, #tpu.memory_space<vmem_shared>>
        tpu.enqueue_indirect_dma source(%arg16 : memref<80x128xf32, #tpu.memory_space<vmem>>) target(%dma_start3A_292 : memref<5000x128xf32, #tpu.memory_space<vmem_shared>>) offsets(%dma_start3A_289 : memref<80xi32, #tpu.memory_space<vmem>>) semaphore(%arg26 : memref<!tpu.dma_semaphore, #tpu.memory_space<semaphore_mem>>) {add = true}
        %dma_start3A_293 = arith.constant 2 : i32
        %dma_start3A_294 = arith.constant 1 : i32
        %dma_start3A_295 = arith.constant 0 : i32
        %dma_start3A_296 = tpu.memref_slice %arg9[%dma_start3A_293, %dma_start3A_294, %dma_start3A_295] : memref<5x2x80xi32, #tpu.memory_space<vmem>> -> memref<1x1x80xi32, #tpu.memory_space<vmem>>
        %dma_start3A_297 = tpu.memref_squeeze %dma_start3A_296 : memref<1x1x80xi32, #tpu.memory_space<vmem>> -> memref<80xi32, #tpu.memory_space<vmem>>
        %dma_start3A_298 = arith.constant 0 : i32
        %dma_start3A_299 = arith.constant 0 : i32
        %dma_start3A_300 = tpu.memref_slice %arg13[%dma_start3A_298, %dma_start3A_299] : memref<5000x16xf32, #tpu.memory_space<vmem_shared>> -> memref<5000x16xf32, #tpu.memory_space<vmem_shared>>
        tpu.enqueue_indirect_dma source(%arg11 : memref<80x16xf32, #tpu.memory_space<vmem>>) target(%dma_start3A_300 : memref<5000x16xf32, #tpu.memory_space<vmem_shared>>) offsets(%dma_start3A_297 : memref<80xi32, #tpu.memory_space<vmem>>) semaphore(%arg31 : memref<!tpu.dma_semaphore, #tpu.memory_space<semaphore_mem>>) {add = true}
        %dma_wait3A_301 = arith.constant 3 : i32
        %dma_wait3A_302 = arith.constant 0 : i32
        %dma_wait3A_303 = arith.constant 0 : i32
        %dma_wait3A_304 = tpu.memref_slice %arg9[%dma_wait3A_301, %dma_wait3A_302, %dma_wait3A_303] : memref<5x2x80xi32, #tpu.memory_space<vmem>> -> memref<1x1x80xi32, #tpu.memory_space<vmem>>
        %dma_wait3A_305 = tpu.memref_squeeze %dma_wait3A_304 : memref<1x1x80xi32, #tpu.memory_space<vmem>> -> memref<80xi32, #tpu.memory_space<vmem>>
        %dma_wait3A_306 = arith.constant 0 : i32
        %dma_wait3A_307 = arith.constant 0 : i32
        %dma_wait3A_308 = tpu.memref_slice %arg2[%dma_wait3A_306, %dma_wait3A_307] : memref<10000x128xf32, #tpu.memory_space<hbm>> -> memref<10000x128xf32, #tpu.memory_space<hbm>>
        tpu.wait_indirect_dma semaphore(%arg22 : memref<!tpu.dma_semaphore, #tpu.memory_space<semaphore_mem>>) src(%dma_wait3A_308 : memref<10000x128xf32, #tpu.memory_space<hbm>>) dst(%arg17 : memref<80x128xf32, #tpu.memory_space<vmem>>)
        %dma_start3A_309 = arith.constant 3 : i32
        %dma_start3A_310 = arith.constant 1 : i32
        %dma_start3A_311 = arith.constant 0 : i32
        %dma_start3A_312 = tpu.memref_slice %arg9[%dma_start3A_309, %dma_start3A_310, %dma_start3A_311] : memref<5x2x80xi32, #tpu.memory_space<vmem>> -> memref<1x1x80xi32, #tpu.memory_space<vmem>>
        %dma_start3A_313 = tpu.memref_squeeze %dma_start3A_312 : memref<1x1x80xi32, #tpu.memory_space<vmem>> -> memref<80xi32, #tpu.memory_space<vmem>>
        %dma_start3A_314 = arith.constant 0 : i32
        %dma_start3A_315 = arith.constant 0 : i32
        %dma_start3A_316 = tpu.memref_slice %arg12[%dma_start3A_314, %dma_start3A_315] : memref<5000x128xf32, #tpu.memory_space<vmem_shared>> -> memref<5000x128xf32, #tpu.memory_space<vmem_shared>>
        tpu.enqueue_indirect_dma source(%arg17 : memref<80x128xf32, #tpu.memory_space<vmem>>) target(%dma_start3A_316 : memref<5000x128xf32, #tpu.memory_space<vmem_shared>>) offsets(%dma_start3A_313 : memref<80xi32, #tpu.memory_space<vmem>>) semaphore(%arg27 : memref<!tpu.dma_semaphore, #tpu.memory_space<semaphore_mem>>) {add = true}
        %dma_start3A_317 = arith.constant 3 : i32
        %dma_start3A_318 = arith.constant 1 : i32
        %dma_start3A_319 = arith.constant 0 : i32
        %dma_start3A_320 = tpu.memref_slice %arg9[%dma_start3A_317, %dma_start3A_318, %dma_start3A_319] : memref<5x2x80xi32, #tpu.memory_space<vmem>> -> memref<1x1x80xi32, #tpu.memory_space<vmem>>
        %dma_start3A_321 = tpu.memref_squeeze %dma_start3A_320 : memref<1x1x80xi32, #tpu.memory_space<vmem>> -> memref<80xi32, #tpu.memory_space<vmem>>
        %dma_start3A_322 = arith.constant 0 : i32
        %dma_start3A_323 = arith.constant 0 : i32
        %dma_start3A_324 = tpu.memref_slice %arg13[%dma_start3A_322, %dma_start3A_323] : memref<5000x16xf32, #tpu.memory_space<vmem_shared>> -> memref<5000x16xf32, #tpu.memory_space<vmem_shared>>
        tpu.enqueue_indirect_dma source(%arg11 : memref<80x16xf32, #tpu.memory_space<vmem>>) target(%dma_start3A_324 : memref<5000x16xf32, #tpu.memory_space<vmem_shared>>) offsets(%dma_start3A_321 : memref<80xi32, #tpu.memory_space<vmem>>) semaphore(%arg32 : memref<!tpu.dma_semaphore, #tpu.memory_space<semaphore_mem>>) {add = true}
        %dma_wait3A_325 = arith.constant 4 : i32
        %dma_wait3A_326 = arith.constant 0 : i32
        %dma_wait3A_327 = arith.constant 0 : i32
        %dma_wait3A_328 = tpu.memref_slice %arg9[%dma_wait3A_325, %dma_wait3A_326, %dma_wait3A_327] : memref<5x2x80xi32, #tpu.memory_space<vmem>> -> memref<1x1x80xi32, #tpu.memory_space<vmem>>
        %dma_wait3A_329 = tpu.memref_squeeze %dma_wait3A_328 : memref<1x1x80xi32, #tpu.memory_space<vmem>> -> memref<80xi32, #tpu.memory_space<vmem>>
        %dma_wait3A_330 = arith.constant 0 : i32
        %dma_wait3A_331 = arith.constant 0 : i32
        %dma_wait3A_332 = tpu.memref_slice %arg2[%dma_wait3A_330, %dma_wait3A_331] : memref<10000x128xf32, #tpu.memory_space<hbm>> -> memref<10000x128xf32, #tpu.memory_space<hbm>>
        tpu.wait_indirect_dma semaphore(%arg23 : memref<!tpu.dma_semaphore, #tpu.memory_space<semaphore_mem>>) src(%dma_wait3A_332 : memref<10000x128xf32, #tpu.memory_space<hbm>>) dst(%arg18 : memref<80x128xf32, #tpu.memory_space<vmem>>)
        %dma_start3A_333 = arith.constant 4 : i32
        %dma_start3A_334 = arith.constant 1 : i32
        %dma_start3A_335 = arith.constant 0 : i32
        %dma_start3A_336 = tpu.memref_slice %arg9[%dma_start3A_333, %dma_start3A_334, %dma_start3A_335] : memref<5x2x80xi32, #tpu.memory_space<vmem>> -> memref<1x1x80xi32, #tpu.memory_space<vmem>>
        %dma_start3A_337 = tpu.memref_squeeze %dma_start3A_336 : memref<1x1x80xi32, #tpu.memory_space<vmem>> -> memref<80xi32, #tpu.memory_space<vmem>>
        %dma_start3A_338 = arith.constant 0 : i32
        %dma_start3A_339 = arith.constant 0 : i32
        %dma_start3A_340 = tpu.memref_slice %arg12[%dma_start3A_338, %dma_start3A_339] : memref<5000x128xf32, #tpu.memory_space<vmem_shared>> -> memref<5000x128xf32, #tpu.memory_space<vmem_shared>>
        tpu.enqueue_indirect_dma source(%arg18 : memref<80x128xf32, #tpu.memory_space<vmem>>) target(%dma_start3A_340 : memref<5000x128xf32, #tpu.memory_space<vmem_shared>>) offsets(%dma_start3A_337 : memref<80xi32, #tpu.memory_space<vmem>>) semaphore(%arg28 : memref<!tpu.dma_semaphore, #tpu.memory_space<semaphore_mem>>) {add = true}
        %dma_start3A_341 = arith.constant 4 : i32
        %dma_start3A_342 = arith.constant 1 : i32
        %dma_start3A_343 = arith.constant 0 : i32
        %dma_start3A_344 = tpu.memref_slice %arg9[%dma_start3A_341, %dma_start3A_342, %dma_start3A_343] : memref<5x2x80xi32, #tpu.memory_space<vmem>> -> memref<1x1x80xi32, #tpu.memory_space<vmem>>
        %dma_start3A_345 = tpu.memref_squeeze %dma_start3A_344 : memref<1x1x80xi32, #tpu.memory_space<vmem>> -> memref<80xi32, #tpu.memory_space<vmem>>
        %dma_start3A_346 = arith.constant 0 : i32
        %dma_start3A_347 = arith.constant 0 : i32
        %dma_start3A_348 = tpu.memref_slice %arg13[%dma_start3A_346, %dma_start3A_347] : memref<5000x16xf32, #tpu.memory_space<vmem_shared>> -> memref<5000x16xf32, #tpu.memory_space<vmem_shared>>
        tpu.enqueue_indirect_dma source(%arg11 : memref<80x16xf32, #tpu.memory_space<vmem>>) target(%dma_start3A_348 : memref<5000x16xf32, #tpu.memory_space<vmem_shared>>) offsets(%dma_start3A_345 : memref<80xi32, #tpu.memory_space<vmem>>) semaphore(%arg33 : memref<!tpu.dma_semaphore, #tpu.memory_space<semaphore_mem>>) {add = true}
      } else {
      }
      %jit3A_127 = arith.constant 2 : i32
      %eq3A_128 = arith.constant 0 : i32
      %eq3A_129 = arith.cmpi eq, %jit3A_127, %eq3A_128 : i32
      %jit3A_130 = arith.constant 1 : i32
      %select_n3A_131 = arith.select %eq3A_129, %jit3A_130, %jit3A_127 : i32
      %rem3A_132 = arith.remsi %scan3A_111, %select_n3A_131 : i32
      %ne3A_133 = arith.constant 0 : i32
      %ne3A_134 = arith.cmpi ne, %rem3A_132, %ne3A_133 : i32
      %lt3A_135 = arith.constant 0 : i32
      %lt3A_136 = arith.cmpi slt, %rem3A_132, %lt3A_135 : i32
      %lt3A_137 = arith.constant 0 : i32
      %lt3A_138 = arith.cmpi slt, %select_n3A_131, %lt3A_137 : i32
      %ne3A_139 = arith.xori %lt3A_136, %lt3A_138 : i1
      %and3A_140 = arith.andi %ne3A_139, %ne3A_134 : i1
      %add3A_141 = arith.addi %rem3A_132, %select_n3A_131 : i32
      %select_n3A_142 = arith.select %and3A_140, %add3A_141, %rem3A_132 : i32
      %eq3A_143 = arith.constant 1 : i32
      %eq3A_144 = arith.cmpi eq, %select_n3A_142, %eq3A_143 : i32
      %convert_element_type3A_145 = arith.extui %eq3A_144 : i1 to i32
      %cond3A_146 = arith.constant 0 : i32
      %cond3A_147 = arith.cmpi ne, %convert_element_type3A_145, %cond3A_146 : i32
      scf.if %cond3A_147 {
        %dma_wait3A_148 = arith.constant 0 : i32
        %dma_wait3A_149 = arith.constant 0 : i32
        %dma_wait3A_150 = arith.constant 0 : i32
        %dma_wait3A_151 = tpu.memref_slice %arg3[%add3A, %dma_wait3A_148, %dma_wait3A_149, %dma_wait3A_150] : memref<32x125x2x80xi32, #tpu.memory_space<hbm>> -> memref<1x5x2x80xi32, #tpu.memory_space<hbm>>
        %dma_wait3A_152 = tpu.memref_squeeze %dma_wait3A_151 : memref<1x5x2x80xi32, #tpu.memory_space<hbm>> -> memref<5x2x80xi32, #tpu.memory_space<hbm>>
        %dma_wait3A_153 = arith.constant 0 : i32
        %dma_wait3A_154 = arith.constant 0 : i32
        %dma_wait3A_155 = arith.constant 0 : i32
        %dma_wait3A_156 = tpu.memref_slice %arg3[%add3A, %dma_wait3A_153, %dma_wait3A_154, %dma_wait3A_155] : memref<32x125x2x80xi32, #tpu.memory_space<hbm>> -> memref<1x5x2x80xi32, #tpu.memory_space<hbm>>
        %dma_wait3A_157 = tpu.memref_squeeze %dma_wait3A_156 : memref<1x5x2x80xi32, #tpu.memory_space<hbm>> -> memref<5x2x80xi32, #tpu.memory_space<hbm>>
        tpu.wait_dma2 semaphore(%arg35 : memref<!tpu.dma_semaphore, #tpu.memory_space<semaphore_mem>>) src(%dma_wait3A_157 : memref<5x2x80xi32, #tpu.memory_space<hbm>>) dst(%arg10 : memref<5x2x80xi32, #tpu.memory_space<vmem>>)
        %gt3A = arith.constant 0 : i32
        %gt3A_158 = arith.cmpi sgt, %scan3A_111, %gt3A : i32
        %convert_element_type3A_159 = arith.extui %gt3A_158 : i1 to i32
        %cond3A_160 = arith.constant 0 : i32
        %cond3A_161 = arith.cmpi ne, %convert_element_type3A_159, %cond3A_160 : i32
        scf.if %cond3A_161 {
          %dma_wait3A_349 = arith.constant 0 : i32
          %dma_wait3A_350 = arith.constant 1 : i32
          %dma_wait3A_351 = arith.constant 0 : i32
          %dma_wait3A_352 = tpu.memref_slice %arg10[%dma_wait3A_349, %dma_wait3A_350, %dma_wait3A_351] : memref<5x2x80xi32, #tpu.memory_space<vmem>> -> memref<1x1x80xi32, #tpu.memory_space<vmem>>
          %dma_wait3A_353 = tpu.memref_squeeze %dma_wait3A_352 : memref<1x1x80xi32, #tpu.memory_space<vmem>> -> memref<80xi32, #tpu.memory_space<vmem>>
          %dma_wait3A_354 = arith.constant 0 : i32
          %dma_wait3A_355 = arith.constant 0 : i32
          %dma_wait3A_356 = tpu.memref_slice %arg12[%dma_wait3A_354, %dma_wait3A_355] : memref<5000x128xf32, #tpu.memory_space<vmem_shared>> -> memref<5000x128xf32, #tpu.memory_space<vmem_shared>>
          tpu.wait_indirect_dma semaphore(%arg24 : memref<!tpu.dma_semaphore, #tpu.memory_space<semaphore_mem>>) src(%arg14 : memref<80x128xf32, #tpu.memory_space<vmem>>) dst(%dma_wait3A_356 : memref<5000x128xf32, #tpu.memory_space<vmem_shared>>)
          %dma_wait3A_357 = arith.constant 0 : i32
          %dma_wait3A_358 = arith.constant 1 : i32
          %dma_wait3A_359 = arith.constant 0 : i32
          %dma_wait3A_360 = tpu.memref_slice %arg10[%dma_wait3A_357, %dma_wait3A_358, %dma_wait3A_359] : memref<5x2x80xi32, #tpu.memory_space<vmem>> -> memref<1x1x80xi32, #tpu.memory_space<vmem>>
          %dma_wait3A_361 = tpu.memref_squeeze %dma_wait3A_360 : memref<1x1x80xi32, #tpu.memory_space<vmem>> -> memref<80xi32, #tpu.memory_space<vmem>>
          %dma_wait3A_362 = arith.constant 0 : i32
          %dma_wait3A_363 = arith.constant 0 : i32
          %dma_wait3A_364 = tpu.memref_slice %arg13[%dma_wait3A_362, %dma_wait3A_363] : memref<5000x16xf32, #tpu.memory_space<vmem_shared>> -> memref<5000x16xf32, #tpu.memory_space<vmem_shared>>
          tpu.wait_indirect_dma semaphore(%arg29 : memref<!tpu.dma_semaphore, #tpu.memory_space<semaphore_mem>>) src(%arg11 : memref<80x16xf32, #tpu.memory_space<vmem>>) dst(%dma_wait3A_364 : memref<5000x16xf32, #tpu.memory_space<vmem_shared>>)
        } else {
        }
        %dma_start3A_162 = arith.constant 0 : i32
        %dma_start3A_163 = arith.constant 0 : i32
        %dma_start3A_164 = arith.constant 0 : i32
        %dma_start3A_165 = tpu.memref_slice %arg10[%dma_start3A_162, %dma_start3A_163, %dma_start3A_164] : memref<5x2x80xi32, #tpu.memory_space<vmem>> -> memref<1x1x80xi32, #tpu.memory_space<vmem>>
        %dma_start3A_166 = tpu.memref_squeeze %dma_start3A_165 : memref<1x1x80xi32, #tpu.memory_space<vmem>> -> memref<80xi32, #tpu.memory_space<vmem>>
        %dma_start3A_167 = arith.constant 0 : i32
        %dma_start3A_168 = arith.constant 0 : i32
        %dma_start3A_169 = tpu.memref_slice %arg2[%dma_start3A_167, %dma_start3A_168] : memref<10000x128xf32, #tpu.memory_space<hbm>> -> memref<10000x128xf32, #tpu.memory_space<hbm>>
        tpu.enqueue_indirect_dma source(%dma_start3A_169 : memref<10000x128xf32, #tpu.memory_space<hbm>>) target(%arg14 : memref<80x128xf32, #tpu.memory_space<vmem>>) offsets(%dma_start3A_166 : memref<80xi32, #tpu.memory_space<vmem>>) semaphore(%arg19 : memref<!tpu.dma_semaphore, #tpu.memory_space<semaphore_mem>>)
        %gt3A_170 = arith.constant 0 : i32
        %gt3A_171 = arith.cmpi sgt, %scan3A_111, %gt3A_170 : i32
        %convert_element_type3A_172 = arith.extui %gt3A_171 : i1 to i32
        %cond3A_173 = arith.constant 0 : i32
        %cond3A_174 = arith.cmpi ne, %convert_element_type3A_172, %cond3A_173 : i32
        scf.if %cond3A_174 {
          %dma_wait3A_349 = arith.constant 0 : i32
          %dma_wait3A_350 = arith.constant 1 : i32
          %dma_wait3A_351 = arith.constant 0 : i32
          %dma_wait3A_352 = tpu.memref_slice %arg10[%dma_wait3A_349, %dma_wait3A_350, %dma_wait3A_351] : memref<5x2x80xi32, #tpu.memory_space<vmem>> -> memref<1x1x80xi32, #tpu.memory_space<vmem>>
          %dma_wait3A_353 = tpu.memref_squeeze %dma_wait3A_352 : memref<1x1x80xi32, #tpu.memory_space<vmem>> -> memref<80xi32, #tpu.memory_space<vmem>>
          %dma_wait3A_354 = arith.constant 0 : i32
          %dma_wait3A_355 = arith.constant 0 : i32
          %dma_wait3A_356 = tpu.memref_slice %arg12[%dma_wait3A_354, %dma_wait3A_355] : memref<5000x128xf32, #tpu.memory_space<vmem_shared>> -> memref<5000x128xf32, #tpu.memory_space<vmem_shared>>
          tpu.wait_indirect_dma semaphore(%arg25 : memref<!tpu.dma_semaphore, #tpu.memory_space<semaphore_mem>>) src(%arg15 : memref<80x128xf32, #tpu.memory_space<vmem>>) dst(%dma_wait3A_356 : memref<5000x128xf32, #tpu.memory_space<vmem_shared>>)
          %dma_wait3A_357 = arith.constant 0 : i32
          %dma_wait3A_358 = arith.constant 1 : i32
          %dma_wait3A_359 = arith.constant 0 : i32
          %dma_wait3A_360 = tpu.memref_slice %arg10[%dma_wait3A_357, %dma_wait3A_358, %dma_wait3A_359] : memref<5x2x80xi32, #tpu.memory_space<vmem>> -> memref<1x1x80xi32, #tpu.memory_space<vmem>>
          %dma_wait3A_361 = tpu.memref_squeeze %dma_wait3A_360 : memref<1x1x80xi32, #tpu.memory_space<vmem>> -> memref<80xi32, #tpu.memory_space<vmem>>
          %dma_wait3A_362 = arith.constant 0 : i32
          %dma_wait3A_363 = arith.constant 0 : i32
          %dma_wait3A_364 = tpu.memref_slice %arg13[%dma_wait3A_362, %dma_wait3A_363] : memref<5000x16xf32, #tpu.memory_space<vmem_shared>> -> memref<5000x16xf32, #tpu.memory_space<vmem_shared>>
          tpu.wait_indirect_dma semaphore(%arg30 : memref<!tpu.dma_semaphore, #tpu.memory_space<semaphore_mem>>) src(%arg11 : memref<80x16xf32, #tpu.memory_space<vmem>>) dst(%dma_wait3A_364 : memref<5000x16xf32, #tpu.memory_space<vmem_shared>>)
        } else {
        }
        %dma_start3A_175 = arith.constant 1 : i32
        %dma_start3A_176 = arith.constant 0 : i32
        %dma_start3A_177 = arith.constant 0 : i32
        %dma_start3A_178 = tpu.memref_slice %arg10[%dma_start3A_175, %dma_start3A_176, %dma_start3A_177] : memref<5x2x80xi32, #tpu.memory_space<vmem>> -> memref<1x1x80xi32, #tpu.memory_space<vmem>>
        %dma_start3A_179 = tpu.memref_squeeze %dma_start3A_178 : memref<1x1x80xi32, #tpu.memory_space<vmem>> -> memref<80xi32, #tpu.memory_space<vmem>>
        %dma_start3A_180 = arith.constant 0 : i32
        %dma_start3A_181 = arith.constant 0 : i32
        %dma_start3A_182 = tpu.memref_slice %arg2[%dma_start3A_180, %dma_start3A_181] : memref<10000x128xf32, #tpu.memory_space<hbm>> -> memref<10000x128xf32, #tpu.memory_space<hbm>>
        tpu.enqueue_indirect_dma source(%dma_start3A_182 : memref<10000x128xf32, #tpu.memory_space<hbm>>) target(%arg15 : memref<80x128xf32, #tpu.memory_space<vmem>>) offsets(%dma_start3A_179 : memref<80xi32, #tpu.memory_space<vmem>>) semaphore(%arg20 : memref<!tpu.dma_semaphore, #tpu.memory_space<semaphore_mem>>)
        %gt3A_183 = arith.constant 0 : i32
        %gt3A_184 = arith.cmpi sgt, %scan3A_111, %gt3A_183 : i32
        %convert_element_type3A_185 = arith.extui %gt3A_184 : i1 to i32
        %cond3A_186 = arith.constant 0 : i32
        %cond3A_187 = arith.cmpi ne, %convert_element_type3A_185, %cond3A_186 : i32
        scf.if %cond3A_187 {
          %dma_wait3A_349 = arith.constant 0 : i32
          %dma_wait3A_350 = arith.constant 1 : i32
          %dma_wait3A_351 = arith.constant 0 : i32
          %dma_wait3A_352 = tpu.memref_slice %arg10[%dma_wait3A_349, %dma_wait3A_350, %dma_wait3A_351] : memref<5x2x80xi32, #tpu.memory_space<vmem>> -> memref<1x1x80xi32, #tpu.memory_space<vmem>>
          %dma_wait3A_353 = tpu.memref_squeeze %dma_wait3A_352 : memref<1x1x80xi32, #tpu.memory_space<vmem>> -> memref<80xi32, #tpu.memory_space<vmem>>
          %dma_wait3A_354 = arith.constant 0 : i32
          %dma_wait3A_355 = arith.constant 0 : i32
          %dma_wait3A_356 = tpu.memref_slice %arg12[%dma_wait3A_354, %dma_wait3A_355] : memref<5000x128xf32, #tpu.memory_space<vmem_shared>> -> memref<5000x128xf32, #tpu.memory_space<vmem_shared>>
          tpu.wait_indirect_dma semaphore(%arg26 : memref<!tpu.dma_semaphore, #tpu.memory_space<semaphore_mem>>) src(%arg16 : memref<80x128xf32, #tpu.memory_space<vmem>>) dst(%dma_wait3A_356 : memref<5000x128xf32, #tpu.memory_space<vmem_shared>>)
          %dma_wait3A_357 = arith.constant 0 : i32
          %dma_wait3A_358 = arith.constant 1 : i32
          %dma_wait3A_359 = arith.constant 0 : i32
          %dma_wait3A_360 = tpu.memref_slice %arg10[%dma_wait3A_357, %dma_wait3A_358, %dma_wait3A_359] : memref<5x2x80xi32, #tpu.memory_space<vmem>> -> memref<1x1x80xi32, #tpu.memory_space<vmem>>
          %dma_wait3A_361 = tpu.memref_squeeze %dma_wait3A_360 : memref<1x1x80xi32, #tpu.memory_space<vmem>> -> memref<80xi32, #tpu.memory_space<vmem>>
          %dma_wait3A_362 = arith.constant 0 : i32
          %dma_wait3A_363 = arith.constant 0 : i32
          %dma_wait3A_364 = tpu.memref_slice %arg13[%dma_wait3A_362, %dma_wait3A_363] : memref<5000x16xf32, #tpu.memory_space<vmem_shared>> -> memref<5000x16xf32, #tpu.memory_space<vmem_shared>>
          tpu.wait_indirect_dma semaphore(%arg31 : memref<!tpu.dma_semaphore, #tpu.memory_space<semaphore_mem>>) src(%arg11 : memref<80x16xf32, #tpu.memory_space<vmem>>) dst(%dma_wait3A_364 : memref<5000x16xf32, #tpu.memory_space<vmem_shared>>)
        } else {
        }
        %dma_start3A_188 = arith.constant 2 : i32
        %dma_start3A_189 = arith.constant 0 : i32
        %dma_start3A_190 = arith.constant 0 : i32
        %dma_start3A_191 = tpu.memref_slice %arg10[%dma_start3A_188, %dma_start3A_189, %dma_start3A_190] : memref<5x2x80xi32, #tpu.memory_space<vmem>> -> memref<1x1x80xi32, #tpu.memory_space<vmem>>
        %dma_start3A_192 = tpu.memref_squeeze %dma_start3A_191 : memref<1x1x80xi32, #tpu.memory_space<vmem>> -> memref<80xi32, #tpu.memory_space<vmem>>
        %dma_start3A_193 = arith.constant 0 : i32
        %dma_start3A_194 = arith.constant 0 : i32
        %dma_start3A_195 = tpu.memref_slice %arg2[%dma_start3A_193, %dma_start3A_194] : memref<10000x128xf32, #tpu.memory_space<hbm>> -> memref<10000x128xf32, #tpu.memory_space<hbm>>
        tpu.enqueue_indirect_dma source(%dma_start3A_195 : memref<10000x128xf32, #tpu.memory_space<hbm>>) target(%arg16 : memref<80x128xf32, #tpu.memory_space<vmem>>) offsets(%dma_start3A_192 : memref<80xi32, #tpu.memory_space<vmem>>) semaphore(%arg21 : memref<!tpu.dma_semaphore, #tpu.memory_space<semaphore_mem>>)
        %gt3A_196 = arith.constant 0 : i32
        %gt3A_197 = arith.cmpi sgt, %scan3A_111, %gt3A_196 : i32
        %convert_element_type3A_198 = arith.extui %gt3A_197 : i1 to i32
        %cond3A_199 = arith.constant 0 : i32
        %cond3A_200 = arith.cmpi ne, %convert_element_type3A_198, %cond3A_199 : i32
        scf.if %cond3A_200 {
          %dma_wait3A_349 = arith.constant 0 : i32
          %dma_wait3A_350 = arith.constant 1 : i32
          %dma_wait3A_351 = arith.constant 0 : i32
          %dma_wait3A_352 = tpu.memref_slice %arg10[%dma_wait3A_349, %dma_wait3A_350, %dma_wait3A_351] : memref<5x2x80xi32, #tpu.memory_space<vmem>> -> memref<1x1x80xi32, #tpu.memory_space<vmem>>
          %dma_wait3A_353 = tpu.memref_squeeze %dma_wait3A_352 : memref<1x1x80xi32, #tpu.memory_space<vmem>> -> memref<80xi32, #tpu.memory_space<vmem>>
          %dma_wait3A_354 = arith.constant 0 : i32
          %dma_wait3A_355 = arith.constant 0 : i32
          %dma_wait3A_356 = tpu.memref_slice %arg12[%dma_wait3A_354, %dma_wait3A_355] : memref<5000x128xf32, #tpu.memory_space<vmem_shared>> -> memref<5000x128xf32, #tpu.memory_space<vmem_shared>>
          tpu.wait_indirect_dma semaphore(%arg27 : memref<!tpu.dma_semaphore, #tpu.memory_space<semaphore_mem>>) src(%arg17 : memref<80x128xf32, #tpu.memory_space<vmem>>) dst(%dma_wait3A_356 : memref<5000x128xf32, #tpu.memory_space<vmem_shared>>)
          %dma_wait3A_357 = arith.constant 0 : i32
          %dma_wait3A_358 = arith.constant 1 : i32
          %dma_wait3A_359 = arith.constant 0 : i32
          %dma_wait3A_360 = tpu.memref_slice %arg10[%dma_wait3A_357, %dma_wait3A_358, %dma_wait3A_359] : memref<5x2x80xi32, #tpu.memory_space<vmem>> -> memref<1x1x80xi32, #tpu.memory_space<vmem>>
          %dma_wait3A_361 = tpu.memref_squeeze %dma_wait3A_360 : memref<1x1x80xi32, #tpu.memory_space<vmem>> -> memref<80xi32, #tpu.memory_space<vmem>>
          %dma_wait3A_362 = arith.constant 0 : i32
          %dma_wait3A_363 = arith.constant 0 : i32
          %dma_wait3A_364 = tpu.memref_slice %arg13[%dma_wait3A_362, %dma_wait3A_363] : memref<5000x16xf32, #tpu.memory_space<vmem_shared>> -> memref<5000x16xf32, #tpu.memory_space<vmem_shared>>
          tpu.wait_indirect_dma semaphore(%arg32 : memref<!tpu.dma_semaphore, #tpu.memory_space<semaphore_mem>>) src(%arg11 : memref<80x16xf32, #tpu.memory_space<vmem>>) dst(%dma_wait3A_364 : memref<5000x16xf32, #tpu.memory_space<vmem_shared>>)
        } else {
        }
        %dma_start3A_201 = arith.constant 3 : i32
        %dma_start3A_202 = arith.constant 0 : i32
        %dma_start3A_203 = arith.constant 0 : i32
        %dma_start3A_204 = tpu.memref_slice %arg10[%dma_start3A_201, %dma_start3A_202, %dma_start3A_203] : memref<5x2x80xi32, #tpu.memory_space<vmem>> -> memref<1x1x80xi32, #tpu.memory_space<vmem>>
        %dma_start3A_205 = tpu.memref_squeeze %dma_start3A_204 : memref<1x1x80xi32, #tpu.memory_space<vmem>> -> memref<80xi32, #tpu.memory_space<vmem>>
        %dma_start3A_206 = arith.constant 0 : i32
        %dma_start3A_207 = arith.constant 0 : i32
        %dma_start3A_208 = tpu.memref_slice %arg2[%dma_start3A_206, %dma_start3A_207] : memref<10000x128xf32, #tpu.memory_space<hbm>> -> memref<10000x128xf32, #tpu.memory_space<hbm>>
        tpu.enqueue_indirect_dma source(%dma_start3A_208 : memref<10000x128xf32, #tpu.memory_space<hbm>>) target(%arg17 : memref<80x128xf32, #tpu.memory_space<vmem>>) offsets(%dma_start3A_205 : memref<80xi32, #tpu.memory_space<vmem>>) semaphore(%arg22 : memref<!tpu.dma_semaphore, #tpu.memory_space<semaphore_mem>>)
        %gt3A_209 = arith.constant 0 : i32
        %gt3A_210 = arith.cmpi sgt, %scan3A_111, %gt3A_209 : i32
        %convert_element_type3A_211 = arith.extui %gt3A_210 : i1 to i32
        %cond3A_212 = arith.constant 0 : i32
        %cond3A_213 = arith.cmpi ne, %convert_element_type3A_211, %cond3A_212 : i32
        scf.if %cond3A_213 {
          %dma_wait3A_349 = arith.constant 0 : i32
          %dma_wait3A_350 = arith.constant 1 : i32
          %dma_wait3A_351 = arith.constant 0 : i32
          %dma_wait3A_352 = tpu.memref_slice %arg10[%dma_wait3A_349, %dma_wait3A_350, %dma_wait3A_351] : memref<5x2x80xi32, #tpu.memory_space<vmem>> -> memref<1x1x80xi32, #tpu.memory_space<vmem>>
          %dma_wait3A_353 = tpu.memref_squeeze %dma_wait3A_352 : memref<1x1x80xi32, #tpu.memory_space<vmem>> -> memref<80xi32, #tpu.memory_space<vmem>>
          %dma_wait3A_354 = arith.constant 0 : i32
          %dma_wait3A_355 = arith.constant 0 : i32
          %dma_wait3A_356 = tpu.memref_slice %arg12[%dma_wait3A_354, %dma_wait3A_355] : memref<5000x128xf32, #tpu.memory_space<vmem_shared>> -> memref<5000x128xf32, #tpu.memory_space<vmem_shared>>
          tpu.wait_indirect_dma semaphore(%arg28 : memref<!tpu.dma_semaphore, #tpu.memory_space<semaphore_mem>>) src(%arg18 : memref<80x128xf32, #tpu.memory_space<vmem>>) dst(%dma_wait3A_356 : memref<5000x128xf32, #tpu.memory_space<vmem_shared>>)
          %dma_wait3A_357 = arith.constant 0 : i32
          %dma_wait3A_358 = arith.constant 1 : i32
          %dma_wait3A_359 = arith.constant 0 : i32
          %dma_wait3A_360 = tpu.memref_slice %arg10[%dma_wait3A_357, %dma_wait3A_358, %dma_wait3A_359] : memref<5x2x80xi32, #tpu.memory_space<vmem>> -> memref<1x1x80xi32, #tpu.memory_space<vmem>>
          %dma_wait3A_361 = tpu.memref_squeeze %dma_wait3A_360 : memref<1x1x80xi32, #tpu.memory_space<vmem>> -> memref<80xi32, #tpu.memory_space<vmem>>
          %dma_wait3A_362 = arith.constant 0 : i32
          %dma_wait3A_363 = arith.constant 0 : i32
          %dma_wait3A_364 = tpu.memref_slice %arg13[%dma_wait3A_362, %dma_wait3A_363] : memref<5000x16xf32, #tpu.memory_space<vmem_shared>> -> memref<5000x16xf32, #tpu.memory_space<vmem_shared>>
          tpu.wait_indirect_dma semaphore(%arg33 : memref<!tpu.dma_semaphore, #tpu.memory_space<semaphore_mem>>) src(%arg11 : memref<80x16xf32, #tpu.memory_space<vmem>>) dst(%dma_wait3A_364 : memref<5000x16xf32, #tpu.memory_space<vmem_shared>>)
        } else {
        }
        %dma_start3A_214 = arith.constant 4 : i32
        %dma_start3A_215 = arith.constant 0 : i32
        %dma_start3A_216 = arith.constant 0 : i32
        %dma_start3A_217 = tpu.memref_slice %arg10[%dma_start3A_214, %dma_start3A_215, %dma_start3A_216] : memref<5x2x80xi32, #tpu.memory_space<vmem>> -> memref<1x1x80xi32, #tpu.memory_space<vmem>>
        %dma_start3A_218 = tpu.memref_squeeze %dma_start3A_217 : memref<1x1x80xi32, #tpu.memory_space<vmem>> -> memref<80xi32, #tpu.memory_space<vmem>>
        %dma_start3A_219 = arith.constant 0 : i32
        %dma_start3A_220 = arith.constant 0 : i32
        %dma_start3A_221 = tpu.memref_slice %arg2[%dma_start3A_219, %dma_start3A_220] : memref<10000x128xf32, #tpu.memory_space<hbm>> -> memref<10000x128xf32, #tpu.memory_space<hbm>>
        tpu.enqueue_indirect_dma source(%dma_start3A_221 : memref<10000x128xf32, #tpu.memory_space<hbm>>) target(%arg18 : memref<80x128xf32, #tpu.memory_space<vmem>>) offsets(%dma_start3A_218 : memref<80xi32, #tpu.memory_space<vmem>>) semaphore(%arg23 : memref<!tpu.dma_semaphore, #tpu.memory_space<semaphore_mem>>)
        %add3A_222 = arith.constant 1 : i32
        %add3A_223 = arith.addi %scan3A_111, %add3A_222 : i32
        %lt3A_224 = arith.constant 25 : i32
        %lt3A_225 = arith.cmpi slt, %add3A_223, %lt3A_224 : i32
        %convert_element_type3A_226 = arith.extui %lt3A_225 : i1 to i32
        %cond3A_227 = arith.constant 0 : i32
        %cond3A_228 = arith.cmpi ne, %convert_element_type3A_226, %cond3A_227 : i32
        scf.if %cond3A_228 {
          %add3A_349 = arith.constant 1 : i32
          %add3A_350 = arith.addi %scan3A_111, %add3A_349 : i32
          %mul3A_351 = arith.constant 5 : i32
          %mul3A_352 = arith.muli %add3A_350, %mul3A_351 : i32
          %dma_start3A_353 = arith.constant 0 : i32
          %dma_start3A_354 = arith.constant 0 : i32
          %dma_start3A_355 = tpu.memref_slice %arg3[%add3A, %mul3A_352, %dma_start3A_353, %dma_start3A_354] : memref<32x125x2x80xi32, #tpu.memory_space<hbm>> -> memref<1x5x2x80xi32, #tpu.memory_space<hbm>>
          %dma_start3A_356 = tpu.memref_squeeze %dma_start3A_355 : memref<1x5x2x80xi32, #tpu.memory_space<hbm>> -> memref<5x2x80xi32, #tpu.memory_space<hbm>>
          %dma_start3A_357 = arith.constant 0 : i32
          %dma_start3A_358 = arith.constant 0 : i32
          %dma_start3A_359 = tpu.memref_slice %arg3[%add3A, %mul3A_352, %dma_start3A_357, %dma_start3A_358] : memref<32x125x2x80xi32, #tpu.memory_space<hbm>> -> memref<1x5x2x80xi32, #tpu.memory_space<hbm>>
          %dma_start3A_360 = tpu.memref_squeeze %dma_start3A_359 : memref<1x5x2x80xi32, #tpu.memory_space<hbm>> -> memref<5x2x80xi32, #tpu.memory_space<hbm>>
          tpu.enqueue_dma source(%dma_start3A_360 : memref<5x2x80xi32, #tpu.memory_space<hbm>>) target(%arg9 : memref<5x2x80xi32, #tpu.memory_space<vmem>>) target_semaphore(%arg34 : memref<!tpu.dma_semaphore, #tpu.memory_space<semaphore_mem>>)
        } else {
        }
        %dma_wait3A_229 = arith.constant 0 : i32
        %dma_wait3A_230 = arith.constant 0 : i32
        %dma_wait3A_231 = arith.constant 0 : i32
        %dma_wait3A_232 = tpu.memref_slice %arg10[%dma_wait3A_229, %dma_wait3A_230, %dma_wait3A_231] : memref<5x2x80xi32, #tpu.memory_space<vmem>> -> memref<1x1x80xi32, #tpu.memory_space<vmem>>
        %dma_wait3A_233 = tpu.memref_squeeze %dma_wait3A_232 : memref<1x1x80xi32, #tpu.memory_space<vmem>> -> memref<80xi32, #tpu.memory_space<vmem>>
        %dma_wait3A_234 = arith.constant 0 : i32
        %dma_wait3A_235 = arith.constant 0 : i32
        %dma_wait3A_236 = tpu.memref_slice %arg2[%dma_wait3A_234, %dma_wait3A_235] : memref<10000x128xf32, #tpu.memory_space<hbm>> -> memref<10000x128xf32, #tpu.memory_space<hbm>>
        tpu.wait_indirect_dma semaphore(%arg19 : memref<!tpu.dma_semaphore, #tpu.memory_space<semaphore_mem>>) src(%dma_wait3A_236 : memref<10000x128xf32, #tpu.memory_space<hbm>>) dst(%arg14 : memref<80x128xf32, #tpu.memory_space<vmem>>)
        %dma_start3A_237 = arith.constant 0 : i32
        %dma_start3A_238 = arith.constant 1 : i32
        %dma_start3A_239 = arith.constant 0 : i32
        %dma_start3A_240 = tpu.memref_slice %arg10[%dma_start3A_237, %dma_start3A_238, %dma_start3A_239] : memref<5x2x80xi32, #tpu.memory_space<vmem>> -> memref<1x1x80xi32, #tpu.memory_space<vmem>>
        %dma_start3A_241 = tpu.memref_squeeze %dma_start3A_240 : memref<1x1x80xi32, #tpu.memory_space<vmem>> -> memref<80xi32, #tpu.memory_space<vmem>>
        %dma_start3A_242 = arith.constant 0 : i32
        %dma_start3A_243 = arith.constant 0 : i32
        %dma_start3A_244 = tpu.memref_slice %arg12[%dma_start3A_242, %dma_start3A_243] : memref<5000x128xf32, #tpu.memory_space<vmem_shared>> -> memref<5000x128xf32, #tpu.memory_space<vmem_shared>>
        tpu.enqueue_indirect_dma source(%arg14 : memref<80x128xf32, #tpu.memory_space<vmem>>) target(%dma_start3A_244 : memref<5000x128xf32, #tpu.memory_space<vmem_shared>>) offsets(%dma_start3A_241 : memref<80xi32, #tpu.memory_space<vmem>>) semaphore(%arg24 : memref<!tpu.dma_semaphore, #tpu.memory_space<semaphore_mem>>) {add = true}
        %dma_start3A_245 = arith.constant 0 : i32
        %dma_start3A_246 = arith.constant 1 : i32
        %dma_start3A_247 = arith.constant 0 : i32
        %dma_start3A_248 = tpu.memref_slice %arg10[%dma_start3A_245, %dma_start3A_246, %dma_start3A_247] : memref<5x2x80xi32, #tpu.memory_space<vmem>> -> memref<1x1x80xi32, #tpu.memory_space<vmem>>
        %dma_start3A_249 = tpu.memref_squeeze %dma_start3A_248 : memref<1x1x80xi32, #tpu.memory_space<vmem>> -> memref<80xi32, #tpu.memory_space<vmem>>
        %dma_start3A_250 = arith.constant 0 : i32
        %dma_start3A_251 = arith.constant 0 : i32
        %dma_start3A_252 = tpu.memref_slice %arg13[%dma_start3A_250, %dma_start3A_251] : memref<5000x16xf32, #tpu.memory_space<vmem_shared>> -> memref<5000x16xf32, #tpu.memory_space<vmem_shared>>
        tpu.enqueue_indirect_dma source(%arg11 : memref<80x16xf32, #tpu.memory_space<vmem>>) target(%dma_start3A_252 : memref<5000x16xf32, #tpu.memory_space<vmem_shared>>) offsets(%dma_start3A_249 : memref<80xi32, #tpu.memory_space<vmem>>) semaphore(%arg29 : memref<!tpu.dma_semaphore, #tpu.memory_space<semaphore_mem>>) {add = true}
        %dma_wait3A_253 = arith.constant 1 : i32
        %dma_wait3A_254 = arith.constant 0 : i32
        %dma_wait3A_255 = arith.constant 0 : i32
        %dma_wait3A_256 = tpu.memref_slice %arg10[%dma_wait3A_253, %dma_wait3A_254, %dma_wait3A_255] : memref<5x2x80xi32, #tpu.memory_space<vmem>> -> memref<1x1x80xi32, #tpu.memory_space<vmem>>
        %dma_wait3A_257 = tpu.memref_squeeze %dma_wait3A_256 : memref<1x1x80xi32, #tpu.memory_space<vmem>> -> memref<80xi32, #tpu.memory_space<vmem>>
        %dma_wait3A_258 = arith.constant 0 : i32
        %dma_wait3A_259 = arith.constant 0 : i32
        %dma_wait3A_260 = tpu.memref_slice %arg2[%dma_wait3A_258, %dma_wait3A_259] : memref<10000x128xf32, #tpu.memory_space<hbm>> -> memref<10000x128xf32, #tpu.memory_space<hbm>>
        tpu.wait_indirect_dma semaphore(%arg20 : memref<!tpu.dma_semaphore, #tpu.memory_space<semaphore_mem>>) src(%dma_wait3A_260 : memref<10000x128xf32, #tpu.memory_space<hbm>>) dst(%arg15 : memref<80x128xf32, #tpu.memory_space<vmem>>)
        %dma_start3A_261 = arith.constant 1 : i32
        %dma_start3A_262 = arith.constant 1 : i32
        %dma_start3A_263 = arith.constant 0 : i32
        %dma_start3A_264 = tpu.memref_slice %arg10[%dma_start3A_261, %dma_start3A_262, %dma_start3A_263] : memref<5x2x80xi32, #tpu.memory_space<vmem>> -> memref<1x1x80xi32, #tpu.memory_space<vmem>>
        %dma_start3A_265 = tpu.memref_squeeze %dma_start3A_264 : memref<1x1x80xi32, #tpu.memory_space<vmem>> -> memref<80xi32, #tpu.memory_space<vmem>>
        %dma_start3A_266 = arith.constant 0 : i32
        %dma_start3A_267 = arith.constant 0 : i32
        %dma_start3A_268 = tpu.memref_slice %arg12[%dma_start3A_266, %dma_start3A_267] : memref<5000x128xf32, #tpu.memory_space<vmem_shared>> -> memref<5000x128xf32, #tpu.memory_space<vmem_shared>>
        tpu.enqueue_indirect_dma source(%arg15 : memref<80x128xf32, #tpu.memory_space<vmem>>) target(%dma_start3A_268 : memref<5000x128xf32, #tpu.memory_space<vmem_shared>>) offsets(%dma_start3A_265 : memref<80xi32, #tpu.memory_space<vmem>>) semaphore(%arg25 : memref<!tpu.dma_semaphore, #tpu.memory_space<semaphore_mem>>) {add = true}
        %dma_start3A_269 = arith.constant 1 : i32
        %dma_start3A_270 = arith.constant 1 : i32
        %dma_start3A_271 = arith.constant 0 : i32
        %dma_start3A_272 = tpu.memref_slice %arg10[%dma_start3A_269, %dma_start3A_270, %dma_start3A_271] : memref<5x2x80xi32, #tpu.memory_space<vmem>> -> memref<1x1x80xi32, #tpu.memory_space<vmem>>
        %dma_start3A_273 = tpu.memref_squeeze %dma_start3A_272 : memref<1x1x80xi32, #tpu.memory_space<vmem>> -> memref<80xi32, #tpu.memory_space<vmem>>
        %dma_start3A_274 = arith.constant 0 : i32
        %dma_start3A_275 = arith.constant 0 : i32
        %dma_start3A_276 = tpu.memref_slice %arg13[%dma_start3A_274, %dma_start3A_275] : memref<5000x16xf32, #tpu.memory_space<vmem_shared>> -> memref<5000x16xf32, #tpu.memory_space<vmem_shared>>
        tpu.enqueue_indirect_dma source(%arg11 : memref<80x16xf32, #tpu.memory_space<vmem>>) target(%dma_start3A_276 : memref<5000x16xf32, #tpu.memory_space<vmem_shared>>) offsets(%dma_start3A_273 : memref<80xi32, #tpu.memory_space<vmem>>) semaphore(%arg30 : memref<!tpu.dma_semaphore, #tpu.memory_space<semaphore_mem>>) {add = true}
        %dma_wait3A_277 = arith.constant 2 : i32
        %dma_wait3A_278 = arith.constant 0 : i32
        %dma_wait3A_279 = arith.constant 0 : i32
        %dma_wait3A_280 = tpu.memref_slice %arg10[%dma_wait3A_277, %dma_wait3A_278, %dma_wait3A_279] : memref<5x2x80xi32, #tpu.memory_space<vmem>> -> memref<1x1x80xi32, #tpu.memory_space<vmem>>
        %dma_wait3A_281 = tpu.memref_squeeze %dma_wait3A_280 : memref<1x1x80xi32, #tpu.memory_space<vmem>> -> memref<80xi32, #tpu.memory_space<vmem>>
        %dma_wait3A_282 = arith.constant 0 : i32
        %dma_wait3A_283 = arith.constant 0 : i32
        %dma_wait3A_284 = tpu.memref_slice %arg2[%dma_wait3A_282, %dma_wait3A_283] : memref<10000x128xf32, #tpu.memory_space<hbm>> -> memref<10000x128xf32, #tpu.memory_space<hbm>>
        tpu.wait_indirect_dma semaphore(%arg21 : memref<!tpu.dma_semaphore, #tpu.memory_space<semaphore_mem>>) src(%dma_wait3A_284 : memref<10000x128xf32, #tpu.memory_space<hbm>>) dst(%arg16 : memref<80x128xf32, #tpu.memory_space<vmem>>)
        %dma_start3A_285 = arith.constant 2 : i32
        %dma_start3A_286 = arith.constant 1 : i32
        %dma_start3A_287 = arith.constant 0 : i32
        %dma_start3A_288 = tpu.memref_slice %arg10[%dma_start3A_285, %dma_start3A_286, %dma_start3A_287] : memref<5x2x80xi32, #tpu.memory_space<vmem>> -> memref<1x1x80xi32, #tpu.memory_space<vmem>>
        %dma_start3A_289 = tpu.memref_squeeze %dma_start3A_288 : memref<1x1x80xi32, #tpu.memory_space<vmem>> -> memref<80xi32, #tpu.memory_space<vmem>>
        %dma_start3A_290 = arith.constant 0 : i32
        %dma_start3A_291 = arith.constant 0 : i32
        %dma_start3A_292 = tpu.memref_slice %arg12[%dma_start3A_290, %dma_start3A_291] : memref<5000x128xf32, #tpu.memory_space<vmem_shared>> -> memref<5000x128xf32, #tpu.memory_space<vmem_shared>>
        tpu.enqueue_indirect_dma source(%arg16 : memref<80x128xf32, #tpu.memory_space<vmem>>) target(%dma_start3A_292 : memref<5000x128xf32, #tpu.memory_space<vmem_shared>>) offsets(%dma_start3A_289 : memref<80xi32, #tpu.memory_space<vmem>>) semaphore(%arg26 : memref<!tpu.dma_semaphore, #tpu.memory_space<semaphore_mem>>) {add = true}
        %dma_start3A_293 = arith.constant 2 : i32
        %dma_start3A_294 = arith.constant 1 : i32
        %dma_start3A_295 = arith.constant 0 : i32
        %dma_start3A_296 = tpu.memref_slice %arg10[%dma_start3A_293, %dma_start3A_294, %dma_start3A_295] : memref<5x2x80xi32, #tpu.memory_space<vmem>> -> memref<1x1x80xi32, #tpu.memory_space<vmem>>
        %dma_start3A_297 = tpu.memref_squeeze %dma_start3A_296 : memref<1x1x80xi32, #tpu.memory_space<vmem>> -> memref<80xi32, #tpu.memory_space<vmem>>
        %dma_start3A_298 = arith.constant 0 : i32
        %dma_start3A_299 = arith.constant 0 : i32
        %dma_start3A_300 = tpu.memref_slice %arg13[%dma_start3A_298, %dma_start3A_299] : memref<5000x16xf32, #tpu.memory_space<vmem_shared>> -> memref<5000x16xf32, #tpu.memory_space<vmem_shared>>
        tpu.enqueue_indirect_dma source(%arg11 : memref<80x16xf32, #tpu.memory_space<vmem>>) target(%dma_start3A_300 : memref<5000x16xf32, #tpu.memory_space<vmem_shared>>) offsets(%dma_start3A_297 : memref<80xi32, #tpu.memory_space<vmem>>) semaphore(%arg31 : memref<!tpu.dma_semaphore, #tpu.memory_space<semaphore_mem>>) {add = true}
        %dma_wait3A_301 = arith.constant 3 : i32
        %dma_wait3A_302 = arith.constant 0 : i32
        %dma_wait3A_303 = arith.constant 0 : i32
        %dma_wait3A_304 = tpu.memref_slice %arg10[%dma_wait3A_301, %dma_wait3A_302, %dma_wait3A_303] : memref<5x2x80xi32, #tpu.memory_space<vmem>> -> memref<1x1x80xi32, #tpu.memory_space<vmem>>
        %dma_wait3A_305 = tpu.memref_squeeze %dma_wait3A_304 : memref<1x1x80xi32, #tpu.memory_space<vmem>> -> memref<80xi32, #tpu.memory_space<vmem>>
        %dma_wait3A_306 = arith.constant 0 : i32
        %dma_wait3A_307 = arith.constant 0 : i32
        %dma_wait3A_308 = tpu.memref_slice %arg2[%dma_wait3A_306, %dma_wait3A_307] : memref<10000x128xf32, #tpu.memory_space<hbm>> -> memref<10000x128xf32, #tpu.memory_space<hbm>>
        tpu.wait_indirect_dma semaphore(%arg22 : memref<!tpu.dma_semaphore, #tpu.memory_space<semaphore_mem>>) src(%dma_wait3A_308 : memref<10000x128xf32, #tpu.memory_space<hbm>>) dst(%arg17 : memref<80x128xf32, #tpu.memory_space<vmem>>)
        %dma_start3A_309 = arith.constant 3 : i32
        %dma_start3A_310 = arith.constant 1 : i32
        %dma_start3A_311 = arith.constant 0 : i32
        %dma_start3A_312 = tpu.memref_slice %arg10[%dma_start3A_309, %dma_start3A_310, %dma_start3A_311] : memref<5x2x80xi32, #tpu.memory_space<vmem>> -> memref<1x1x80xi32, #tpu.memory_space<vmem>>
        %dma_start3A_313 = tpu.memref_squeeze %dma_start3A_312 : memref<1x1x80xi32, #tpu.memory_space<vmem>> -> memref<80xi32, #tpu.memory_space<vmem>>
        %dma_start3A_314 = arith.constant 0 : i32
        %dma_start3A_315 = arith.constant 0 : i32
        %dma_start3A_316 = tpu.memref_slice %arg12[%dma_start3A_314, %dma_start3A_315] : memref<5000x128xf32, #tpu.memory_space<vmem_shared>> -> memref<5000x128xf32, #tpu.memory_space<vmem_shared>>
        tpu.enqueue_indirect_dma source(%arg17 : memref<80x128xf32, #tpu.memory_space<vmem>>) target(%dma_start3A_316 : memref<5000x128xf32, #tpu.memory_space<vmem_shared>>) offsets(%dma_start3A_313 : memref<80xi32, #tpu.memory_space<vmem>>) semaphore(%arg27 : memref<!tpu.dma_semaphore, #tpu.memory_space<semaphore_mem>>) {add = true}
        %dma_start3A_317 = arith.constant 3 : i32
        %dma_start3A_318 = arith.constant 1 : i32
        %dma_start3A_319 = arith.constant 0 : i32
        %dma_start3A_320 = tpu.memref_slice %arg10[%dma_start3A_317, %dma_start3A_318, %dma_start3A_319] : memref<5x2x80xi32, #tpu.memory_space<vmem>> -> memref<1x1x80xi32, #tpu.memory_space<vmem>>
        %dma_start3A_321 = tpu.memref_squeeze %dma_start3A_320 : memref<1x1x80xi32, #tpu.memory_space<vmem>> -> memref<80xi32, #tpu.memory_space<vmem>>
        %dma_start3A_322 = arith.constant 0 : i32
        %dma_start3A_323 = arith.constant 0 : i32
        %dma_start3A_324 = tpu.memref_slice %arg13[%dma_start3A_322, %dma_start3A_323] : memref<5000x16xf32, #tpu.memory_space<vmem_shared>> -> memref<5000x16xf32, #tpu.memory_space<vmem_shared>>
        tpu.enqueue_indirect_dma source(%arg11 : memref<80x16xf32, #tpu.memory_space<vmem>>) target(%dma_start3A_324 : memref<5000x16xf32, #tpu.memory_space<vmem_shared>>) offsets(%dma_start3A_321 : memref<80xi32, #tpu.memory_space<vmem>>) semaphore(%arg32 : memref<!tpu.dma_semaphore, #tpu.memory_space<semaphore_mem>>) {add = true}
        %dma_wait3A_325 = arith.constant 4 : i32
        %dma_wait3A_326 = arith.constant 0 : i32
        %dma_wait3A_327 = arith.constant 0 : i32
        %dma_wait3A_328 = tpu.memref_slice %arg10[%dma_wait3A_325, %dma_wait3A_326, %dma_wait3A_327] : memref<5x2x80xi32, #tpu.memory_space<vmem>> -> memref<1x1x80xi32, #tpu.memory_space<vmem>>
        %dma_wait3A_329 = tpu.memref_squeeze %dma_wait3A_328 : memref<1x1x80xi32, #tpu.memory_space<vmem>> -> memref<80xi32, #tpu.memory_space<vmem>>
        %dma_wait3A_330 = arith.constant 0 : i32
        %dma_wait3A_331 = arith.constant 0 : i32
        %dma_wait3A_332 = tpu.memref_slice %arg2[%dma_wait3A_330, %dma_wait3A_331] : memref<10000x128xf32, #tpu.memory_space<hbm>> -> memref<10000x128xf32, #tpu.memory_space<hbm>>
        tpu.wait_indirect_dma semaphore(%arg23 : memref<!tpu.dma_semaphore, #tpu.memory_space<semaphore_mem>>) src(%dma_wait3A_332 : memref<10000x128xf32, #tpu.memory_space<hbm>>) dst(%arg18 : memref<80x128xf32, #tpu.memory_space<vmem>>)
        %dma_start3A_333 = arith.constant 4 : i32
        %dma_start3A_334 = arith.constant 1 : i32
        %dma_start3A_335 = arith.constant 0 : i32
        %dma_start3A_336 = tpu.memref_slice %arg10[%dma_start3A_333, %dma_start3A_334, %dma_start3A_335] : memref<5x2x80xi32, #tpu.memory_space<vmem>> -> memref<1x1x80xi32, #tpu.memory_space<vmem>>
        %dma_start3A_337 = tpu.memref_squeeze %dma_start3A_336 : memref<1x1x80xi32, #tpu.memory_space<vmem>> -> memref<80xi32, #tpu.memory_space<vmem>>
        %dma_start3A_338 = arith.constant 0 : i32
        %dma_start3A_339 = arith.constant 0 : i32
        %dma_start3A_340 = tpu.memref_slice %arg12[%dma_start3A_338, %dma_start3A_339] : memref<5000x128xf32, #tpu.memory_space<vmem_shared>> -> memref<5000x128xf32, #tpu.memory_space<vmem_shared>>
        tpu.enqueue_indirect_dma source(%arg18 : memref<80x128xf32, #tpu.memory_space<vmem>>) target(%dma_start3A_340 : memref<5000x128xf32, #tpu.memory_space<vmem_shared>>) offsets(%dma_start3A_337 : memref<80xi32, #tpu.memory_space<vmem>>) semaphore(%arg28 : memref<!tpu.dma_semaphore, #tpu.memory_space<semaphore_mem>>) {add = true}
        %dma_start3A_341 = arith.constant 4 : i32
        %dma_start3A_342 = arith.constant 1 : i32
        %dma_start3A_343 = arith.constant 0 : i32
        %dma_start3A_344 = tpu.memref_slice %arg10[%dma_start3A_341, %dma_start3A_342, %dma_start3A_343] : memref<5x2x80xi32, #tpu.memory_space<vmem>> -> memref<1x1x80xi32, #tpu.memory_space<vmem>>
        %dma_start3A_345 = tpu.memref_squeeze %dma_start3A_344 : memref<1x1x80xi32, #tpu.memory_space<vmem>> -> memref<80xi32, #tpu.memory_space<vmem>>
        %dma_start3A_346 = arith.constant 0 : i32
        %dma_start3A_347 = arith.constant 0 : i32
        %dma_start3A_348 = tpu.memref_slice %arg13[%dma_start3A_346, %dma_start3A_347] : memref<5000x16xf32, #tpu.memory_space<vmem_shared>> -> memref<5000x16xf32, #tpu.memory_space<vmem_shared>>
        tpu.enqueue_indirect_dma source(%arg11 : memref<80x16xf32, #tpu.memory_space<vmem>>) target(%dma_start3A_348 : memref<5000x16xf32, #tpu.memory_space<vmem_shared>>) offsets(%dma_start3A_345 : memref<80xi32, #tpu.memory_space<vmem>>) semaphore(%arg33 : memref<!tpu.dma_semaphore, #tpu.memory_space<semaphore_mem>>) {add = true}
      } else {
      }
    }
    %scan3A_20 = arith.constant 25 : i32
    %dma_wait3A = arith.constant 0 : i32
    %dma_wait3A_21 = arith.constant 1 : i32
    %dma_wait3A_22 = arith.constant 0 : i32
    %dma_wait3A_23 = tpu.memref_slice %arg9[%dma_wait3A, %dma_wait3A_21, %dma_wait3A_22] : memref<5x2x80xi32, #tpu.memory_space<vmem>> -> memref<1x1x80xi32, #tpu.memory_space<vmem>>
    %dma_wait3A_24 = tpu.memref_squeeze %dma_wait3A_23 : memref<1x1x80xi32, #tpu.memory_space<vmem>> -> memref<80xi32, #tpu.memory_space<vmem>>
    %dma_wait3A_25 = arith.constant 0 : i32
    %dma_wait3A_26 = arith.constant 0 : i32
    %dma_wait3A_27 = tpu.memref_slice %arg12[%dma_wait3A_25, %dma_wait3A_26] : memref<5000x128xf32, #tpu.memory_space<vmem_shared>> -> memref<5000x128xf32, #tpu.memory_space<vmem_shared>>
    tpu.wait_indirect_dma semaphore(%arg24 : memref<!tpu.dma_semaphore, #tpu.memory_space<semaphore_mem>>) src(%arg14 : memref<80x128xf32, #tpu.memory_space<vmem>>) dst(%dma_wait3A_27 : memref<5000x128xf32, #tpu.memory_space<vmem_shared>>)
    %dma_wait3A_28 = arith.constant 0 : i32
    %dma_wait3A_29 = arith.constant 1 : i32
    %dma_wait3A_30 = arith.constant 0 : i32
    %dma_wait3A_31 = tpu.memref_slice %arg9[%dma_wait3A_28, %dma_wait3A_29, %dma_wait3A_30] : memref<5x2x80xi32, #tpu.memory_space<vmem>> -> memref<1x1x80xi32, #tpu.memory_space<vmem>>
    %dma_wait3A_32 = tpu.memref_squeeze %dma_wait3A_31 : memref<1x1x80xi32, #tpu.memory_space<vmem>> -> memref<80xi32, #tpu.memory_space<vmem>>
    %dma_wait3A_33 = arith.constant 0 : i32
    %dma_wait3A_34 = arith.constant 0 : i32
    %dma_wait3A_35 = tpu.memref_slice %arg13[%dma_wait3A_33, %dma_wait3A_34] : memref<5000x16xf32, #tpu.memory_space<vmem_shared>> -> memref<5000x16xf32, #tpu.memory_space<vmem_shared>>
    tpu.wait_indirect_dma semaphore(%arg29 : memref<!tpu.dma_semaphore, #tpu.memory_space<semaphore_mem>>) src(%arg11 : memref<80x16xf32, #tpu.memory_space<vmem>>) dst(%dma_wait3A_35 : memref<5000x16xf32, #tpu.memory_space<vmem_shared>>)
    %dma_wait3A_36 = arith.constant 0 : i32
    %dma_wait3A_37 = arith.constant 1 : i32
    %dma_wait3A_38 = arith.constant 0 : i32
    %dma_wait3A_39 = tpu.memref_slice %arg9[%dma_wait3A_36, %dma_wait3A_37, %dma_wait3A_38] : memref<5x2x80xi32, #tpu.memory_space<vmem>> -> memref<1x1x80xi32, #tpu.memory_space<vmem>>
    %dma_wait3A_40 = tpu.memref_squeeze %dma_wait3A_39 : memref<1x1x80xi32, #tpu.memory_space<vmem>> -> memref<80xi32, #tpu.memory_space<vmem>>
    %dma_wait3A_41 = arith.constant 0 : i32
    %dma_wait3A_42 = arith.constant 0 : i32
    %dma_wait3A_43 = tpu.memref_slice %arg12[%dma_wait3A_41, %dma_wait3A_42] : memref<5000x128xf32, #tpu.memory_space<vmem_shared>> -> memref<5000x128xf32, #tpu.memory_space<vmem_shared>>
    tpu.wait_indirect_dma semaphore(%arg25 : memref<!tpu.dma_semaphore, #tpu.memory_space<semaphore_mem>>) src(%arg15 : memref<80x128xf32, #tpu.memory_space<vmem>>) dst(%dma_wait3A_43 : memref<5000x128xf32, #tpu.memory_space<vmem_shared>>)
    %dma_wait3A_44 = arith.constant 0 : i32
    %dma_wait3A_45 = arith.constant 1 : i32
    %dma_wait3A_46 = arith.constant 0 : i32
    %dma_wait3A_47 = tpu.memref_slice %arg9[%dma_wait3A_44, %dma_wait3A_45, %dma_wait3A_46] : memref<5x2x80xi32, #tpu.memory_space<vmem>> -> memref<1x1x80xi32, #tpu.memory_space<vmem>>
    %dma_wait3A_48 = tpu.memref_squeeze %dma_wait3A_47 : memref<1x1x80xi32, #tpu.memory_space<vmem>> -> memref<80xi32, #tpu.memory_space<vmem>>
    %dma_wait3A_49 = arith.constant 0 : i32
    %dma_wait3A_50 = arith.constant 0 : i32
    %dma_wait3A_51 = tpu.memref_slice %arg13[%dma_wait3A_49, %dma_wait3A_50] : memref<5000x16xf32, #tpu.memory_space<vmem_shared>> -> memref<5000x16xf32, #tpu.memory_space<vmem_shared>>
    tpu.wait_indirect_dma semaphore(%arg30 : memref<!tpu.dma_semaphore, #tpu.memory_space<semaphore_mem>>) src(%arg11 : memref<80x16xf32, #tpu.memory_space<vmem>>) dst(%dma_wait3A_51 : memref<5000x16xf32, #tpu.memory_space<vmem_shared>>)
    %dma_wait3A_52 = arith.constant 0 : i32
    %dma_wait3A_53 = arith.constant 1 : i32
    %dma_wait3A_54 = arith.constant 0 : i32
    %dma_wait3A_55 = tpu.memref_slice %arg9[%dma_wait3A_52, %dma_wait3A_53, %dma_wait3A_54] : memref<5x2x80xi32, #tpu.memory_space<vmem>> -> memref<1x1x80xi32, #tpu.memory_space<vmem>>
    %dma_wait3A_56 = tpu.memref_squeeze %dma_wait3A_55 : memref<1x1x80xi32, #tpu.memory_space<vmem>> -> memref<80xi32, #tpu.memory_space<vmem>>
    %dma_wait3A_57 = arith.constant 0 : i32
    %dma_wait3A_58 = arith.constant 0 : i32
    %dma_wait3A_59 = tpu.memref_slice %arg12[%dma_wait3A_57, %dma_wait3A_58] : memref<5000x128xf32, #tpu.memory_space<vmem_shared>> -> memref<5000x128xf32, #tpu.memory_space<vmem_shared>>
    tpu.wait_indirect_dma semaphore(%arg26 : memref<!tpu.dma_semaphore, #tpu.memory_space<semaphore_mem>>) src(%arg16 : memref<80x128xf32, #tpu.memory_space<vmem>>) dst(%dma_wait3A_59 : memref<5000x128xf32, #tpu.memory_space<vmem_shared>>)
    %dma_wait3A_60 = arith.constant 0 : i32
    %dma_wait3A_61 = arith.constant 1 : i32
    %dma_wait3A_62 = arith.constant 0 : i32
    %dma_wait3A_63 = tpu.memref_slice %arg9[%dma_wait3A_60, %dma_wait3A_61, %dma_wait3A_62] : memref<5x2x80xi32, #tpu.memory_space<vmem>> -> memref<1x1x80xi32, #tpu.memory_space<vmem>>
    %dma_wait3A_64 = tpu.memref_squeeze %dma_wait3A_63 : memref<1x1x80xi32, #tpu.memory_space<vmem>> -> memref<80xi32, #tpu.memory_space<vmem>>
    %dma_wait3A_65 = arith.constant 0 : i32
    %dma_wait3A_66 = arith.constant 0 : i32
    %dma_wait3A_67 = tpu.memref_slice %arg13[%dma_wait3A_65, %dma_wait3A_66] : memref<5000x16xf32, #tpu.memory_space<vmem_shared>> -> memref<5000x16xf32, #tpu.memory_space<vmem_shared>>
    tpu.wait_indirect_dma semaphore(%arg31 : memref<!tpu.dma_semaphore, #tpu.memory_space<semaphore_mem>>) src(%arg11 : memref<80x16xf32, #tpu.memory_space<vmem>>) dst(%dma_wait3A_67 : memref<5000x16xf32, #tpu.memory_space<vmem_shared>>)
    %dma_wait3A_68 = arith.constant 0 : i32
    %dma_wait3A_69 = arith.constant 1 : i32
    %dma_wait3A_70 = arith.constant 0 : i32
    %dma_wait3A_71 = tpu.memref_slice %arg9[%dma_wait3A_68, %dma_wait3A_69, %dma_wait3A_70] : memref<5x2x80xi32, #tpu.memory_space<vmem>> -> memref<1x1x80xi32, #tpu.memory_space<vmem>>
    %dma_wait3A_72 = tpu.memref_squeeze %dma_wait3A_71 : memref<1x1x80xi32, #tpu.memory_space<vmem>> -> memref<80xi32, #tpu.memory_space<vmem>>
    %dma_wait3A_73 = arith.constant 0 : i32
    %dma_wait3A_74 = arith.constant 0 : i32
    %dma_wait3A_75 = tpu.memref_slice %arg12[%dma_wait3A_73, %dma_wait3A_74] : memref<5000x128xf32, #tpu.memory_space<vmem_shared>> -> memref<5000x128xf32, #tpu.memory_space<vmem_shared>>
    tpu.wait_indirect_dma semaphore(%arg27 : memref<!tpu.dma_semaphore, #tpu.memory_space<semaphore_mem>>) src(%arg17 : memref<80x128xf32, #tpu.memory_space<vmem>>) dst(%dma_wait3A_75 : memref<5000x128xf32, #tpu.memory_space<vmem_shared>>)
    %dma_wait3A_76 = arith.constant 0 : i32
    %dma_wait3A_77 = arith.constant 1 : i32
    %dma_wait3A_78 = arith.constant 0 : i32
    %dma_wait3A_79 = tpu.memref_slice %arg9[%dma_wait3A_76, %dma_wait3A_77, %dma_wait3A_78] : memref<5x2x80xi32, #tpu.memory_space<vmem>> -> memref<1x1x80xi32, #tpu.memory_space<vmem>>
    %dma_wait3A_80 = tpu.memref_squeeze %dma_wait3A_79 : memref<1x1x80xi32, #tpu.memory_space<vmem>> -> memref<80xi32, #tpu.memory_space<vmem>>
    %dma_wait3A_81 = arith.constant 0 : i32
    %dma_wait3A_82 = arith.constant 0 : i32
    %dma_wait3A_83 = tpu.memref_slice %arg13[%dma_wait3A_81, %dma_wait3A_82] : memref<5000x16xf32, #tpu.memory_space<vmem_shared>> -> memref<5000x16xf32, #tpu.memory_space<vmem_shared>>
    tpu.wait_indirect_dma semaphore(%arg32 : memref<!tpu.dma_semaphore, #tpu.memory_space<semaphore_mem>>) src(%arg11 : memref<80x16xf32, #tpu.memory_space<vmem>>) dst(%dma_wait3A_83 : memref<5000x16xf32, #tpu.memory_space<vmem_shared>>)
    %dma_wait3A_84 = arith.constant 0 : i32
    %dma_wait3A_85 = arith.constant 1 : i32
    %dma_wait3A_86 = arith.constant 0 : i32
    %dma_wait3A_87 = tpu.memref_slice %arg9[%dma_wait3A_84, %dma_wait3A_85, %dma_wait3A_86] : memref<5x2x80xi32, #tpu.memory_space<vmem>> -> memref<1x1x80xi32, #tpu.memory_space<vmem>>
    %dma_wait3A_88 = tpu.memref_squeeze %dma_wait3A_87 : memref<1x1x80xi32, #tpu.memory_space<vmem>> -> memref<80xi32, #tpu.memory_space<vmem>>
    %dma_wait3A_89 = arith.constant 0 : i32
    %dma_wait3A_90 = arith.constant 0 : i32
    %dma_wait3A_91 = tpu.memref_slice %arg12[%dma_wait3A_89, %dma_wait3A_90] : memref<5000x128xf32, #tpu.memory_space<vmem_shared>> -> memref<5000x128xf32, #tpu.memory_space<vmem_shared>>
    tpu.wait_indirect_dma semaphore(%arg28 : memref<!tpu.dma_semaphore, #tpu.memory_space<semaphore_mem>>) src(%arg18 : memref<80x128xf32, #tpu.memory_space<vmem>>) dst(%dma_wait3A_91 : memref<5000x128xf32, #tpu.memory_space<vmem_shared>>)
    %dma_wait3A_92 = arith.constant 0 : i32
    %dma_wait3A_93 = arith.constant 1 : i32
    %dma_wait3A_94 = arith.constant 0 : i32
    %dma_wait3A_95 = tpu.memref_slice %arg9[%dma_wait3A_92, %dma_wait3A_93, %dma_wait3A_94] : memref<5x2x80xi32, #tpu.memory_space<vmem>> -> memref<1x1x80xi32, #tpu.memory_space<vmem>>
    %dma_wait3A_96 = tpu.memref_squeeze %dma_wait3A_95 : memref<1x1x80xi32, #tpu.memory_space<vmem>> -> memref<80xi32, #tpu.memory_space<vmem>>
    %dma_wait3A_97 = arith.constant 0 : i32
    %dma_wait3A_98 = arith.constant 0 : i32
    %dma_wait3A_99 = tpu.memref_slice %arg13[%dma_wait3A_97, %dma_wait3A_98] : memref<5000x16xf32, #tpu.memory_space<vmem_shared>> -> memref<5000x16xf32, #tpu.memory_space<vmem_shared>>
    tpu.wait_indirect_dma semaphore(%arg33 : memref<!tpu.dma_semaphore, #tpu.memory_space<semaphore_mem>>) src(%arg11 : memref<80x16xf32, #tpu.memory_space<vmem>>) dst(%dma_wait3A_99 : memref<5000x16xf32, #tpu.memory_space<vmem_shared>>)
    %barrier3A_100 = arith.constant 0 : index
    tpu.barrier barrier_id(%barrier3A_100)
    %lt3A_101 = arith.constant 8 : i32
    %lt3A_102 = arith.cmpi slt, %arg1, %lt3A_101 : i32
    %convert_element_type3A_103 = arith.extui %lt3A_102 : i1 to i32
    %cond3A_104 = arith.constant 0 : i32
    %cond3A_105 = arith.cmpi ne, %convert_element_type3A_103, %cond3A_104 : i32
    scf.if %cond3A_105 {
      %mul3A_111 = arith.constant 625 : i32
      %mul3A_112 = arith.muli %arg1, %mul3A_111 : i32
      %mul3A_113 = arith.constant 625 : i32
      %mul3A_114 = arith.muli %arg1, %mul3A_113 : i32
      "tpu.region"() ({
        %run_scoped3A = tpu.sem_alloc : memref<!tpu.dma_semaphore, #tpu.memory_space<semaphore_mem>>
        %dma_start3A_115 = arith.constant 0 : i32
        %dma_start3A_116 = tpu.memref_slice %arg7[%arg0, %mul3A_114, %dma_start3A_115] : memref<2x5000x128xf32, #tpu.memory_space<hbm>> -> memref<1x625x128xf32, #tpu.memory_space<hbm>>
        %dma_start3A_117 = tpu.memref_squeeze %dma_start3A_116 : memref<1x625x128xf32, #tpu.memory_space<hbm>> -> memref<625x128xf32, #tpu.memory_space<hbm>>
        %dma_start3A_118 = arith.constant 0 : i32
        %dma_start3A_119 = tpu.memref_slice %arg12[%mul3A_112, %dma_start3A_118] : memref<5000x128xf32, #tpu.memory_space<vmem_shared>> -> memref<625x128xf32, #tpu.memory_space<vmem_shared>>
        tpu.enqueue_dma source(%dma_start3A_119 : memref<625x128xf32, #tpu.memory_space<vmem_shared>>) target(%dma_start3A_117 : memref<625x128xf32, #tpu.memory_space<hbm>>) target_semaphore(%run_scoped3A : memref<!tpu.dma_semaphore, #tpu.memory_space<semaphore_mem>>)
        %dma_wait3A_120 = arith.constant 0 : i32
        %dma_wait3A_121 = tpu.memref_slice %arg7[%arg0, %mul3A_114, %dma_wait3A_120] : memref<2x5000x128xf32, #tpu.memory_space<hbm>> -> memref<1x625x128xf32, #tpu.memory_space<hbm>>
        %dma_wait3A_122 = tpu.memref_squeeze %dma_wait3A_121 : memref<1x625x128xf32, #tpu.memory_space<hbm>> -> memref<625x128xf32, #tpu.memory_space<hbm>>
        %dma_wait3A_123 = arith.constant 0 : i32
        %dma_wait3A_124 = tpu.memref_slice %arg12[%mul3A_112, %dma_wait3A_123] : memref<5000x128xf32, #tpu.memory_space<vmem_shared>> -> memref<625x128xf32, #tpu.memory_space<vmem_shared>>
        tpu.wait_dma2 semaphore(%run_scoped3A : memref<!tpu.dma_semaphore, #tpu.memory_space<semaphore_mem>>) src(%dma_wait3A_124 : memref<625x128xf32, #tpu.memory_space<vmem_shared>>) dst(%dma_wait3A_122 : memref<625x128xf32, #tpu.memory_space<hbm>>)
        tpu.yield
      }) : () -> ()
    } else {
    }
    %ge3A_106 = arith.constant 8 : i32
    %ge3A_107 = arith.cmpi sge, %arg1, %ge3A_106 : i32
    %convert_element_type3A_108 = arith.extui %ge3A_107 : i1 to i32
    %cond3A_109 = arith.constant 0 : i32
    %cond3A_110 = arith.cmpi ne, %convert_element_type3A_108, %cond3A_109 : i32
    scf.if %cond3A_110 {
      %sub3A = arith.constant 8 : i32
      %sub3A_111 = arith.subi %arg1, %sub3A : i32
      %mul3A_112 = arith.constant 625 : i32
      %mul3A_113 = arith.muli %sub3A_111, %mul3A_112 : i32
      %mul3A_114 = arith.constant 625 : i32
      %mul3A_115 = arith.muli %sub3A_111, %mul3A_114 : i32
      "tpu.region"() ({
        %run_scoped3A = tpu.sem_alloc : memref<!tpu.dma_semaphore, #tpu.memory_space<semaphore_mem>>
        %dma_start3A_116 = arith.constant 0 : i32
        %dma_start3A_117 = tpu.memref_slice %arg8[%arg0, %mul3A_115, %dma_start3A_116] : memref<2x5000x16xf32, #tpu.memory_space<hbm>> -> memref<1x625x16xf32, #tpu.memory_space<hbm>>
        %dma_start3A_118 = tpu.memref_squeeze %dma_start3A_117 : memref<1x625x16xf32, #tpu.memory_space<hbm>> -> memref<625x16xf32, #tpu.memory_space<hbm>>
        %dma_start3A_119 = arith.constant 0 : i32
        %dma_start3A_120 = tpu.memref_slice %arg13[%mul3A_113, %dma_start3A_119] : memref<5000x16xf32, #tpu.memory_space<vmem_shared>> -> memref<625x16xf32, #tpu.memory_space<vmem_shared>>
        tpu.enqueue_dma source(%dma_start3A_120 : memref<625x16xf32, #tpu.memory_space<vmem_shared>>) target(%dma_start3A_118 : memref<625x16xf32, #tpu.memory_space<hbm>>) target_semaphore(%run_scoped3A : memref<!tpu.dma_semaphore, #tpu.memory_space<semaphore_mem>>)
        %dma_wait3A_121 = arith.constant 0 : i32
        %dma_wait3A_122 = tpu.memref_slice %arg8[%arg0, %mul3A_115, %dma_wait3A_121] : memref<2x5000x16xf32, #tpu.memory_space<hbm>> -> memref<1x625x16xf32, #tpu.memory_space<hbm>>
        %dma_wait3A_123 = tpu.memref_squeeze %dma_wait3A_122 : memref<1x625x16xf32, #tpu.memory_space<hbm>> -> memref<625x16xf32, #tpu.memory_space<hbm>>
        %dma_wait3A_124 = arith.constant 0 : i32
        %dma_wait3A_125 = tpu.memref_slice %arg13[%mul3A_113, %dma_wait3A_124] : memref<5000x16xf32, #tpu.memory_space<vmem_shared>> -> memref<625x16xf32, #tpu.memory_space<vmem_shared>>
        tpu.wait_dma2 semaphore(%run_scoped3A : memref<!tpu.dma_semaphore, #tpu.memory_space<semaphore_mem>>) src(%dma_wait3A_125 : memref<625x16xf32, #tpu.memory_space<vmem_shared>>) dst(%dma_wait3A_123 : memref<625x16xf32, #tpu.memory_space<hbm>>)
        tpu.yield
      }) : () -> ()
    } else {
    }
    return
  }
}

#map = affine_map<(d0, d1) -> (0, 0)>
#map1 = affine_map<(d0, d1) -> (0, 0, 0, 0)>
#map2 = affine_map<(d0, d1) -> (0, 0, 0)>
module attributes {stable_mosaic.version = 14 : i64} {
  func.func @_d_body(%arg0: i32, %arg1: i32, %arg2: memref<5000x128xf32, #tpu.memory_space<hbm>>, %arg3: memref<5000x16xf32, #tpu.memory_space<hbm>>, %arg4: memref<32x125x2x80xi32, #tpu.memory_space<hbm>>, %arg5: memref<10000x128xf32, #tpu.memory_space<hbm>>, %arg6: memref<10000x16xf32, #tpu.memory_space<hbm>>, %arg7: memref<2x10000x128xf32, #tpu.memory_space<hbm>>, %arg8: memref<2x10000x16xf32, #tpu.memory_space<hbm>>, %arg9: memref<3x2x80xi32, #tpu.memory_space<vmem>>, %arg10: memref<3x2x80xi32, #tpu.memory_space<vmem>>, %arg11: memref<10000x128xf32, #tpu.memory_space<vmem_shared>>, %arg12: memref<10000x16xf32, #tpu.memory_space<vmem_shared>>, %arg13: memref<80x128xf32, #tpu.memory_space<vmem>>, %arg14: memref<80x128xf32, #tpu.memory_space<vmem>>, %arg15: memref<80x128xf32, #tpu.memory_space<vmem>>, %arg16: memref<80x16xf32, #tpu.memory_space<vmem>>, %arg17: memref<80x16xf32, #tpu.memory_space<vmem>>, %arg18: memref<80x16xf32, #tpu.memory_space<vmem>>, %arg19: memref<!tpu.dma_semaphore, #tpu.memory_space<semaphore_mem>>, %arg20: memref<!tpu.dma_semaphore, #tpu.memory_space<semaphore_mem>>, %arg21: memref<!tpu.dma_semaphore, #tpu.memory_space<semaphore_mem>>, %arg22: memref<!tpu.dma_semaphore, #tpu.memory_space<semaphore_mem>>, %arg23: memref<!tpu.dma_semaphore, #tpu.memory_space<semaphore_mem>>, %arg24: memref<!tpu.dma_semaphore, #tpu.memory_space<semaphore_mem>>, %arg25: memref<!tpu.dma_semaphore, #tpu.memory_space<semaphore_mem>>, %arg26: memref<!tpu.dma_semaphore, #tpu.memory_space<semaphore_mem>>, %arg27: memref<!tpu.dma_semaphore, #tpu.memory_space<semaphore_mem>>, %arg28: memref<!tpu.dma_semaphore, #tpu.memory_space<semaphore_mem>>, %arg29: memref<!tpu.dma_semaphore, #tpu.memory_space<semaphore_mem>>, %arg30: memref<!tpu.dma_semaphore, #tpu.memory_space<semaphore_mem>>, %arg31: memref<!tpu.dma_semaphore, #tpu.memory_space<semaphore_mem>>, %arg32: memref<!tpu.dma_semaphore, #tpu.memory_space<semaphore_mem>>) attributes {dimension_semantics = [#tpu.dimension_semantics<core_parallel>, #tpu.dimension_semantics<subcore_parallel>], iteration_bounds = array<i64: 2, 16>, scalar_prefetch = 0 : i64, scratch_operands = 24 : i64, tpu.core_type = #tpu.core_type<sc_vector_subcore>, window_params = [{transform_indices = #map}, {transform_indices = #map}, {transform_indices = #map1}, {transform_indices = #map}, {transform_indices = #map}, {transform_indices = #map2}, {transform_indices = #map2}]} {
    %mul3A = arith.constant 16 : i32
    %mul3A_0 = arith.muli %arg0, %mul3A : i32
    %add3A = arith.addi %mul3A_0, %arg1 : i32
    %mul3A_1 = arith.constant 625 : i32
    %mul3A_2 = arith.muli %arg1, %mul3A_1 : i32
    %mul3A_3 = arith.constant 625 : i32
    %mul3A_4 = arith.muli %arg1, %mul3A_3 : i32
    "tpu.region"() ({
      %run_scoped3A_150 = tpu.sem_alloc : memref<!tpu.dma_semaphore, #tpu.memory_space<semaphore_mem>>
      %dma_start3A_151 = arith.constant 0 : i32
      %dma_start3A_152 = tpu.memref_slice %arg11[%mul3A_4, %dma_start3A_151] : memref<10000x128xf32, #tpu.memory_space<vmem_shared>> -> memref<625x128xf32, #tpu.memory_space<vmem_shared>>
      %dma_start3A_153 = arith.constant 0 : i32
      %dma_start3A_154 = tpu.memref_slice %arg5[%mul3A_2, %dma_start3A_153] : memref<10000x128xf32, #tpu.memory_space<hbm>> -> memref<625x128xf32, #tpu.memory_space<hbm>>
      tpu.enqueue_dma source(%dma_start3A_154 : memref<625x128xf32, #tpu.memory_space<hbm>>) target(%dma_start3A_152 : memref<625x128xf32, #tpu.memory_space<vmem_shared>>) target_semaphore(%run_scoped3A_150 : memref<!tpu.dma_semaphore, #tpu.memory_space<semaphore_mem>>)
      %dma_wait3A_155 = arith.constant 0 : i32
      %dma_wait3A_156 = tpu.memref_slice %arg11[%mul3A_4, %dma_wait3A_155] : memref<10000x128xf32, #tpu.memory_space<vmem_shared>> -> memref<625x128xf32, #tpu.memory_space<vmem_shared>>
      %dma_wait3A_157 = arith.constant 0 : i32
      %dma_wait3A_158 = tpu.memref_slice %arg5[%mul3A_2, %dma_wait3A_157] : memref<10000x128xf32, #tpu.memory_space<hbm>> -> memref<625x128xf32, #tpu.memory_space<hbm>>
      tpu.wait_dma2 semaphore(%run_scoped3A_150 : memref<!tpu.dma_semaphore, #tpu.memory_space<semaphore_mem>>) src(%dma_wait3A_158 : memref<625x128xf32, #tpu.memory_space<hbm>>) dst(%dma_wait3A_156 : memref<625x128xf32, #tpu.memory_space<vmem_shared>>)
      tpu.yield
    }) : () -> ()
    %mul3A_5 = arith.constant 625 : i32
    %mul3A_6 = arith.muli %arg1, %mul3A_5 : i32
    %mul3A_7 = arith.constant 625 : i32
    %mul3A_8 = arith.muli %arg1, %mul3A_7 : i32
    "tpu.region"() ({
      %run_scoped3A_150 = tpu.sem_alloc : memref<!tpu.dma_semaphore, #tpu.memory_space<semaphore_mem>>
      %dma_start3A_151 = arith.constant 0 : i32
      %dma_start3A_152 = tpu.memref_slice %arg12[%mul3A_8, %dma_start3A_151] : memref<10000x16xf32, #tpu.memory_space<vmem_shared>> -> memref<625x16xf32, #tpu.memory_space<vmem_shared>>
      %dma_start3A_153 = arith.constant 0 : i32
      %dma_start3A_154 = tpu.memref_slice %arg6[%mul3A_6, %dma_start3A_153] : memref<10000x16xf32, #tpu.memory_space<hbm>> -> memref<625x16xf32, #tpu.memory_space<hbm>>
      tpu.enqueue_dma source(%dma_start3A_154 : memref<625x16xf32, #tpu.memory_space<hbm>>) target(%dma_start3A_152 : memref<625x16xf32, #tpu.memory_space<vmem_shared>>) target_semaphore(%run_scoped3A_150 : memref<!tpu.dma_semaphore, #tpu.memory_space<semaphore_mem>>)
      %dma_wait3A_155 = arith.constant 0 : i32
      %dma_wait3A_156 = tpu.memref_slice %arg12[%mul3A_8, %dma_wait3A_155] : memref<10000x16xf32, #tpu.memory_space<vmem_shared>> -> memref<625x16xf32, #tpu.memory_space<vmem_shared>>
      %dma_wait3A_157 = arith.constant 0 : i32
      %dma_wait3A_158 = tpu.memref_slice %arg6[%mul3A_6, %dma_wait3A_157] : memref<10000x16xf32, #tpu.memory_space<hbm>> -> memref<625x16xf32, #tpu.memory_space<hbm>>
      tpu.wait_dma2 semaphore(%run_scoped3A_150 : memref<!tpu.dma_semaphore, #tpu.memory_space<semaphore_mem>>) src(%dma_wait3A_158 : memref<625x16xf32, #tpu.memory_space<hbm>>) dst(%dma_wait3A_156 : memref<625x16xf32, #tpu.memory_space<vmem_shared>>)
      tpu.yield
    }) : () -> ()
    %dma_start3A = arith.constant 0 : i32
    %dma_start3A_9 = arith.constant 0 : i32
    %dma_start3A_10 = arith.constant 0 : i32
    %dma_start3A_11 = tpu.memref_slice %arg4[%add3A, %dma_start3A, %dma_start3A_9, %dma_start3A_10] : memref<32x125x2x80xi32, #tpu.memory_space<hbm>> -> memref<1x3x2x80xi32, #tpu.memory_space<hbm>>
    %dma_start3A_12 = tpu.memref_squeeze %dma_start3A_11 : memref<1x3x2x80xi32, #tpu.memory_space<hbm>> -> memref<3x2x80xi32, #tpu.memory_space<hbm>>
    %dma_start3A_13 = arith.constant 0 : i32
    %dma_start3A_14 = arith.constant 0 : i32
    %dma_start3A_15 = arith.constant 0 : i32
    %dma_start3A_16 = tpu.memref_slice %arg4[%add3A, %dma_start3A_13, %dma_start3A_14, %dma_start3A_15] : memref<32x125x2x80xi32, #tpu.memory_space<hbm>> -> memref<1x3x2x80xi32, #tpu.memory_space<hbm>>
    %dma_start3A_17 = tpu.memref_squeeze %dma_start3A_16 : memref<1x3x2x80xi32, #tpu.memory_space<hbm>> -> memref<3x2x80xi32, #tpu.memory_space<hbm>>
    tpu.enqueue_dma source(%dma_start3A_17 : memref<3x2x80xi32, #tpu.memory_space<hbm>>) target(%arg9 : memref<3x2x80xi32, #tpu.memory_space<vmem>>) target_semaphore(%arg31 : memref<!tpu.dma_semaphore, #tpu.memory_space<semaphore_mem>>)
    %barrier3A = arith.constant 0 : index
    tpu.barrier barrier_id(%barrier3A)
    %scan3A = arith.constant 0 : i32
    %scan3A_18 = arith.constant 0 : i32
    %scan3A_19 = arith.constant 41 : i32
    %scan3A_20 = arith.addi %scan3A_18, %scan3A_19 : i32
    %scan3A_21 = arith.constant 1 : i32
    scf.for %scan3A_150 = %scan3A_18 to %scan3A_20 step %scan3A_21  : i32 {
      %jit3A = arith.constant 2 : i32
      %eq3A = arith.constant 0 : i32
      %eq3A_151 = arith.cmpi eq, %jit3A, %eq3A : i32
      %jit3A_152 = arith.constant 1 : i32
      %select_n3A = arith.select %eq3A_151, %jit3A_152, %jit3A : i32
      %rem3A = arith.remsi %scan3A_150, %select_n3A : i32
      %ne3A = arith.constant 0 : i32
      %ne3A_153 = arith.cmpi ne, %rem3A, %ne3A : i32
      %lt3A = arith.constant 0 : i32
      %lt3A_154 = arith.cmpi slt, %rem3A, %lt3A : i32
      %lt3A_155 = arith.constant 0 : i32
      %lt3A_156 = arith.cmpi slt, %select_n3A, %lt3A_155 : i32
      %ne3A_157 = arith.xori %lt3A_154, %lt3A_156 : i1
      %and3A = arith.andi %ne3A_157, %ne3A_153 : i1
      %add3A_158 = arith.addi %rem3A, %select_n3A : i32
      %select_n3A_159 = arith.select %and3A, %add3A_158, %rem3A : i32
      %eq3A_160 = arith.constant 0 : i32
      %eq3A_161 = arith.cmpi eq, %select_n3A_159, %eq3A_160 : i32
      %convert_element_type3A = arith.extui %eq3A_161 : i1 to i32
      %cond3A = arith.constant 0 : i32
      %cond3A_162 = arith.cmpi ne, %convert_element_type3A, %cond3A : i32
      scf.if %cond3A_162 {
        %dma_wait3A_184 = arith.constant 0 : i32
        %dma_wait3A_185 = arith.constant 0 : i32
        %dma_wait3A_186 = arith.constant 0 : i32
        %dma_wait3A_187 = tpu.memref_slice %arg4[%add3A, %dma_wait3A_184, %dma_wait3A_185, %dma_wait3A_186] : memref<32x125x2x80xi32, #tpu.memory_space<hbm>> -> memref<1x3x2x80xi32, #tpu.memory_space<hbm>>
        %dma_wait3A_188 = tpu.memref_squeeze %dma_wait3A_187 : memref<1x3x2x80xi32, #tpu.memory_space<hbm>> -> memref<3x2x80xi32, #tpu.memory_space<hbm>>
        %dma_wait3A_189 = arith.constant 0 : i32
        %dma_wait3A_190 = arith.constant 0 : i32
        %dma_wait3A_191 = arith.constant 0 : i32
        %dma_wait3A_192 = tpu.memref_slice %arg4[%add3A, %dma_wait3A_189, %dma_wait3A_190, %dma_wait3A_191] : memref<32x125x2x80xi32, #tpu.memory_space<hbm>> -> memref<1x3x2x80xi32, #tpu.memory_space<hbm>>
        %dma_wait3A_193 = tpu.memref_squeeze %dma_wait3A_192 : memref<1x3x2x80xi32, #tpu.memory_space<hbm>> -> memref<3x2x80xi32, #tpu.memory_space<hbm>>
        tpu.wait_dma2 semaphore(%arg31 : memref<!tpu.dma_semaphore, #tpu.memory_space<semaphore_mem>>) src(%dma_wait3A_193 : memref<3x2x80xi32, #tpu.memory_space<hbm>>) dst(%arg9 : memref<3x2x80xi32, #tpu.memory_space<vmem>>)
        %gt3A = arith.constant 0 : i32
        %gt3A_194 = arith.cmpi sgt, %scan3A_150, %gt3A : i32
        %convert_element_type3A_195 = arith.extui %gt3A_194 : i1 to i32
        %cond3A_196 = arith.constant 0 : i32
        %cond3A_197 = arith.cmpi ne, %convert_element_type3A_195, %cond3A_196 : i32
        scf.if %cond3A_197 {
          %dma_wait3A_359 = arith.constant 0 : i32
          %dma_wait3A_360 = arith.constant 0 : i32
          %dma_wait3A_361 = arith.constant 0 : i32
          %dma_wait3A_362 = tpu.memref_slice %arg9[%dma_wait3A_359, %dma_wait3A_360, %dma_wait3A_361] : memref<3x2x80xi32, #tpu.memory_space<vmem>> -> memref<1x1x80xi32, #tpu.memory_space<vmem>>
          %dma_wait3A_363 = tpu.memref_squeeze %dma_wait3A_362 : memref<1x1x80xi32, #tpu.memory_space<vmem>> -> memref<80xi32, #tpu.memory_space<vmem>>
          %dma_wait3A_364 = arith.constant 0 : i32
          %dma_wait3A_365 = arith.constant 0 : i32
          %dma_wait3A_366 = tpu.memref_slice %arg11[%dma_wait3A_364, %dma_wait3A_365] : memref<10000x128xf32, #tpu.memory_space<vmem_shared>> -> memref<10000x128xf32, #tpu.memory_space<vmem_shared>>
          tpu.wait_indirect_dma semaphore(%arg25 : memref<!tpu.dma_semaphore, #tpu.memory_space<semaphore_mem>>) src(%arg13 : memref<80x128xf32, #tpu.memory_space<vmem>>) dst(%dma_wait3A_366 : memref<10000x128xf32, #tpu.memory_space<vmem_shared>>)
          %dma_wait3A_367 = arith.constant 0 : i32
          %dma_wait3A_368 = arith.constant 0 : i32
          %dma_wait3A_369 = arith.constant 0 : i32
          %dma_wait3A_370 = tpu.memref_slice %arg9[%dma_wait3A_367, %dma_wait3A_368, %dma_wait3A_369] : memref<3x2x80xi32, #tpu.memory_space<vmem>> -> memref<1x1x80xi32, #tpu.memory_space<vmem>>
          %dma_wait3A_371 = tpu.memref_squeeze %dma_wait3A_370 : memref<1x1x80xi32, #tpu.memory_space<vmem>> -> memref<80xi32, #tpu.memory_space<vmem>>
          %dma_wait3A_372 = arith.constant 0 : i32
          %dma_wait3A_373 = arith.constant 0 : i32
          %dma_wait3A_374 = tpu.memref_slice %arg12[%dma_wait3A_372, %dma_wait3A_373] : memref<10000x16xf32, #tpu.memory_space<vmem_shared>> -> memref<10000x16xf32, #tpu.memory_space<vmem_shared>>
          tpu.wait_indirect_dma semaphore(%arg28 : memref<!tpu.dma_semaphore, #tpu.memory_space<semaphore_mem>>) src(%arg16 : memref<80x16xf32, #tpu.memory_space<vmem>>) dst(%dma_wait3A_374 : memref<10000x16xf32, #tpu.memory_space<vmem_shared>>)
        } else {
        }
        %dma_start3A_198 = arith.constant 0 : i32
        %dma_start3A_199 = arith.constant 1 : i32
        %dma_start3A_200 = arith.constant 0 : i32
        %dma_start3A_201 = tpu.memref_slice %arg9[%dma_start3A_198, %dma_start3A_199, %dma_start3A_200] : memref<3x2x80xi32, #tpu.memory_space<vmem>> -> memref<1x1x80xi32, #tpu.memory_space<vmem>>
        %dma_start3A_202 = tpu.memref_squeeze %dma_start3A_201 : memref<1x1x80xi32, #tpu.memory_space<vmem>> -> memref<80xi32, #tpu.memory_space<vmem>>
        %dma_start3A_203 = arith.constant 0 : i32
        %dma_start3A_204 = arith.constant 0 : i32
        %dma_start3A_205 = tpu.memref_slice %arg2[%dma_start3A_203, %dma_start3A_204] : memref<5000x128xf32, #tpu.memory_space<hbm>> -> memref<5000x128xf32, #tpu.memory_space<hbm>>
        tpu.enqueue_indirect_dma source(%dma_start3A_205 : memref<5000x128xf32, #tpu.memory_space<hbm>>) target(%arg13 : memref<80x128xf32, #tpu.memory_space<vmem>>) offsets(%dma_start3A_202 : memref<80xi32, #tpu.memory_space<vmem>>) semaphore(%arg19 : memref<!tpu.dma_semaphore, #tpu.memory_space<semaphore_mem>>)
        %dma_start3A_206 = arith.constant 0 : i32
        %dma_start3A_207 = arith.constant 1 : i32
        %dma_start3A_208 = arith.constant 0 : i32
        %dma_start3A_209 = tpu.memref_slice %arg9[%dma_start3A_206, %dma_start3A_207, %dma_start3A_208] : memref<3x2x80xi32, #tpu.memory_space<vmem>> -> memref<1x1x80xi32, #tpu.memory_space<vmem>>
        %dma_start3A_210 = tpu.memref_squeeze %dma_start3A_209 : memref<1x1x80xi32, #tpu.memory_space<vmem>> -> memref<80xi32, #tpu.memory_space<vmem>>
        %dma_start3A_211 = arith.constant 0 : i32
        %dma_start3A_212 = arith.constant 0 : i32
        %dma_start3A_213 = tpu.memref_slice %arg3[%dma_start3A_211, %dma_start3A_212] : memref<5000x16xf32, #tpu.memory_space<hbm>> -> memref<5000x16xf32, #tpu.memory_space<hbm>>
        tpu.enqueue_indirect_dma source(%dma_start3A_213 : memref<5000x16xf32, #tpu.memory_space<hbm>>) target(%arg16 : memref<80x16xf32, #tpu.memory_space<vmem>>) offsets(%dma_start3A_210 : memref<80xi32, #tpu.memory_space<vmem>>) semaphore(%arg22 : memref<!tpu.dma_semaphore, #tpu.memory_space<semaphore_mem>>)
        %gt3A_214 = arith.constant 0 : i32
        %gt3A_215 = arith.cmpi sgt, %scan3A_150, %gt3A_214 : i32
        %convert_element_type3A_216 = arith.extui %gt3A_215 : i1 to i32
        %cond3A_217 = arith.constant 0 : i32
        %cond3A_218 = arith.cmpi ne, %convert_element_type3A_216, %cond3A_217 : i32
        scf.if %cond3A_218 {
          %dma_wait3A_359 = arith.constant 0 : i32
          %dma_wait3A_360 = arith.constant 0 : i32
          %dma_wait3A_361 = arith.constant 0 : i32
          %dma_wait3A_362 = tpu.memref_slice %arg9[%dma_wait3A_359, %dma_wait3A_360, %dma_wait3A_361] : memref<3x2x80xi32, #tpu.memory_space<vmem>> -> memref<1x1x80xi32, #tpu.memory_space<vmem>>
          %dma_wait3A_363 = tpu.memref_squeeze %dma_wait3A_362 : memref<1x1x80xi32, #tpu.memory_space<vmem>> -> memref<80xi32, #tpu.memory_space<vmem>>
          %dma_wait3A_364 = arith.constant 0 : i32
          %dma_wait3A_365 = arith.constant 0 : i32
          %dma_wait3A_366 = tpu.memref_slice %arg11[%dma_wait3A_364, %dma_wait3A_365] : memref<10000x128xf32, #tpu.memory_space<vmem_shared>> -> memref<10000x128xf32, #tpu.memory_space<vmem_shared>>
          tpu.wait_indirect_dma semaphore(%arg26 : memref<!tpu.dma_semaphore, #tpu.memory_space<semaphore_mem>>) src(%arg14 : memref<80x128xf32, #tpu.memory_space<vmem>>) dst(%dma_wait3A_366 : memref<10000x128xf32, #tpu.memory_space<vmem_shared>>)
          %dma_wait3A_367 = arith.constant 0 : i32
          %dma_wait3A_368 = arith.constant 0 : i32
          %dma_wait3A_369 = arith.constant 0 : i32
          %dma_wait3A_370 = tpu.memref_slice %arg9[%dma_wait3A_367, %dma_wait3A_368, %dma_wait3A_369] : memref<3x2x80xi32, #tpu.memory_space<vmem>> -> memref<1x1x80xi32, #tpu.memory_space<vmem>>
          %dma_wait3A_371 = tpu.memref_squeeze %dma_wait3A_370 : memref<1x1x80xi32, #tpu.memory_space<vmem>> -> memref<80xi32, #tpu.memory_space<vmem>>
          %dma_wait3A_372 = arith.constant 0 : i32
          %dma_wait3A_373 = arith.constant 0 : i32
          %dma_wait3A_374 = tpu.memref_slice %arg12[%dma_wait3A_372, %dma_wait3A_373] : memref<10000x16xf32, #tpu.memory_space<vmem_shared>> -> memref<10000x16xf32, #tpu.memory_space<vmem_shared>>
          tpu.wait_indirect_dma semaphore(%arg29 : memref<!tpu.dma_semaphore, #tpu.memory_space<semaphore_mem>>) src(%arg17 : memref<80x16xf32, #tpu.memory_space<vmem>>) dst(%dma_wait3A_374 : memref<10000x16xf32, #tpu.memory_space<vmem_shared>>)
        } else {
        }
        %dma_start3A_219 = arith.constant 1 : i32
        %dma_start3A_220 = arith.constant 1 : i32
        %dma_start3A_221 = arith.constant 0 : i32
        %dma_start3A_222 = tpu.memref_slice %arg9[%dma_start3A_219, %dma_start3A_220, %dma_start3A_221] : memref<3x2x80xi32, #tpu.memory_space<vmem>> -> memref<1x1x80xi32, #tpu.memory_space<vmem>>
        %dma_start3A_223 = tpu.memref_squeeze %dma_start3A_222 : memref<1x1x80xi32, #tpu.memory_space<vmem>> -> memref<80xi32, #tpu.memory_space<vmem>>
        %dma_start3A_224 = arith.constant 0 : i32
        %dma_start3A_225 = arith.constant 0 : i32
        %dma_start3A_226 = tpu.memref_slice %arg2[%dma_start3A_224, %dma_start3A_225] : memref<5000x128xf32, #tpu.memory_space<hbm>> -> memref<5000x128xf32, #tpu.memory_space<hbm>>
        tpu.enqueue_indirect_dma source(%dma_start3A_226 : memref<5000x128xf32, #tpu.memory_space<hbm>>) target(%arg14 : memref<80x128xf32, #tpu.memory_space<vmem>>) offsets(%dma_start3A_223 : memref<80xi32, #tpu.memory_space<vmem>>) semaphore(%arg20 : memref<!tpu.dma_semaphore, #tpu.memory_space<semaphore_mem>>)
        %dma_start3A_227 = arith.constant 1 : i32
        %dma_start3A_228 = arith.constant 1 : i32
        %dma_start3A_229 = arith.constant 0 : i32
        %dma_start3A_230 = tpu.memref_slice %arg9[%dma_start3A_227, %dma_start3A_228, %dma_start3A_229] : memref<3x2x80xi32, #tpu.memory_space<vmem>> -> memref<1x1x80xi32, #tpu.memory_space<vmem>>
        %dma_start3A_231 = tpu.memref_squeeze %dma_start3A_230 : memref<1x1x80xi32, #tpu.memory_space<vmem>> -> memref<80xi32, #tpu.memory_space<vmem>>
        %dma_start3A_232 = arith.constant 0 : i32
        %dma_start3A_233 = arith.constant 0 : i32
        %dma_start3A_234 = tpu.memref_slice %arg3[%dma_start3A_232, %dma_start3A_233] : memref<5000x16xf32, #tpu.memory_space<hbm>> -> memref<5000x16xf32, #tpu.memory_space<hbm>>
        tpu.enqueue_indirect_dma source(%dma_start3A_234 : memref<5000x16xf32, #tpu.memory_space<hbm>>) target(%arg17 : memref<80x16xf32, #tpu.memory_space<vmem>>) offsets(%dma_start3A_231 : memref<80xi32, #tpu.memory_space<vmem>>) semaphore(%arg23 : memref<!tpu.dma_semaphore, #tpu.memory_space<semaphore_mem>>)
        %gt3A_235 = arith.constant 0 : i32
        %gt3A_236 = arith.cmpi sgt, %scan3A_150, %gt3A_235 : i32
        %convert_element_type3A_237 = arith.extui %gt3A_236 : i1 to i32
        %cond3A_238 = arith.constant 0 : i32
        %cond3A_239 = arith.cmpi ne, %convert_element_type3A_237, %cond3A_238 : i32
        scf.if %cond3A_239 {
          %dma_wait3A_359 = arith.constant 0 : i32
          %dma_wait3A_360 = arith.constant 0 : i32
          %dma_wait3A_361 = arith.constant 0 : i32
          %dma_wait3A_362 = tpu.memref_slice %arg9[%dma_wait3A_359, %dma_wait3A_360, %dma_wait3A_361] : memref<3x2x80xi32, #tpu.memory_space<vmem>> -> memref<1x1x80xi32, #tpu.memory_space<vmem>>
          %dma_wait3A_363 = tpu.memref_squeeze %dma_wait3A_362 : memref<1x1x80xi32, #tpu.memory_space<vmem>> -> memref<80xi32, #tpu.memory_space<vmem>>
          %dma_wait3A_364 = arith.constant 0 : i32
          %dma_wait3A_365 = arith.constant 0 : i32
          %dma_wait3A_366 = tpu.memref_slice %arg11[%dma_wait3A_364, %dma_wait3A_365] : memref<10000x128xf32, #tpu.memory_space<vmem_shared>> -> memref<10000x128xf32, #tpu.memory_space<vmem_shared>>
          tpu.wait_indirect_dma semaphore(%arg27 : memref<!tpu.dma_semaphore, #tpu.memory_space<semaphore_mem>>) src(%arg15 : memref<80x128xf32, #tpu.memory_space<vmem>>) dst(%dma_wait3A_366 : memref<10000x128xf32, #tpu.memory_space<vmem_shared>>)
          %dma_wait3A_367 = arith.constant 0 : i32
          %dma_wait3A_368 = arith.constant 0 : i32
          %dma_wait3A_369 = arith.constant 0 : i32
          %dma_wait3A_370 = tpu.memref_slice %arg9[%dma_wait3A_367, %dma_wait3A_368, %dma_wait3A_369] : memref<3x2x80xi32, #tpu.memory_space<vmem>> -> memref<1x1x80xi32, #tpu.memory_space<vmem>>
          %dma_wait3A_371 = tpu.memref_squeeze %dma_wait3A_370 : memref<1x1x80xi32, #tpu.memory_space<vmem>> -> memref<80xi32, #tpu.memory_space<vmem>>
          %dma_wait3A_372 = arith.constant 0 : i32
          %dma_wait3A_373 = arith.constant 0 : i32
          %dma_wait3A_374 = tpu.memref_slice %arg12[%dma_wait3A_372, %dma_wait3A_373] : memref<10000x16xf32, #tpu.memory_space<vmem_shared>> -> memref<10000x16xf32, #tpu.memory_space<vmem_shared>>
          tpu.wait_indirect_dma semaphore(%arg30 : memref<!tpu.dma_semaphore, #tpu.memory_space<semaphore_mem>>) src(%arg18 : memref<80x16xf32, #tpu.memory_space<vmem>>) dst(%dma_wait3A_374 : memref<10000x16xf32, #tpu.memory_space<vmem_shared>>)
        } else {
        }
        %dma_start3A_240 = arith.constant 2 : i32
        %dma_start3A_241 = arith.constant 1 : i32
        %dma_start3A_242 = arith.constant 0 : i32
        %dma_start3A_243 = tpu.memref_slice %arg9[%dma_start3A_240, %dma_start3A_241, %dma_start3A_242] : memref<3x2x80xi32, #tpu.memory_space<vmem>> -> memref<1x1x80xi32, #tpu.memory_space<vmem>>
        %dma_start3A_244 = tpu.memref_squeeze %dma_start3A_243 : memref<1x1x80xi32, #tpu.memory_space<vmem>> -> memref<80xi32, #tpu.memory_space<vmem>>
        %dma_start3A_245 = arith.constant 0 : i32
        %dma_start3A_246 = arith.constant 0 : i32
        %dma_start3A_247 = tpu.memref_slice %arg2[%dma_start3A_245, %dma_start3A_246] : memref<5000x128xf32, #tpu.memory_space<hbm>> -> memref<5000x128xf32, #tpu.memory_space<hbm>>
        tpu.enqueue_indirect_dma source(%dma_start3A_247 : memref<5000x128xf32, #tpu.memory_space<hbm>>) target(%arg15 : memref<80x128xf32, #tpu.memory_space<vmem>>) offsets(%dma_start3A_244 : memref<80xi32, #tpu.memory_space<vmem>>) semaphore(%arg21 : memref<!tpu.dma_semaphore, #tpu.memory_space<semaphore_mem>>)
        %dma_start3A_248 = arith.constant 2 : i32
        %dma_start3A_249 = arith.constant 1 : i32
        %dma_start3A_250 = arith.constant 0 : i32
        %dma_start3A_251 = tpu.memref_slice %arg9[%dma_start3A_248, %dma_start3A_249, %dma_start3A_250] : memref<3x2x80xi32, #tpu.memory_space<vmem>> -> memref<1x1x80xi32, #tpu.memory_space<vmem>>
        %dma_start3A_252 = tpu.memref_squeeze %dma_start3A_251 : memref<1x1x80xi32, #tpu.memory_space<vmem>> -> memref<80xi32, #tpu.memory_space<vmem>>
        %dma_start3A_253 = arith.constant 0 : i32
        %dma_start3A_254 = arith.constant 0 : i32
        %dma_start3A_255 = tpu.memref_slice %arg3[%dma_start3A_253, %dma_start3A_254] : memref<5000x16xf32, #tpu.memory_space<hbm>> -> memref<5000x16xf32, #tpu.memory_space<hbm>>
        tpu.enqueue_indirect_dma source(%dma_start3A_255 : memref<5000x16xf32, #tpu.memory_space<hbm>>) target(%arg18 : memref<80x16xf32, #tpu.memory_space<vmem>>) offsets(%dma_start3A_252 : memref<80xi32, #tpu.memory_space<vmem>>) semaphore(%arg24 : memref<!tpu.dma_semaphore, #tpu.memory_space<semaphore_mem>>)
        %add3A_256 = arith.constant 1 : i32
        %add3A_257 = arith.addi %scan3A_150, %add3A_256 : i32
        %lt3A_258 = arith.constant 41 : i32
        %lt3A_259 = arith.cmpi slt, %add3A_257, %lt3A_258 : i32
        %convert_element_type3A_260 = arith.extui %lt3A_259 : i1 to i32
        %cond3A_261 = arith.constant 0 : i32
        %cond3A_262 = arith.cmpi ne, %convert_element_type3A_260, %cond3A_261 : i32
        scf.if %cond3A_262 {
          %add3A_359 = arith.constant 1 : i32
          %add3A_360 = arith.addi %scan3A_150, %add3A_359 : i32
          %mul3A_361 = arith.constant 3 : i32
          %mul3A_362 = arith.muli %add3A_360, %mul3A_361 : i32
          %dma_start3A_363 = arith.constant 0 : i32
          %dma_start3A_364 = arith.constant 0 : i32
          %dma_start3A_365 = tpu.memref_slice %arg4[%add3A, %mul3A_362, %dma_start3A_363, %dma_start3A_364] : memref<32x125x2x80xi32, #tpu.memory_space<hbm>> -> memref<1x3x2x80xi32, #tpu.memory_space<hbm>>
          %dma_start3A_366 = tpu.memref_squeeze %dma_start3A_365 : memref<1x3x2x80xi32, #tpu.memory_space<hbm>> -> memref<3x2x80xi32, #tpu.memory_space<hbm>>
          %dma_start3A_367 = arith.constant 0 : i32
          %dma_start3A_368 = arith.constant 0 : i32
          %dma_start3A_369 = tpu.memref_slice %arg4[%add3A, %mul3A_362, %dma_start3A_367, %dma_start3A_368] : memref<32x125x2x80xi32, #tpu.memory_space<hbm>> -> memref<1x3x2x80xi32, #tpu.memory_space<hbm>>
          %dma_start3A_370 = tpu.memref_squeeze %dma_start3A_369 : memref<1x3x2x80xi32, #tpu.memory_space<hbm>> -> memref<3x2x80xi32, #tpu.memory_space<hbm>>
          tpu.enqueue_dma source(%dma_start3A_370 : memref<3x2x80xi32, #tpu.memory_space<hbm>>) target(%arg10 : memref<3x2x80xi32, #tpu.memory_space<vmem>>) target_semaphore(%arg32 : memref<!tpu.dma_semaphore, #tpu.memory_space<semaphore_mem>>)
        } else {
        }
        %dma_wait3A_263 = arith.constant 0 : i32
        %dma_wait3A_264 = arith.constant 1 : i32
        %dma_wait3A_265 = arith.constant 0 : i32
        %dma_wait3A_266 = tpu.memref_slice %arg9[%dma_wait3A_263, %dma_wait3A_264, %dma_wait3A_265] : memref<3x2x80xi32, #tpu.memory_space<vmem>> -> memref<1x1x80xi32, #tpu.memory_space<vmem>>
        %dma_wait3A_267 = tpu.memref_squeeze %dma_wait3A_266 : memref<1x1x80xi32, #tpu.memory_space<vmem>> -> memref<80xi32, #tpu.memory_space<vmem>>
        %dma_wait3A_268 = arith.constant 0 : i32
        %dma_wait3A_269 = arith.constant 0 : i32
        %dma_wait3A_270 = tpu.memref_slice %arg2[%dma_wait3A_268, %dma_wait3A_269] : memref<5000x128xf32, #tpu.memory_space<hbm>> -> memref<5000x128xf32, #tpu.memory_space<hbm>>
        tpu.wait_indirect_dma semaphore(%arg19 : memref<!tpu.dma_semaphore, #tpu.memory_space<semaphore_mem>>) src(%dma_wait3A_270 : memref<5000x128xf32, #tpu.memory_space<hbm>>) dst(%arg13 : memref<80x128xf32, #tpu.memory_space<vmem>>)
        %dma_start3A_271 = arith.constant 0 : i32
        %dma_start3A_272 = arith.constant 0 : i32
        %dma_start3A_273 = arith.constant 0 : i32
        %dma_start3A_274 = tpu.memref_slice %arg9[%dma_start3A_271, %dma_start3A_272, %dma_start3A_273] : memref<3x2x80xi32, #tpu.memory_space<vmem>> -> memref<1x1x80xi32, #tpu.memory_space<vmem>>
        %dma_start3A_275 = tpu.memref_squeeze %dma_start3A_274 : memref<1x1x80xi32, #tpu.memory_space<vmem>> -> memref<80xi32, #tpu.memory_space<vmem>>
        %dma_start3A_276 = arith.constant 0 : i32
        %dma_start3A_277 = arith.constant 0 : i32
        %dma_start3A_278 = tpu.memref_slice %arg11[%dma_start3A_276, %dma_start3A_277] : memref<10000x128xf32, #tpu.memory_space<vmem_shared>> -> memref<10000x128xf32, #tpu.memory_space<vmem_shared>>
        tpu.enqueue_indirect_dma source(%arg13 : memref<80x128xf32, #tpu.memory_space<vmem>>) target(%dma_start3A_278 : memref<10000x128xf32, #tpu.memory_space<vmem_shared>>) offsets(%dma_start3A_275 : memref<80xi32, #tpu.memory_space<vmem>>) semaphore(%arg25 : memref<!tpu.dma_semaphore, #tpu.memory_space<semaphore_mem>>) {add = true}
        %dma_wait3A_279 = arith.constant 0 : i32
        %dma_wait3A_280 = arith.constant 1 : i32
        %dma_wait3A_281 = arith.constant 0 : i32
        %dma_wait3A_282 = tpu.memref_slice %arg9[%dma_wait3A_279, %dma_wait3A_280, %dma_wait3A_281] : memref<3x2x80xi32, #tpu.memory_space<vmem>> -> memref<1x1x80xi32, #tpu.memory_space<vmem>>
        %dma_wait3A_283 = tpu.memref_squeeze %dma_wait3A_282 : memref<1x1x80xi32, #tpu.memory_space<vmem>> -> memref<80xi32, #tpu.memory_space<vmem>>
        %dma_wait3A_284 = arith.constant 0 : i32
        %dma_wait3A_285 = arith.constant 0 : i32
        %dma_wait3A_286 = tpu.memref_slice %arg3[%dma_wait3A_284, %dma_wait3A_285] : memref<5000x16xf32, #tpu.memory_space<hbm>> -> memref<5000x16xf32, #tpu.memory_space<hbm>>
        tpu.wait_indirect_dma semaphore(%arg22 : memref<!tpu.dma_semaphore, #tpu.memory_space<semaphore_mem>>) src(%dma_wait3A_286 : memref<5000x16xf32, #tpu.memory_space<hbm>>) dst(%arg16 : memref<80x16xf32, #tpu.memory_space<vmem>>)
        %dma_start3A_287 = arith.constant 0 : i32
        %dma_start3A_288 = arith.constant 0 : i32
        %dma_start3A_289 = arith.constant 0 : i32
        %dma_start3A_290 = tpu.memref_slice %arg9[%dma_start3A_287, %dma_start3A_288, %dma_start3A_289] : memref<3x2x80xi32, #tpu.memory_space<vmem>> -> memref<1x1x80xi32, #tpu.memory_space<vmem>>
        %dma_start3A_291 = tpu.memref_squeeze %dma_start3A_290 : memref<1x1x80xi32, #tpu.memory_space<vmem>> -> memref<80xi32, #tpu.memory_space<vmem>>
        %dma_start3A_292 = arith.constant 0 : i32
        %dma_start3A_293 = arith.constant 0 : i32
        %dma_start3A_294 = tpu.memref_slice %arg12[%dma_start3A_292, %dma_start3A_293] : memref<10000x16xf32, #tpu.memory_space<vmem_shared>> -> memref<10000x16xf32, #tpu.memory_space<vmem_shared>>
        tpu.enqueue_indirect_dma source(%arg16 : memref<80x16xf32, #tpu.memory_space<vmem>>) target(%dma_start3A_294 : memref<10000x16xf32, #tpu.memory_space<vmem_shared>>) offsets(%dma_start3A_291 : memref<80xi32, #tpu.memory_space<vmem>>) semaphore(%arg28 : memref<!tpu.dma_semaphore, #tpu.memory_space<semaphore_mem>>) {add = true}
        %dma_wait3A_295 = arith.constant 1 : i32
        %dma_wait3A_296 = arith.constant 1 : i32
        %dma_wait3A_297 = arith.constant 0 : i32
        %dma_wait3A_298 = tpu.memref_slice %arg9[%dma_wait3A_295, %dma_wait3A_296, %dma_wait3A_297] : memref<3x2x80xi32, #tpu.memory_space<vmem>> -> memref<1x1x80xi32, #tpu.memory_space<vmem>>
        %dma_wait3A_299 = tpu.memref_squeeze %dma_wait3A_298 : memref<1x1x80xi32, #tpu.memory_space<vmem>> -> memref<80xi32, #tpu.memory_space<vmem>>
        %dma_wait3A_300 = arith.constant 0 : i32
        %dma_wait3A_301 = arith.constant 0 : i32
        %dma_wait3A_302 = tpu.memref_slice %arg2[%dma_wait3A_300, %dma_wait3A_301] : memref<5000x128xf32, #tpu.memory_space<hbm>> -> memref<5000x128xf32, #tpu.memory_space<hbm>>
        tpu.wait_indirect_dma semaphore(%arg20 : memref<!tpu.dma_semaphore, #tpu.memory_space<semaphore_mem>>) src(%dma_wait3A_302 : memref<5000x128xf32, #tpu.memory_space<hbm>>) dst(%arg14 : memref<80x128xf32, #tpu.memory_space<vmem>>)
        %dma_start3A_303 = arith.constant 1 : i32
        %dma_start3A_304 = arith.constant 0 : i32
        %dma_start3A_305 = arith.constant 0 : i32
        %dma_start3A_306 = tpu.memref_slice %arg9[%dma_start3A_303, %dma_start3A_304, %dma_start3A_305] : memref<3x2x80xi32, #tpu.memory_space<vmem>> -> memref<1x1x80xi32, #tpu.memory_space<vmem>>
        %dma_start3A_307 = tpu.memref_squeeze %dma_start3A_306 : memref<1x1x80xi32, #tpu.memory_space<vmem>> -> memref<80xi32, #tpu.memory_space<vmem>>
        %dma_start3A_308 = arith.constant 0 : i32
        %dma_start3A_309 = arith.constant 0 : i32
        %dma_start3A_310 = tpu.memref_slice %arg11[%dma_start3A_308, %dma_start3A_309] : memref<10000x128xf32, #tpu.memory_space<vmem_shared>> -> memref<10000x128xf32, #tpu.memory_space<vmem_shared>>
        tpu.enqueue_indirect_dma source(%arg14 : memref<80x128xf32, #tpu.memory_space<vmem>>) target(%dma_start3A_310 : memref<10000x128xf32, #tpu.memory_space<vmem_shared>>) offsets(%dma_start3A_307 : memref<80xi32, #tpu.memory_space<vmem>>) semaphore(%arg26 : memref<!tpu.dma_semaphore, #tpu.memory_space<semaphore_mem>>) {add = true}
        %dma_wait3A_311 = arith.constant 1 : i32
        %dma_wait3A_312 = arith.constant 1 : i32
        %dma_wait3A_313 = arith.constant 0 : i32
        %dma_wait3A_314 = tpu.memref_slice %arg9[%dma_wait3A_311, %dma_wait3A_312, %dma_wait3A_313] : memref<3x2x80xi32, #tpu.memory_space<vmem>> -> memref<1x1x80xi32, #tpu.memory_space<vmem>>
        %dma_wait3A_315 = tpu.memref_squeeze %dma_wait3A_314 : memref<1x1x80xi32, #tpu.memory_space<vmem>> -> memref<80xi32, #tpu.memory_space<vmem>>
        %dma_wait3A_316 = arith.constant 0 : i32
        %dma_wait3A_317 = arith.constant 0 : i32
        %dma_wait3A_318 = tpu.memref_slice %arg3[%dma_wait3A_316, %dma_wait3A_317] : memref<5000x16xf32, #tpu.memory_space<hbm>> -> memref<5000x16xf32, #tpu.memory_space<hbm>>
        tpu.wait_indirect_dma semaphore(%arg23 : memref<!tpu.dma_semaphore, #tpu.memory_space<semaphore_mem>>) src(%dma_wait3A_318 : memref<5000x16xf32, #tpu.memory_space<hbm>>) dst(%arg17 : memref<80x16xf32, #tpu.memory_space<vmem>>)
        %dma_start3A_319 = arith.constant 1 : i32
        %dma_start3A_320 = arith.constant 0 : i32
        %dma_start3A_321 = arith.constant 0 : i32
        %dma_start3A_322 = tpu.memref_slice %arg9[%dma_start3A_319, %dma_start3A_320, %dma_start3A_321] : memref<3x2x80xi32, #tpu.memory_space<vmem>> -> memref<1x1x80xi32, #tpu.memory_space<vmem>>
        %dma_start3A_323 = tpu.memref_squeeze %dma_start3A_322 : memref<1x1x80xi32, #tpu.memory_space<vmem>> -> memref<80xi32, #tpu.memory_space<vmem>>
        %dma_start3A_324 = arith.constant 0 : i32
        %dma_start3A_325 = arith.constant 0 : i32
        %dma_start3A_326 = tpu.memref_slice %arg12[%dma_start3A_324, %dma_start3A_325] : memref<10000x16xf32, #tpu.memory_space<vmem_shared>> -> memref<10000x16xf32, #tpu.memory_space<vmem_shared>>
        tpu.enqueue_indirect_dma source(%arg17 : memref<80x16xf32, #tpu.memory_space<vmem>>) target(%dma_start3A_326 : memref<10000x16xf32, #tpu.memory_space<vmem_shared>>) offsets(%dma_start3A_323 : memref<80xi32, #tpu.memory_space<vmem>>) semaphore(%arg29 : memref<!tpu.dma_semaphore, #tpu.memory_space<semaphore_mem>>) {add = true}
        %dma_wait3A_327 = arith.constant 2 : i32
        %dma_wait3A_328 = arith.constant 1 : i32
        %dma_wait3A_329 = arith.constant 0 : i32
        %dma_wait3A_330 = tpu.memref_slice %arg9[%dma_wait3A_327, %dma_wait3A_328, %dma_wait3A_329] : memref<3x2x80xi32, #tpu.memory_space<vmem>> -> memref<1x1x80xi32, #tpu.memory_space<vmem>>
        %dma_wait3A_331 = tpu.memref_squeeze %dma_wait3A_330 : memref<1x1x80xi32, #tpu.memory_space<vmem>> -> memref<80xi32, #tpu.memory_space<vmem>>
        %dma_wait3A_332 = arith.constant 0 : i32
        %dma_wait3A_333 = arith.constant 0 : i32
        %dma_wait3A_334 = tpu.memref_slice %arg2[%dma_wait3A_332, %dma_wait3A_333] : memref<5000x128xf32, #tpu.memory_space<hbm>> -> memref<5000x128xf32, #tpu.memory_space<hbm>>
        tpu.wait_indirect_dma semaphore(%arg21 : memref<!tpu.dma_semaphore, #tpu.memory_space<semaphore_mem>>) src(%dma_wait3A_334 : memref<5000x128xf32, #tpu.memory_space<hbm>>) dst(%arg15 : memref<80x128xf32, #tpu.memory_space<vmem>>)
        %dma_start3A_335 = arith.constant 2 : i32
        %dma_start3A_336 = arith.constant 0 : i32
        %dma_start3A_337 = arith.constant 0 : i32
        %dma_start3A_338 = tpu.memref_slice %arg9[%dma_start3A_335, %dma_start3A_336, %dma_start3A_337] : memref<3x2x80xi32, #tpu.memory_space<vmem>> -> memref<1x1x80xi32, #tpu.memory_space<vmem>>
        %dma_start3A_339 = tpu.memref_squeeze %dma_start3A_338 : memref<1x1x80xi32, #tpu.memory_space<vmem>> -> memref<80xi32, #tpu.memory_space<vmem>>
        %dma_start3A_340 = arith.constant 0 : i32
        %dma_start3A_341 = arith.constant 0 : i32
        %dma_start3A_342 = tpu.memref_slice %arg11[%dma_start3A_340, %dma_start3A_341] : memref<10000x128xf32, #tpu.memory_space<vmem_shared>> -> memref<10000x128xf32, #tpu.memory_space<vmem_shared>>
        tpu.enqueue_indirect_dma source(%arg15 : memref<80x128xf32, #tpu.memory_space<vmem>>) target(%dma_start3A_342 : memref<10000x128xf32, #tpu.memory_space<vmem_shared>>) offsets(%dma_start3A_339 : memref<80xi32, #tpu.memory_space<vmem>>) semaphore(%arg27 : memref<!tpu.dma_semaphore, #tpu.memory_space<semaphore_mem>>) {add = true}
        %dma_wait3A_343 = arith.constant 2 : i32
        %dma_wait3A_344 = arith.constant 1 : i32
        %dma_wait3A_345 = arith.constant 0 : i32
        %dma_wait3A_346 = tpu.memref_slice %arg9[%dma_wait3A_343, %dma_wait3A_344, %dma_wait3A_345] : memref<3x2x80xi32, #tpu.memory_space<vmem>> -> memref<1x1x80xi32, #tpu.memory_space<vmem>>
        %dma_wait3A_347 = tpu.memref_squeeze %dma_wait3A_346 : memref<1x1x80xi32, #tpu.memory_space<vmem>> -> memref<80xi32, #tpu.memory_space<vmem>>
        %dma_wait3A_348 = arith.constant 0 : i32
        %dma_wait3A_349 = arith.constant 0 : i32
        %dma_wait3A_350 = tpu.memref_slice %arg3[%dma_wait3A_348, %dma_wait3A_349] : memref<5000x16xf32, #tpu.memory_space<hbm>> -> memref<5000x16xf32, #tpu.memory_space<hbm>>
        tpu.wait_indirect_dma semaphore(%arg24 : memref<!tpu.dma_semaphore, #tpu.memory_space<semaphore_mem>>) src(%dma_wait3A_350 : memref<5000x16xf32, #tpu.memory_space<hbm>>) dst(%arg18 : memref<80x16xf32, #tpu.memory_space<vmem>>)
        %dma_start3A_351 = arith.constant 2 : i32
        %dma_start3A_352 = arith.constant 0 : i32
        %dma_start3A_353 = arith.constant 0 : i32
        %dma_start3A_354 = tpu.memref_slice %arg9[%dma_start3A_351, %dma_start3A_352, %dma_start3A_353] : memref<3x2x80xi32, #tpu.memory_space<vmem>> -> memref<1x1x80xi32, #tpu.memory_space<vmem>>
        %dma_start3A_355 = tpu.memref_squeeze %dma_start3A_354 : memref<1x1x80xi32, #tpu.memory_space<vmem>> -> memref<80xi32, #tpu.memory_space<vmem>>
        %dma_start3A_356 = arith.constant 0 : i32
        %dma_start3A_357 = arith.constant 0 : i32
        %dma_start3A_358 = tpu.memref_slice %arg12[%dma_start3A_356, %dma_start3A_357] : memref<10000x16xf32, #tpu.memory_space<vmem_shared>> -> memref<10000x16xf32, #tpu.memory_space<vmem_shared>>
        tpu.enqueue_indirect_dma source(%arg18 : memref<80x16xf32, #tpu.memory_space<vmem>>) target(%dma_start3A_358 : memref<10000x16xf32, #tpu.memory_space<vmem_shared>>) offsets(%dma_start3A_355 : memref<80xi32, #tpu.memory_space<vmem>>) semaphore(%arg30 : memref<!tpu.dma_semaphore, #tpu.memory_space<semaphore_mem>>) {add = true}
      } else {
      }
      %jit3A_163 = arith.constant 2 : i32
      %eq3A_164 = arith.constant 0 : i32
      %eq3A_165 = arith.cmpi eq, %jit3A_163, %eq3A_164 : i32
      %jit3A_166 = arith.constant 1 : i32
      %select_n3A_167 = arith.select %eq3A_165, %jit3A_166, %jit3A_163 : i32
      %rem3A_168 = arith.remsi %scan3A_150, %select_n3A_167 : i32
      %ne3A_169 = arith.constant 0 : i32
      %ne3A_170 = arith.cmpi ne, %rem3A_168, %ne3A_169 : i32
      %lt3A_171 = arith.constant 0 : i32
      %lt3A_172 = arith.cmpi slt, %rem3A_168, %lt3A_171 : i32
      %lt3A_173 = arith.constant 0 : i32
      %lt3A_174 = arith.cmpi slt, %select_n3A_167, %lt3A_173 : i32
      %ne3A_175 = arith.xori %lt3A_172, %lt3A_174 : i1
      %and3A_176 = arith.andi %ne3A_175, %ne3A_170 : i1
      %add3A_177 = arith.addi %rem3A_168, %select_n3A_167 : i32
      %select_n3A_178 = arith.select %and3A_176, %add3A_177, %rem3A_168 : i32
      %eq3A_179 = arith.constant 1 : i32
      %eq3A_180 = arith.cmpi eq, %select_n3A_178, %eq3A_179 : i32
      %convert_element_type3A_181 = arith.extui %eq3A_180 : i1 to i32
      %cond3A_182 = arith.constant 0 : i32
      %cond3A_183 = arith.cmpi ne, %convert_element_type3A_181, %cond3A_182 : i32
      scf.if %cond3A_183 {
        %dma_wait3A_184 = arith.constant 0 : i32
        %dma_wait3A_185 = arith.constant 0 : i32
        %dma_wait3A_186 = arith.constant 0 : i32
        %dma_wait3A_187 = tpu.memref_slice %arg4[%add3A, %dma_wait3A_184, %dma_wait3A_185, %dma_wait3A_186] : memref<32x125x2x80xi32, #tpu.memory_space<hbm>> -> memref<1x3x2x80xi32, #tpu.memory_space<hbm>>
        %dma_wait3A_188 = tpu.memref_squeeze %dma_wait3A_187 : memref<1x3x2x80xi32, #tpu.memory_space<hbm>> -> memref<3x2x80xi32, #tpu.memory_space<hbm>>
        %dma_wait3A_189 = arith.constant 0 : i32
        %dma_wait3A_190 = arith.constant 0 : i32
        %dma_wait3A_191 = arith.constant 0 : i32
        %dma_wait3A_192 = tpu.memref_slice %arg4[%add3A, %dma_wait3A_189, %dma_wait3A_190, %dma_wait3A_191] : memref<32x125x2x80xi32, #tpu.memory_space<hbm>> -> memref<1x3x2x80xi32, #tpu.memory_space<hbm>>
        %dma_wait3A_193 = tpu.memref_squeeze %dma_wait3A_192 : memref<1x3x2x80xi32, #tpu.memory_space<hbm>> -> memref<3x2x80xi32, #tpu.memory_space<hbm>>
        tpu.wait_dma2 semaphore(%arg32 : memref<!tpu.dma_semaphore, #tpu.memory_space<semaphore_mem>>) src(%dma_wait3A_193 : memref<3x2x80xi32, #tpu.memory_space<hbm>>) dst(%arg10 : memref<3x2x80xi32, #tpu.memory_space<vmem>>)
        %gt3A = arith.constant 0 : i32
        %gt3A_194 = arith.cmpi sgt, %scan3A_150, %gt3A : i32
        %convert_element_type3A_195 = arith.extui %gt3A_194 : i1 to i32
        %cond3A_196 = arith.constant 0 : i32
        %cond3A_197 = arith.cmpi ne, %convert_element_type3A_195, %cond3A_196 : i32
        scf.if %cond3A_197 {
          %dma_wait3A_359 = arith.constant 0 : i32
          %dma_wait3A_360 = arith.constant 0 : i32
          %dma_wait3A_361 = arith.constant 0 : i32
          %dma_wait3A_362 = tpu.memref_slice %arg10[%dma_wait3A_359, %dma_wait3A_360, %dma_wait3A_361] : memref<3x2x80xi32, #tpu.memory_space<vmem>> -> memref<1x1x80xi32, #tpu.memory_space<vmem>>
          %dma_wait3A_363 = tpu.memref_squeeze %dma_wait3A_362 : memref<1x1x80xi32, #tpu.memory_space<vmem>> -> memref<80xi32, #tpu.memory_space<vmem>>
          %dma_wait3A_364 = arith.constant 0 : i32
          %dma_wait3A_365 = arith.constant 0 : i32
          %dma_wait3A_366 = tpu.memref_slice %arg11[%dma_wait3A_364, %dma_wait3A_365] : memref<10000x128xf32, #tpu.memory_space<vmem_shared>> -> memref<10000x128xf32, #tpu.memory_space<vmem_shared>>
          tpu.wait_indirect_dma semaphore(%arg25 : memref<!tpu.dma_semaphore, #tpu.memory_space<semaphore_mem>>) src(%arg13 : memref<80x128xf32, #tpu.memory_space<vmem>>) dst(%dma_wait3A_366 : memref<10000x128xf32, #tpu.memory_space<vmem_shared>>)
          %dma_wait3A_367 = arith.constant 0 : i32
          %dma_wait3A_368 = arith.constant 0 : i32
          %dma_wait3A_369 = arith.constant 0 : i32
          %dma_wait3A_370 = tpu.memref_slice %arg10[%dma_wait3A_367, %dma_wait3A_368, %dma_wait3A_369] : memref<3x2x80xi32, #tpu.memory_space<vmem>> -> memref<1x1x80xi32, #tpu.memory_space<vmem>>
          %dma_wait3A_371 = tpu.memref_squeeze %dma_wait3A_370 : memref<1x1x80xi32, #tpu.memory_space<vmem>> -> memref<80xi32, #tpu.memory_space<vmem>>
          %dma_wait3A_372 = arith.constant 0 : i32
          %dma_wait3A_373 = arith.constant 0 : i32
          %dma_wait3A_374 = tpu.memref_slice %arg12[%dma_wait3A_372, %dma_wait3A_373] : memref<10000x16xf32, #tpu.memory_space<vmem_shared>> -> memref<10000x16xf32, #tpu.memory_space<vmem_shared>>
          tpu.wait_indirect_dma semaphore(%arg28 : memref<!tpu.dma_semaphore, #tpu.memory_space<semaphore_mem>>) src(%arg16 : memref<80x16xf32, #tpu.memory_space<vmem>>) dst(%dma_wait3A_374 : memref<10000x16xf32, #tpu.memory_space<vmem_shared>>)
        } else {
        }
        %dma_start3A_198 = arith.constant 0 : i32
        %dma_start3A_199 = arith.constant 1 : i32
        %dma_start3A_200 = arith.constant 0 : i32
        %dma_start3A_201 = tpu.memref_slice %arg10[%dma_start3A_198, %dma_start3A_199, %dma_start3A_200] : memref<3x2x80xi32, #tpu.memory_space<vmem>> -> memref<1x1x80xi32, #tpu.memory_space<vmem>>
        %dma_start3A_202 = tpu.memref_squeeze %dma_start3A_201 : memref<1x1x80xi32, #tpu.memory_space<vmem>> -> memref<80xi32, #tpu.memory_space<vmem>>
        %dma_start3A_203 = arith.constant 0 : i32
        %dma_start3A_204 = arith.constant 0 : i32
        %dma_start3A_205 = tpu.memref_slice %arg2[%dma_start3A_203, %dma_start3A_204] : memref<5000x128xf32, #tpu.memory_space<hbm>> -> memref<5000x128xf32, #tpu.memory_space<hbm>>
        tpu.enqueue_indirect_dma source(%dma_start3A_205 : memref<5000x128xf32, #tpu.memory_space<hbm>>) target(%arg13 : memref<80x128xf32, #tpu.memory_space<vmem>>) offsets(%dma_start3A_202 : memref<80xi32, #tpu.memory_space<vmem>>) semaphore(%arg19 : memref<!tpu.dma_semaphore, #tpu.memory_space<semaphore_mem>>)
        %dma_start3A_206 = arith.constant 0 : i32
        %dma_start3A_207 = arith.constant 1 : i32
        %dma_start3A_208 = arith.constant 0 : i32
        %dma_start3A_209 = tpu.memref_slice %arg10[%dma_start3A_206, %dma_start3A_207, %dma_start3A_208] : memref<3x2x80xi32, #tpu.memory_space<vmem>> -> memref<1x1x80xi32, #tpu.memory_space<vmem>>
        %dma_start3A_210 = tpu.memref_squeeze %dma_start3A_209 : memref<1x1x80xi32, #tpu.memory_space<vmem>> -> memref<80xi32, #tpu.memory_space<vmem>>
        %dma_start3A_211 = arith.constant 0 : i32
        %dma_start3A_212 = arith.constant 0 : i32
        %dma_start3A_213 = tpu.memref_slice %arg3[%dma_start3A_211, %dma_start3A_212] : memref<5000x16xf32, #tpu.memory_space<hbm>> -> memref<5000x16xf32, #tpu.memory_space<hbm>>
        tpu.enqueue_indirect_dma source(%dma_start3A_213 : memref<5000x16xf32, #tpu.memory_space<hbm>>) target(%arg16 : memref<80x16xf32, #tpu.memory_space<vmem>>) offsets(%dma_start3A_210 : memref<80xi32, #tpu.memory_space<vmem>>) semaphore(%arg22 : memref<!tpu.dma_semaphore, #tpu.memory_space<semaphore_mem>>)
        %gt3A_214 = arith.constant 0 : i32
        %gt3A_215 = arith.cmpi sgt, %scan3A_150, %gt3A_214 : i32
        %convert_element_type3A_216 = arith.extui %gt3A_215 : i1 to i32
        %cond3A_217 = arith.constant 0 : i32
        %cond3A_218 = arith.cmpi ne, %convert_element_type3A_216, %cond3A_217 : i32
        scf.if %cond3A_218 {
          %dma_wait3A_359 = arith.constant 0 : i32
          %dma_wait3A_360 = arith.constant 0 : i32
          %dma_wait3A_361 = arith.constant 0 : i32
          %dma_wait3A_362 = tpu.memref_slice %arg10[%dma_wait3A_359, %dma_wait3A_360, %dma_wait3A_361] : memref<3x2x80xi32, #tpu.memory_space<vmem>> -> memref<1x1x80xi32, #tpu.memory_space<vmem>>
          %dma_wait3A_363 = tpu.memref_squeeze %dma_wait3A_362 : memref<1x1x80xi32, #tpu.memory_space<vmem>> -> memref<80xi32, #tpu.memory_space<vmem>>
          %dma_wait3A_364 = arith.constant 0 : i32
          %dma_wait3A_365 = arith.constant 0 : i32
          %dma_wait3A_366 = tpu.memref_slice %arg11[%dma_wait3A_364, %dma_wait3A_365] : memref<10000x128xf32, #tpu.memory_space<vmem_shared>> -> memref<10000x128xf32, #tpu.memory_space<vmem_shared>>
          tpu.wait_indirect_dma semaphore(%arg26 : memref<!tpu.dma_semaphore, #tpu.memory_space<semaphore_mem>>) src(%arg14 : memref<80x128xf32, #tpu.memory_space<vmem>>) dst(%dma_wait3A_366 : memref<10000x128xf32, #tpu.memory_space<vmem_shared>>)
          %dma_wait3A_367 = arith.constant 0 : i32
          %dma_wait3A_368 = arith.constant 0 : i32
          %dma_wait3A_369 = arith.constant 0 : i32
          %dma_wait3A_370 = tpu.memref_slice %arg10[%dma_wait3A_367, %dma_wait3A_368, %dma_wait3A_369] : memref<3x2x80xi32, #tpu.memory_space<vmem>> -> memref<1x1x80xi32, #tpu.memory_space<vmem>>
          %dma_wait3A_371 = tpu.memref_squeeze %dma_wait3A_370 : memref<1x1x80xi32, #tpu.memory_space<vmem>> -> memref<80xi32, #tpu.memory_space<vmem>>
          %dma_wait3A_372 = arith.constant 0 : i32
          %dma_wait3A_373 = arith.constant 0 : i32
          %dma_wait3A_374 = tpu.memref_slice %arg12[%dma_wait3A_372, %dma_wait3A_373] : memref<10000x16xf32, #tpu.memory_space<vmem_shared>> -> memref<10000x16xf32, #tpu.memory_space<vmem_shared>>
          tpu.wait_indirect_dma semaphore(%arg29 : memref<!tpu.dma_semaphore, #tpu.memory_space<semaphore_mem>>) src(%arg17 : memref<80x16xf32, #tpu.memory_space<vmem>>) dst(%dma_wait3A_374 : memref<10000x16xf32, #tpu.memory_space<vmem_shared>>)
        } else {
        }
        %dma_start3A_219 = arith.constant 1 : i32
        %dma_start3A_220 = arith.constant 1 : i32
        %dma_start3A_221 = arith.constant 0 : i32
        %dma_start3A_222 = tpu.memref_slice %arg10[%dma_start3A_219, %dma_start3A_220, %dma_start3A_221] : memref<3x2x80xi32, #tpu.memory_space<vmem>> -> memref<1x1x80xi32, #tpu.memory_space<vmem>>
        %dma_start3A_223 = tpu.memref_squeeze %dma_start3A_222 : memref<1x1x80xi32, #tpu.memory_space<vmem>> -> memref<80xi32, #tpu.memory_space<vmem>>
        %dma_start3A_224 = arith.constant 0 : i32
        %dma_start3A_225 = arith.constant 0 : i32
        %dma_start3A_226 = tpu.memref_slice %arg2[%dma_start3A_224, %dma_start3A_225] : memref<5000x128xf32, #tpu.memory_space<hbm>> -> memref<5000x128xf32, #tpu.memory_space<hbm>>
        tpu.enqueue_indirect_dma source(%dma_start3A_226 : memref<5000x128xf32, #tpu.memory_space<hbm>>) target(%arg14 : memref<80x128xf32, #tpu.memory_space<vmem>>) offsets(%dma_start3A_223 : memref<80xi32, #tpu.memory_space<vmem>>) semaphore(%arg20 : memref<!tpu.dma_semaphore, #tpu.memory_space<semaphore_mem>>)
        %dma_start3A_227 = arith.constant 1 : i32
        %dma_start3A_228 = arith.constant 1 : i32
        %dma_start3A_229 = arith.constant 0 : i32
        %dma_start3A_230 = tpu.memref_slice %arg10[%dma_start3A_227, %dma_start3A_228, %dma_start3A_229] : memref<3x2x80xi32, #tpu.memory_space<vmem>> -> memref<1x1x80xi32, #tpu.memory_space<vmem>>
        %dma_start3A_231 = tpu.memref_squeeze %dma_start3A_230 : memref<1x1x80xi32, #tpu.memory_space<vmem>> -> memref<80xi32, #tpu.memory_space<vmem>>
        %dma_start3A_232 = arith.constant 0 : i32
        %dma_start3A_233 = arith.constant 0 : i32
        %dma_start3A_234 = tpu.memref_slice %arg3[%dma_start3A_232, %dma_start3A_233] : memref<5000x16xf32, #tpu.memory_space<hbm>> -> memref<5000x16xf32, #tpu.memory_space<hbm>>
        tpu.enqueue_indirect_dma source(%dma_start3A_234 : memref<5000x16xf32, #tpu.memory_space<hbm>>) target(%arg17 : memref<80x16xf32, #tpu.memory_space<vmem>>) offsets(%dma_start3A_231 : memref<80xi32, #tpu.memory_space<vmem>>) semaphore(%arg23 : memref<!tpu.dma_semaphore, #tpu.memory_space<semaphore_mem>>)
        %gt3A_235 = arith.constant 0 : i32
        %gt3A_236 = arith.cmpi sgt, %scan3A_150, %gt3A_235 : i32
        %convert_element_type3A_237 = arith.extui %gt3A_236 : i1 to i32
        %cond3A_238 = arith.constant 0 : i32
        %cond3A_239 = arith.cmpi ne, %convert_element_type3A_237, %cond3A_238 : i32
        scf.if %cond3A_239 {
          %dma_wait3A_359 = arith.constant 0 : i32
          %dma_wait3A_360 = arith.constant 0 : i32
          %dma_wait3A_361 = arith.constant 0 : i32
          %dma_wait3A_362 = tpu.memref_slice %arg10[%dma_wait3A_359, %dma_wait3A_360, %dma_wait3A_361] : memref<3x2x80xi32, #tpu.memory_space<vmem>> -> memref<1x1x80xi32, #tpu.memory_space<vmem>>
          %dma_wait3A_363 = tpu.memref_squeeze %dma_wait3A_362 : memref<1x1x80xi32, #tpu.memory_space<vmem>> -> memref<80xi32, #tpu.memory_space<vmem>>
          %dma_wait3A_364 = arith.constant 0 : i32
          %dma_wait3A_365 = arith.constant 0 : i32
          %dma_wait3A_366 = tpu.memref_slice %arg11[%dma_wait3A_364, %dma_wait3A_365] : memref<10000x128xf32, #tpu.memory_space<vmem_shared>> -> memref<10000x128xf32, #tpu.memory_space<vmem_shared>>
          tpu.wait_indirect_dma semaphore(%arg27 : memref<!tpu.dma_semaphore, #tpu.memory_space<semaphore_mem>>) src(%arg15 : memref<80x128xf32, #tpu.memory_space<vmem>>) dst(%dma_wait3A_366 : memref<10000x128xf32, #tpu.memory_space<vmem_shared>>)
          %dma_wait3A_367 = arith.constant 0 : i32
          %dma_wait3A_368 = arith.constant 0 : i32
          %dma_wait3A_369 = arith.constant 0 : i32
          %dma_wait3A_370 = tpu.memref_slice %arg10[%dma_wait3A_367, %dma_wait3A_368, %dma_wait3A_369] : memref<3x2x80xi32, #tpu.memory_space<vmem>> -> memref<1x1x80xi32, #tpu.memory_space<vmem>>
          %dma_wait3A_371 = tpu.memref_squeeze %dma_wait3A_370 : memref<1x1x80xi32, #tpu.memory_space<vmem>> -> memref<80xi32, #tpu.memory_space<vmem>>
          %dma_wait3A_372 = arith.constant 0 : i32
          %dma_wait3A_373 = arith.constant 0 : i32
          %dma_wait3A_374 = tpu.memref_slice %arg12[%dma_wait3A_372, %dma_wait3A_373] : memref<10000x16xf32, #tpu.memory_space<vmem_shared>> -> memref<10000x16xf32, #tpu.memory_space<vmem_shared>>
          tpu.wait_indirect_dma semaphore(%arg30 : memref<!tpu.dma_semaphore, #tpu.memory_space<semaphore_mem>>) src(%arg18 : memref<80x16xf32, #tpu.memory_space<vmem>>) dst(%dma_wait3A_374 : memref<10000x16xf32, #tpu.memory_space<vmem_shared>>)
        } else {
        }
        %dma_start3A_240 = arith.constant 2 : i32
        %dma_start3A_241 = arith.constant 1 : i32
        %dma_start3A_242 = arith.constant 0 : i32
        %dma_start3A_243 = tpu.memref_slice %arg10[%dma_start3A_240, %dma_start3A_241, %dma_start3A_242] : memref<3x2x80xi32, #tpu.memory_space<vmem>> -> memref<1x1x80xi32, #tpu.memory_space<vmem>>
        %dma_start3A_244 = tpu.memref_squeeze %dma_start3A_243 : memref<1x1x80xi32, #tpu.memory_space<vmem>> -> memref<80xi32, #tpu.memory_space<vmem>>
        %dma_start3A_245 = arith.constant 0 : i32
        %dma_start3A_246 = arith.constant 0 : i32
        %dma_start3A_247 = tpu.memref_slice %arg2[%dma_start3A_245, %dma_start3A_246] : memref<5000x128xf32, #tpu.memory_space<hbm>> -> memref<5000x128xf32, #tpu.memory_space<hbm>>
        tpu.enqueue_indirect_dma source(%dma_start3A_247 : memref<5000x128xf32, #tpu.memory_space<hbm>>) target(%arg15 : memref<80x128xf32, #tpu.memory_space<vmem>>) offsets(%dma_start3A_244 : memref<80xi32, #tpu.memory_space<vmem>>) semaphore(%arg21 : memref<!tpu.dma_semaphore, #tpu.memory_space<semaphore_mem>>)
        %dma_start3A_248 = arith.constant 2 : i32
        %dma_start3A_249 = arith.constant 1 : i32
        %dma_start3A_250 = arith.constant 0 : i32
        %dma_start3A_251 = tpu.memref_slice %arg10[%dma_start3A_248, %dma_start3A_249, %dma_start3A_250] : memref<3x2x80xi32, #tpu.memory_space<vmem>> -> memref<1x1x80xi32, #tpu.memory_space<vmem>>
        %dma_start3A_252 = tpu.memref_squeeze %dma_start3A_251 : memref<1x1x80xi32, #tpu.memory_space<vmem>> -> memref<80xi32, #tpu.memory_space<vmem>>
        %dma_start3A_253 = arith.constant 0 : i32
        %dma_start3A_254 = arith.constant 0 : i32
        %dma_start3A_255 = tpu.memref_slice %arg3[%dma_start3A_253, %dma_start3A_254] : memref<5000x16xf32, #tpu.memory_space<hbm>> -> memref<5000x16xf32, #tpu.memory_space<hbm>>
        tpu.enqueue_indirect_dma source(%dma_start3A_255 : memref<5000x16xf32, #tpu.memory_space<hbm>>) target(%arg18 : memref<80x16xf32, #tpu.memory_space<vmem>>) offsets(%dma_start3A_252 : memref<80xi32, #tpu.memory_space<vmem>>) semaphore(%arg24 : memref<!tpu.dma_semaphore, #tpu.memory_space<semaphore_mem>>)
        %add3A_256 = arith.constant 1 : i32
        %add3A_257 = arith.addi %scan3A_150, %add3A_256 : i32
        %lt3A_258 = arith.constant 41 : i32
        %lt3A_259 = arith.cmpi slt, %add3A_257, %lt3A_258 : i32
        %convert_element_type3A_260 = arith.extui %lt3A_259 : i1 to i32
        %cond3A_261 = arith.constant 0 : i32
        %cond3A_262 = arith.cmpi ne, %convert_element_type3A_260, %cond3A_261 : i32
        scf.if %cond3A_262 {
          %add3A_359 = arith.constant 1 : i32
          %add3A_360 = arith.addi %scan3A_150, %add3A_359 : i32
          %mul3A_361 = arith.constant 3 : i32
          %mul3A_362 = arith.muli %add3A_360, %mul3A_361 : i32
          %dma_start3A_363 = arith.constant 0 : i32
          %dma_start3A_364 = arith.constant 0 : i32
          %dma_start3A_365 = tpu.memref_slice %arg4[%add3A, %mul3A_362, %dma_start3A_363, %dma_start3A_364] : memref<32x125x2x80xi32, #tpu.memory_space<hbm>> -> memref<1x3x2x80xi32, #tpu.memory_space<hbm>>
          %dma_start3A_366 = tpu.memref_squeeze %dma_start3A_365 : memref<1x3x2x80xi32, #tpu.memory_space<hbm>> -> memref<3x2x80xi32, #tpu.memory_space<hbm>>
          %dma_start3A_367 = arith.constant 0 : i32
          %dma_start3A_368 = arith.constant 0 : i32
          %dma_start3A_369 = tpu.memref_slice %arg4[%add3A, %mul3A_362, %dma_start3A_367, %dma_start3A_368] : memref<32x125x2x80xi32, #tpu.memory_space<hbm>> -> memref<1x3x2x80xi32, #tpu.memory_space<hbm>>
          %dma_start3A_370 = tpu.memref_squeeze %dma_start3A_369 : memref<1x3x2x80xi32, #tpu.memory_space<hbm>> -> memref<3x2x80xi32, #tpu.memory_space<hbm>>
          tpu.enqueue_dma source(%dma_start3A_370 : memref<3x2x80xi32, #tpu.memory_space<hbm>>) target(%arg9 : memref<3x2x80xi32, #tpu.memory_space<vmem>>) target_semaphore(%arg31 : memref<!tpu.dma_semaphore, #tpu.memory_space<semaphore_mem>>)
        } else {
        }
        %dma_wait3A_263 = arith.constant 0 : i32
        %dma_wait3A_264 = arith.constant 1 : i32
        %dma_wait3A_265 = arith.constant 0 : i32
        %dma_wait3A_266 = tpu.memref_slice %arg10[%dma_wait3A_263, %dma_wait3A_264, %dma_wait3A_265] : memref<3x2x80xi32, #tpu.memory_space<vmem>> -> memref<1x1x80xi32, #tpu.memory_space<vmem>>
        %dma_wait3A_267 = tpu.memref_squeeze %dma_wait3A_266 : memref<1x1x80xi32, #tpu.memory_space<vmem>> -> memref<80xi32, #tpu.memory_space<vmem>>
        %dma_wait3A_268 = arith.constant 0 : i32
        %dma_wait3A_269 = arith.constant 0 : i32
        %dma_wait3A_270 = tpu.memref_slice %arg2[%dma_wait3A_268, %dma_wait3A_269] : memref<5000x128xf32, #tpu.memory_space<hbm>> -> memref<5000x128xf32, #tpu.memory_space<hbm>>
        tpu.wait_indirect_dma semaphore(%arg19 : memref<!tpu.dma_semaphore, #tpu.memory_space<semaphore_mem>>) src(%dma_wait3A_270 : memref<5000x128xf32, #tpu.memory_space<hbm>>) dst(%arg13 : memref<80x128xf32, #tpu.memory_space<vmem>>)
        %dma_start3A_271 = arith.constant 0 : i32
        %dma_start3A_272 = arith.constant 0 : i32
        %dma_start3A_273 = arith.constant 0 : i32
        %dma_start3A_274 = tpu.memref_slice %arg10[%dma_start3A_271, %dma_start3A_272, %dma_start3A_273] : memref<3x2x80xi32, #tpu.memory_space<vmem>> -> memref<1x1x80xi32, #tpu.memory_space<vmem>>
        %dma_start3A_275 = tpu.memref_squeeze %dma_start3A_274 : memref<1x1x80xi32, #tpu.memory_space<vmem>> -> memref<80xi32, #tpu.memory_space<vmem>>
        %dma_start3A_276 = arith.constant 0 : i32
        %dma_start3A_277 = arith.constant 0 : i32
        %dma_start3A_278 = tpu.memref_slice %arg11[%dma_start3A_276, %dma_start3A_277] : memref<10000x128xf32, #tpu.memory_space<vmem_shared>> -> memref<10000x128xf32, #tpu.memory_space<vmem_shared>>
        tpu.enqueue_indirect_dma source(%arg13 : memref<80x128xf32, #tpu.memory_space<vmem>>) target(%dma_start3A_278 : memref<10000x128xf32, #tpu.memory_space<vmem_shared>>) offsets(%dma_start3A_275 : memref<80xi32, #tpu.memory_space<vmem>>) semaphore(%arg25 : memref<!tpu.dma_semaphore, #tpu.memory_space<semaphore_mem>>) {add = true}
        %dma_wait3A_279 = arith.constant 0 : i32
        %dma_wait3A_280 = arith.constant 1 : i32
        %dma_wait3A_281 = arith.constant 0 : i32
        %dma_wait3A_282 = tpu.memref_slice %arg10[%dma_wait3A_279, %dma_wait3A_280, %dma_wait3A_281] : memref<3x2x80xi32, #tpu.memory_space<vmem>> -> memref<1x1x80xi32, #tpu.memory_space<vmem>>
        %dma_wait3A_283 = tpu.memref_squeeze %dma_wait3A_282 : memref<1x1x80xi32, #tpu.memory_space<vmem>> -> memref<80xi32, #tpu.memory_space<vmem>>
        %dma_wait3A_284 = arith.constant 0 : i32
        %dma_wait3A_285 = arith.constant 0 : i32
        %dma_wait3A_286 = tpu.memref_slice %arg3[%dma_wait3A_284, %dma_wait3A_285] : memref<5000x16xf32, #tpu.memory_space<hbm>> -> memref<5000x16xf32, #tpu.memory_space<hbm>>
        tpu.wait_indirect_dma semaphore(%arg22 : memref<!tpu.dma_semaphore, #tpu.memory_space<semaphore_mem>>) src(%dma_wait3A_286 : memref<5000x16xf32, #tpu.memory_space<hbm>>) dst(%arg16 : memref<80x16xf32, #tpu.memory_space<vmem>>)
        %dma_start3A_287 = arith.constant 0 : i32
        %dma_start3A_288 = arith.constant 0 : i32
        %dma_start3A_289 = arith.constant 0 : i32
        %dma_start3A_290 = tpu.memref_slice %arg10[%dma_start3A_287, %dma_start3A_288, %dma_start3A_289] : memref<3x2x80xi32, #tpu.memory_space<vmem>> -> memref<1x1x80xi32, #tpu.memory_space<vmem>>
        %dma_start3A_291 = tpu.memref_squeeze %dma_start3A_290 : memref<1x1x80xi32, #tpu.memory_space<vmem>> -> memref<80xi32, #tpu.memory_space<vmem>>
        %dma_start3A_292 = arith.constant 0 : i32
        %dma_start3A_293 = arith.constant 0 : i32
        %dma_start3A_294 = tpu.memref_slice %arg12[%dma_start3A_292, %dma_start3A_293] : memref<10000x16xf32, #tpu.memory_space<vmem_shared>> -> memref<10000x16xf32, #tpu.memory_space<vmem_shared>>
        tpu.enqueue_indirect_dma source(%arg16 : memref<80x16xf32, #tpu.memory_space<vmem>>) target(%dma_start3A_294 : memref<10000x16xf32, #tpu.memory_space<vmem_shared>>) offsets(%dma_start3A_291 : memref<80xi32, #tpu.memory_space<vmem>>) semaphore(%arg28 : memref<!tpu.dma_semaphore, #tpu.memory_space<semaphore_mem>>) {add = true}
        %dma_wait3A_295 = arith.constant 1 : i32
        %dma_wait3A_296 = arith.constant 1 : i32
        %dma_wait3A_297 = arith.constant 0 : i32
        %dma_wait3A_298 = tpu.memref_slice %arg10[%dma_wait3A_295, %dma_wait3A_296, %dma_wait3A_297] : memref<3x2x80xi32, #tpu.memory_space<vmem>> -> memref<1x1x80xi32, #tpu.memory_space<vmem>>
        %dma_wait3A_299 = tpu.memref_squeeze %dma_wait3A_298 : memref<1x1x80xi32, #tpu.memory_space<vmem>> -> memref<80xi32, #tpu.memory_space<vmem>>
        %dma_wait3A_300 = arith.constant 0 : i32
        %dma_wait3A_301 = arith.constant 0 : i32
        %dma_wait3A_302 = tpu.memref_slice %arg2[%dma_wait3A_300, %dma_wait3A_301] : memref<5000x128xf32, #tpu.memory_space<hbm>> -> memref<5000x128xf32, #tpu.memory_space<hbm>>
        tpu.wait_indirect_dma semaphore(%arg20 : memref<!tpu.dma_semaphore, #tpu.memory_space<semaphore_mem>>) src(%dma_wait3A_302 : memref<5000x128xf32, #tpu.memory_space<hbm>>) dst(%arg14 : memref<80x128xf32, #tpu.memory_space<vmem>>)
        %dma_start3A_303 = arith.constant 1 : i32
        %dma_start3A_304 = arith.constant 0 : i32
        %dma_start3A_305 = arith.constant 0 : i32
        %dma_start3A_306 = tpu.memref_slice %arg10[%dma_start3A_303, %dma_start3A_304, %dma_start3A_305] : memref<3x2x80xi32, #tpu.memory_space<vmem>> -> memref<1x1x80xi32, #tpu.memory_space<vmem>>
        %dma_start3A_307 = tpu.memref_squeeze %dma_start3A_306 : memref<1x1x80xi32, #tpu.memory_space<vmem>> -> memref<80xi32, #tpu.memory_space<vmem>>
        %dma_start3A_308 = arith.constant 0 : i32
        %dma_start3A_309 = arith.constant 0 : i32
        %dma_start3A_310 = tpu.memref_slice %arg11[%dma_start3A_308, %dma_start3A_309] : memref<10000x128xf32, #tpu.memory_space<vmem_shared>> -> memref<10000x128xf32, #tpu.memory_space<vmem_shared>>
        tpu.enqueue_indirect_dma source(%arg14 : memref<80x128xf32, #tpu.memory_space<vmem>>) target(%dma_start3A_310 : memref<10000x128xf32, #tpu.memory_space<vmem_shared>>) offsets(%dma_start3A_307 : memref<80xi32, #tpu.memory_space<vmem>>) semaphore(%arg26 : memref<!tpu.dma_semaphore, #tpu.memory_space<semaphore_mem>>) {add = true}
        %dma_wait3A_311 = arith.constant 1 : i32
        %dma_wait3A_312 = arith.constant 1 : i32
        %dma_wait3A_313 = arith.constant 0 : i32
        %dma_wait3A_314 = tpu.memref_slice %arg10[%dma_wait3A_311, %dma_wait3A_312, %dma_wait3A_313] : memref<3x2x80xi32, #tpu.memory_space<vmem>> -> memref<1x1x80xi32, #tpu.memory_space<vmem>>
        %dma_wait3A_315 = tpu.memref_squeeze %dma_wait3A_314 : memref<1x1x80xi32, #tpu.memory_space<vmem>> -> memref<80xi32, #tpu.memory_space<vmem>>
        %dma_wait3A_316 = arith.constant 0 : i32
        %dma_wait3A_317 = arith.constant 0 : i32
        %dma_wait3A_318 = tpu.memref_slice %arg3[%dma_wait3A_316, %dma_wait3A_317] : memref<5000x16xf32, #tpu.memory_space<hbm>> -> memref<5000x16xf32, #tpu.memory_space<hbm>>
        tpu.wait_indirect_dma semaphore(%arg23 : memref<!tpu.dma_semaphore, #tpu.memory_space<semaphore_mem>>) src(%dma_wait3A_318 : memref<5000x16xf32, #tpu.memory_space<hbm>>) dst(%arg17 : memref<80x16xf32, #tpu.memory_space<vmem>>)
        %dma_start3A_319 = arith.constant 1 : i32
        %dma_start3A_320 = arith.constant 0 : i32
        %dma_start3A_321 = arith.constant 0 : i32
        %dma_start3A_322 = tpu.memref_slice %arg10[%dma_start3A_319, %dma_start3A_320, %dma_start3A_321] : memref<3x2x80xi32, #tpu.memory_space<vmem>> -> memref<1x1x80xi32, #tpu.memory_space<vmem>>
        %dma_start3A_323 = tpu.memref_squeeze %dma_start3A_322 : memref<1x1x80xi32, #tpu.memory_space<vmem>> -> memref<80xi32, #tpu.memory_space<vmem>>
        %dma_start3A_324 = arith.constant 0 : i32
        %dma_start3A_325 = arith.constant 0 : i32
        %dma_start3A_326 = tpu.memref_slice %arg12[%dma_start3A_324, %dma_start3A_325] : memref<10000x16xf32, #tpu.memory_space<vmem_shared>> -> memref<10000x16xf32, #tpu.memory_space<vmem_shared>>
        tpu.enqueue_indirect_dma source(%arg17 : memref<80x16xf32, #tpu.memory_space<vmem>>) target(%dma_start3A_326 : memref<10000x16xf32, #tpu.memory_space<vmem_shared>>) offsets(%dma_start3A_323 : memref<80xi32, #tpu.memory_space<vmem>>) semaphore(%arg29 : memref<!tpu.dma_semaphore, #tpu.memory_space<semaphore_mem>>) {add = true}
        %dma_wait3A_327 = arith.constant 2 : i32
        %dma_wait3A_328 = arith.constant 1 : i32
        %dma_wait3A_329 = arith.constant 0 : i32
        %dma_wait3A_330 = tpu.memref_slice %arg10[%dma_wait3A_327, %dma_wait3A_328, %dma_wait3A_329] : memref<3x2x80xi32, #tpu.memory_space<vmem>> -> memref<1x1x80xi32, #tpu.memory_space<vmem>>
        %dma_wait3A_331 = tpu.memref_squeeze %dma_wait3A_330 : memref<1x1x80xi32, #tpu.memory_space<vmem>> -> memref<80xi32, #tpu.memory_space<vmem>>
        %dma_wait3A_332 = arith.constant 0 : i32
        %dma_wait3A_333 = arith.constant 0 : i32
        %dma_wait3A_334 = tpu.memref_slice %arg2[%dma_wait3A_332, %dma_wait3A_333] : memref<5000x128xf32, #tpu.memory_space<hbm>> -> memref<5000x128xf32, #tpu.memory_space<hbm>>
        tpu.wait_indirect_dma semaphore(%arg21 : memref<!tpu.dma_semaphore, #tpu.memory_space<semaphore_mem>>) src(%dma_wait3A_334 : memref<5000x128xf32, #tpu.memory_space<hbm>>) dst(%arg15 : memref<80x128xf32, #tpu.memory_space<vmem>>)
        %dma_start3A_335 = arith.constant 2 : i32
        %dma_start3A_336 = arith.constant 0 : i32
        %dma_start3A_337 = arith.constant 0 : i32
        %dma_start3A_338 = tpu.memref_slice %arg10[%dma_start3A_335, %dma_start3A_336, %dma_start3A_337] : memref<3x2x80xi32, #tpu.memory_space<vmem>> -> memref<1x1x80xi32, #tpu.memory_space<vmem>>
        %dma_start3A_339 = tpu.memref_squeeze %dma_start3A_338 : memref<1x1x80xi32, #tpu.memory_space<vmem>> -> memref<80xi32, #tpu.memory_space<vmem>>
        %dma_start3A_340 = arith.constant 0 : i32
        %dma_start3A_341 = arith.constant 0 : i32
        %dma_start3A_342 = tpu.memref_slice %arg11[%dma_start3A_340, %dma_start3A_341] : memref<10000x128xf32, #tpu.memory_space<vmem_shared>> -> memref<10000x128xf32, #tpu.memory_space<vmem_shared>>
        tpu.enqueue_indirect_dma source(%arg15 : memref<80x128xf32, #tpu.memory_space<vmem>>) target(%dma_start3A_342 : memref<10000x128xf32, #tpu.memory_space<vmem_shared>>) offsets(%dma_start3A_339 : memref<80xi32, #tpu.memory_space<vmem>>) semaphore(%arg27 : memref<!tpu.dma_semaphore, #tpu.memory_space<semaphore_mem>>) {add = true}
        %dma_wait3A_343 = arith.constant 2 : i32
        %dma_wait3A_344 = arith.constant 1 : i32
        %dma_wait3A_345 = arith.constant 0 : i32
        %dma_wait3A_346 = tpu.memref_slice %arg10[%dma_wait3A_343, %dma_wait3A_344, %dma_wait3A_345] : memref<3x2x80xi32, #tpu.memory_space<vmem>> -> memref<1x1x80xi32, #tpu.memory_space<vmem>>
        %dma_wait3A_347 = tpu.memref_squeeze %dma_wait3A_346 : memref<1x1x80xi32, #tpu.memory_space<vmem>> -> memref<80xi32, #tpu.memory_space<vmem>>
        %dma_wait3A_348 = arith.constant 0 : i32
        %dma_wait3A_349 = arith.constant 0 : i32
        %dma_wait3A_350 = tpu.memref_slice %arg3[%dma_wait3A_348, %dma_wait3A_349] : memref<5000x16xf32, #tpu.memory_space<hbm>> -> memref<5000x16xf32, #tpu.memory_space<hbm>>
        tpu.wait_indirect_dma semaphore(%arg24 : memref<!tpu.dma_semaphore, #tpu.memory_space<semaphore_mem>>) src(%dma_wait3A_350 : memref<5000x16xf32, #tpu.memory_space<hbm>>) dst(%arg18 : memref<80x16xf32, #tpu.memory_space<vmem>>)
        %dma_start3A_351 = arith.constant 2 : i32
        %dma_start3A_352 = arith.constant 0 : i32
        %dma_start3A_353 = arith.constant 0 : i32
        %dma_start3A_354 = tpu.memref_slice %arg10[%dma_start3A_351, %dma_start3A_352, %dma_start3A_353] : memref<3x2x80xi32, #tpu.memory_space<vmem>> -> memref<1x1x80xi32, #tpu.memory_space<vmem>>
        %dma_start3A_355 = tpu.memref_squeeze %dma_start3A_354 : memref<1x1x80xi32, #tpu.memory_space<vmem>> -> memref<80xi32, #tpu.memory_space<vmem>>
        %dma_start3A_356 = arith.constant 0 : i32
        %dma_start3A_357 = arith.constant 0 : i32
        %dma_start3A_358 = tpu.memref_slice %arg12[%dma_start3A_356, %dma_start3A_357] : memref<10000x16xf32, #tpu.memory_space<vmem_shared>> -> memref<10000x16xf32, #tpu.memory_space<vmem_shared>>
        tpu.enqueue_indirect_dma source(%arg18 : memref<80x16xf32, #tpu.memory_space<vmem>>) target(%dma_start3A_358 : memref<10000x16xf32, #tpu.memory_space<vmem_shared>>) offsets(%dma_start3A_355 : memref<80xi32, #tpu.memory_space<vmem>>) semaphore(%arg30 : memref<!tpu.dma_semaphore, #tpu.memory_space<semaphore_mem>>) {add = true}
      } else {
      }
    }
    %scan3A_22 = arith.constant 41 : i32
    %dma_wait3A = arith.constant 0 : i32
    %dma_wait3A_23 = arith.constant 0 : i32
    %dma_wait3A_24 = arith.constant 0 : i32
    %dma_wait3A_25 = tpu.memref_slice %arg9[%dma_wait3A, %dma_wait3A_23, %dma_wait3A_24] : memref<3x2x80xi32, #tpu.memory_space<vmem>> -> memref<1x1x80xi32, #tpu.memory_space<vmem>>
    %dma_wait3A_26 = tpu.memref_squeeze %dma_wait3A_25 : memref<1x1x80xi32, #tpu.memory_space<vmem>> -> memref<80xi32, #tpu.memory_space<vmem>>
    %dma_wait3A_27 = arith.constant 0 : i32
    %dma_wait3A_28 = arith.constant 0 : i32
    %dma_wait3A_29 = tpu.memref_slice %arg11[%dma_wait3A_27, %dma_wait3A_28] : memref<10000x128xf32, #tpu.memory_space<vmem_shared>> -> memref<10000x128xf32, #tpu.memory_space<vmem_shared>>
    tpu.wait_indirect_dma semaphore(%arg25 : memref<!tpu.dma_semaphore, #tpu.memory_space<semaphore_mem>>) src(%arg13 : memref<80x128xf32, #tpu.memory_space<vmem>>) dst(%dma_wait3A_29 : memref<10000x128xf32, #tpu.memory_space<vmem_shared>>)
    %dma_wait3A_30 = arith.constant 0 : i32
    %dma_wait3A_31 = arith.constant 0 : i32
    %dma_wait3A_32 = arith.constant 0 : i32
    %dma_wait3A_33 = tpu.memref_slice %arg9[%dma_wait3A_30, %dma_wait3A_31, %dma_wait3A_32] : memref<3x2x80xi32, #tpu.memory_space<vmem>> -> memref<1x1x80xi32, #tpu.memory_space<vmem>>
    %dma_wait3A_34 = tpu.memref_squeeze %dma_wait3A_33 : memref<1x1x80xi32, #tpu.memory_space<vmem>> -> memref<80xi32, #tpu.memory_space<vmem>>
    %dma_wait3A_35 = arith.constant 0 : i32
    %dma_wait3A_36 = arith.constant 0 : i32
    %dma_wait3A_37 = tpu.memref_slice %arg12[%dma_wait3A_35, %dma_wait3A_36] : memref<10000x16xf32, #tpu.memory_space<vmem_shared>> -> memref<10000x16xf32, #tpu.memory_space<vmem_shared>>
    tpu.wait_indirect_dma semaphore(%arg28 : memref<!tpu.dma_semaphore, #tpu.memory_space<semaphore_mem>>) src(%arg16 : memref<80x16xf32, #tpu.memory_space<vmem>>) dst(%dma_wait3A_37 : memref<10000x16xf32, #tpu.memory_space<vmem_shared>>)
    %dma_wait3A_38 = arith.constant 0 : i32
    %dma_wait3A_39 = arith.constant 0 : i32
    %dma_wait3A_40 = arith.constant 0 : i32
    %dma_wait3A_41 = tpu.memref_slice %arg9[%dma_wait3A_38, %dma_wait3A_39, %dma_wait3A_40] : memref<3x2x80xi32, #tpu.memory_space<vmem>> -> memref<1x1x80xi32, #tpu.memory_space<vmem>>
    %dma_wait3A_42 = tpu.memref_squeeze %dma_wait3A_41 : memref<1x1x80xi32, #tpu.memory_space<vmem>> -> memref<80xi32, #tpu.memory_space<vmem>>
    %dma_wait3A_43 = arith.constant 0 : i32
    %dma_wait3A_44 = arith.constant 0 : i32
    %dma_wait3A_45 = tpu.memref_slice %arg11[%dma_wait3A_43, %dma_wait3A_44] : memref<10000x128xf32, #tpu.memory_space<vmem_shared>> -> memref<10000x128xf32, #tpu.memory_space<vmem_shared>>
    tpu.wait_indirect_dma semaphore(%arg26 : memref<!tpu.dma_semaphore, #tpu.memory_space<semaphore_mem>>) src(%arg14 : memref<80x128xf32, #tpu.memory_space<vmem>>) dst(%dma_wait3A_45 : memref<10000x128xf32, #tpu.memory_space<vmem_shared>>)
    %dma_wait3A_46 = arith.constant 0 : i32
    %dma_wait3A_47 = arith.constant 0 : i32
    %dma_wait3A_48 = arith.constant 0 : i32
    %dma_wait3A_49 = tpu.memref_slice %arg9[%dma_wait3A_46, %dma_wait3A_47, %dma_wait3A_48] : memref<3x2x80xi32, #tpu.memory_space<vmem>> -> memref<1x1x80xi32, #tpu.memory_space<vmem>>
    %dma_wait3A_50 = tpu.memref_squeeze %dma_wait3A_49 : memref<1x1x80xi32, #tpu.memory_space<vmem>> -> memref<80xi32, #tpu.memory_space<vmem>>
    %dma_wait3A_51 = arith.constant 0 : i32
    %dma_wait3A_52 = arith.constant 0 : i32
    %dma_wait3A_53 = tpu.memref_slice %arg12[%dma_wait3A_51, %dma_wait3A_52] : memref<10000x16xf32, #tpu.memory_space<vmem_shared>> -> memref<10000x16xf32, #tpu.memory_space<vmem_shared>>
    tpu.wait_indirect_dma semaphore(%arg29 : memref<!tpu.dma_semaphore, #tpu.memory_space<semaphore_mem>>) src(%arg17 : memref<80x16xf32, #tpu.memory_space<vmem>>) dst(%dma_wait3A_53 : memref<10000x16xf32, #tpu.memory_space<vmem_shared>>)
    %dma_wait3A_54 = arith.constant 0 : i32
    %dma_wait3A_55 = arith.constant 0 : i32
    %dma_wait3A_56 = arith.constant 0 : i32
    %dma_wait3A_57 = tpu.memref_slice %arg9[%dma_wait3A_54, %dma_wait3A_55, %dma_wait3A_56] : memref<3x2x80xi32, #tpu.memory_space<vmem>> -> memref<1x1x80xi32, #tpu.memory_space<vmem>>
    %dma_wait3A_58 = tpu.memref_squeeze %dma_wait3A_57 : memref<1x1x80xi32, #tpu.memory_space<vmem>> -> memref<80xi32, #tpu.memory_space<vmem>>
    %dma_wait3A_59 = arith.constant 0 : i32
    %dma_wait3A_60 = arith.constant 0 : i32
    %dma_wait3A_61 = tpu.memref_slice %arg11[%dma_wait3A_59, %dma_wait3A_60] : memref<10000x128xf32, #tpu.memory_space<vmem_shared>> -> memref<10000x128xf32, #tpu.memory_space<vmem_shared>>
    tpu.wait_indirect_dma semaphore(%arg27 : memref<!tpu.dma_semaphore, #tpu.memory_space<semaphore_mem>>) src(%arg15 : memref<80x128xf32, #tpu.memory_space<vmem>>) dst(%dma_wait3A_61 : memref<10000x128xf32, #tpu.memory_space<vmem_shared>>)
    %dma_wait3A_62 = arith.constant 0 : i32
    %dma_wait3A_63 = arith.constant 0 : i32
    %dma_wait3A_64 = arith.constant 0 : i32
    %dma_wait3A_65 = tpu.memref_slice %arg9[%dma_wait3A_62, %dma_wait3A_63, %dma_wait3A_64] : memref<3x2x80xi32, #tpu.memory_space<vmem>> -> memref<1x1x80xi32, #tpu.memory_space<vmem>>
    %dma_wait3A_66 = tpu.memref_squeeze %dma_wait3A_65 : memref<1x1x80xi32, #tpu.memory_space<vmem>> -> memref<80xi32, #tpu.memory_space<vmem>>
    %dma_wait3A_67 = arith.constant 0 : i32
    %dma_wait3A_68 = arith.constant 0 : i32
    %dma_wait3A_69 = tpu.memref_slice %arg12[%dma_wait3A_67, %dma_wait3A_68] : memref<10000x16xf32, #tpu.memory_space<vmem_shared>> -> memref<10000x16xf32, #tpu.memory_space<vmem_shared>>
    tpu.wait_indirect_dma semaphore(%arg30 : memref<!tpu.dma_semaphore, #tpu.memory_space<semaphore_mem>>) src(%arg18 : memref<80x16xf32, #tpu.memory_space<vmem>>) dst(%dma_wait3A_69 : memref<10000x16xf32, #tpu.memory_space<vmem_shared>>)
    "tpu.region"() ({
      %run_scoped3A_150 = tpu.sem_alloc : memref<!tpu.dma_semaphore, #tpu.memory_space<semaphore_mem>>
      %dma_start3A_151 = arith.constant 0 : i32
      %dma_start3A_152 = arith.constant 0 : i32
      %dma_start3A_153 = arith.constant 0 : i32
      %dma_start3A_154 = tpu.memref_slice %arg9[%dma_start3A_151, %dma_start3A_152, %dma_start3A_153] : memref<3x2x80xi32, #tpu.memory_space<vmem>> -> memref<2x2x80xi32, #tpu.memory_space<vmem>>
      %dma_start3A_155 = arith.constant 123 : i32
      %dma_start3A_156 = arith.constant 0 : i32
      %dma_start3A_157 = arith.constant 0 : i32
      %dma_start3A_158 = tpu.memref_slice %arg4[%add3A, %dma_start3A_155, %dma_start3A_156, %dma_start3A_157] : memref<32x125x2x80xi32, #tpu.memory_space<hbm>> -> memref<1x2x2x80xi32, #tpu.memory_space<hbm>>
      %dma_start3A_159 = tpu.memref_squeeze %dma_start3A_158 : memref<1x2x2x80xi32, #tpu.memory_space<hbm>> -> memref<2x2x80xi32, #tpu.memory_space<hbm>>
      %dma_start3A_160 = arith.constant 0 : i32
      %dma_start3A_161 = arith.constant 0 : i32
      %dma_start3A_162 = arith.constant 0 : i32
      %dma_start3A_163 = tpu.memref_slice %arg9[%dma_start3A_160, %dma_start3A_161, %dma_start3A_162] : memref<3x2x80xi32, #tpu.memory_space<vmem>> -> memref<2x2x80xi32, #tpu.memory_space<vmem>>
      %dma_start3A_164 = arith.constant 123 : i32
      %dma_start3A_165 = arith.constant 0 : i32
      %dma_start3A_166 = arith.constant 0 : i32
      %dma_start3A_167 = tpu.memref_slice %arg4[%add3A, %dma_start3A_164, %dma_start3A_165, %dma_start3A_166] : memref<32x125x2x80xi32, #tpu.memory_space<hbm>> -> memref<1x2x2x80xi32, #tpu.memory_space<hbm>>
      %dma_start3A_168 = tpu.memref_squeeze %dma_start3A_167 : memref<1x2x2x80xi32, #tpu.memory_space<hbm>> -> memref<2x2x80xi32, #tpu.memory_space<hbm>>
      tpu.enqueue_dma source(%dma_start3A_168 : memref<2x2x80xi32, #tpu.memory_space<hbm>>) target(%dma_start3A_163 : memref<2x2x80xi32, #tpu.memory_space<vmem>>) target_semaphore(%run_scoped3A_150 : memref<!tpu.dma_semaphore, #tpu.memory_space<semaphore_mem>>)
      %dma_wait3A_169 = arith.constant 0 : i32
      %dma_wait3A_170 = arith.constant 0 : i32
      %dma_wait3A_171 = arith.constant 0 : i32
      %dma_wait3A_172 = tpu.memref_slice %arg9[%dma_wait3A_169, %dma_wait3A_170, %dma_wait3A_171] : memref<3x2x80xi32, #tpu.memory_space<vmem>> -> memref<2x2x80xi32, #tpu.memory_space<vmem>>
      %dma_wait3A_173 = arith.constant 123 : i32
      %dma_wait3A_174 = arith.constant 0 : i32
      %dma_wait3A_175 = arith.constant 0 : i32
      %dma_wait3A_176 = tpu.memref_slice %arg4[%add3A, %dma_wait3A_173, %dma_wait3A_174, %dma_wait3A_175] : memref<32x125x2x80xi32, #tpu.memory_space<hbm>> -> memref<1x2x2x80xi32, #tpu.memory_space<hbm>>
      %dma_wait3A_177 = tpu.memref_squeeze %dma_wait3A_176 : memref<1x2x2x80xi32, #tpu.memory_space<hbm>> -> memref<2x2x80xi32, #tpu.memory_space<hbm>>
      %dma_wait3A_178 = arith.constant 0 : i32
      %dma_wait3A_179 = arith.constant 0 : i32
      %dma_wait3A_180 = arith.constant 0 : i32
      %dma_wait3A_181 = tpu.memref_slice %arg9[%dma_wait3A_178, %dma_wait3A_179, %dma_wait3A_180] : memref<3x2x80xi32, #tpu.memory_space<vmem>> -> memref<2x2x80xi32, #tpu.memory_space<vmem>>
      %dma_wait3A_182 = arith.constant 123 : i32
      %dma_wait3A_183 = arith.constant 0 : i32
      %dma_wait3A_184 = arith.constant 0 : i32
      %dma_wait3A_185 = tpu.memref_slice %arg4[%add3A, %dma_wait3A_182, %dma_wait3A_183, %dma_wait3A_184] : memref<32x125x2x80xi32, #tpu.memory_space<hbm>> -> memref<1x2x2x80xi32, #tpu.memory_space<hbm>>
      %dma_wait3A_186 = tpu.memref_squeeze %dma_wait3A_185 : memref<1x2x2x80xi32, #tpu.memory_space<hbm>> -> memref<2x2x80xi32, #tpu.memory_space<hbm>>
      tpu.wait_dma2 semaphore(%run_scoped3A_150 : memref<!tpu.dma_semaphore, #tpu.memory_space<semaphore_mem>>) src(%dma_wait3A_186 : memref<2x2x80xi32, #tpu.memory_space<hbm>>) dst(%dma_wait3A_181 : memref<2x2x80xi32, #tpu.memory_space<vmem>>)
      tpu.yield
    }) : () -> ()
    %dma_start3A_70 = arith.constant 0 : i32
    %dma_start3A_71 = arith.constant 1 : i32
    %dma_start3A_72 = arith.constant 0 : i32
    %dma_start3A_73 = tpu.memref_slice %arg9[%dma_start3A_70, %dma_start3A_71, %dma_start3A_72] : memref<3x2x80xi32, #tpu.memory_space<vmem>> -> memref<1x1x80xi32, #tpu.memory_space<vmem>>
    %dma_start3A_74 = tpu.memref_squeeze %dma_start3A_73 : memref<1x1x80xi32, #tpu.memory_space<vmem>> -> memref<80xi32, #tpu.memory_space<vmem>>
    %dma_start3A_75 = arith.constant 0 : i32
    %dma_start3A_76 = arith.constant 0 : i32
    %dma_start3A_77 = tpu.memref_slice %arg2[%dma_start3A_75, %dma_start3A_76] : memref<5000x128xf32, #tpu.memory_space<hbm>> -> memref<5000x128xf32, #tpu.memory_space<hbm>>
    tpu.enqueue_indirect_dma source(%dma_start3A_77 : memref<5000x128xf32, #tpu.memory_space<hbm>>) target(%arg13 : memref<80x128xf32, #tpu.memory_space<vmem>>) offsets(%dma_start3A_74 : memref<80xi32, #tpu.memory_space<vmem>>) semaphore(%arg19 : memref<!tpu.dma_semaphore, #tpu.memory_space<semaphore_mem>>)
    %dma_start3A_78 = arith.constant 0 : i32
    %dma_start3A_79 = arith.constant 1 : i32
    %dma_start3A_80 = arith.constant 0 : i32
    %dma_start3A_81 = tpu.memref_slice %arg9[%dma_start3A_78, %dma_start3A_79, %dma_start3A_80] : memref<3x2x80xi32, #tpu.memory_space<vmem>> -> memref<1x1x80xi32, #tpu.memory_space<vmem>>
    %dma_start3A_82 = tpu.memref_squeeze %dma_start3A_81 : memref<1x1x80xi32, #tpu.memory_space<vmem>> -> memref<80xi32, #tpu.memory_space<vmem>>
    %dma_start3A_83 = arith.constant 0 : i32
    %dma_start3A_84 = arith.constant 0 : i32
    %dma_start3A_85 = tpu.memref_slice %arg3[%dma_start3A_83, %dma_start3A_84] : memref<5000x16xf32, #tpu.memory_space<hbm>> -> memref<5000x16xf32, #tpu.memory_space<hbm>>
    tpu.enqueue_indirect_dma source(%dma_start3A_85 : memref<5000x16xf32, #tpu.memory_space<hbm>>) target(%arg16 : memref<80x16xf32, #tpu.memory_space<vmem>>) offsets(%dma_start3A_82 : memref<80xi32, #tpu.memory_space<vmem>>) semaphore(%arg22 : memref<!tpu.dma_semaphore, #tpu.memory_space<semaphore_mem>>)
    %dma_start3A_86 = arith.constant 1 : i32
    %dma_start3A_87 = arith.constant 1 : i32
    %dma_start3A_88 = arith.constant 0 : i32
    %dma_start3A_89 = tpu.memref_slice %arg9[%dma_start3A_86, %dma_start3A_87, %dma_start3A_88] : memref<3x2x80xi32, #tpu.memory_space<vmem>> -> memref<1x1x80xi32, #tpu.memory_space<vmem>>
    %dma_start3A_90 = tpu.memref_squeeze %dma_start3A_89 : memref<1x1x80xi32, #tpu.memory_space<vmem>> -> memref<80xi32, #tpu.memory_space<vmem>>
    %dma_start3A_91 = arith.constant 0 : i32
    %dma_start3A_92 = arith.constant 0 : i32
    %dma_start3A_93 = tpu.memref_slice %arg2[%dma_start3A_91, %dma_start3A_92] : memref<5000x128xf32, #tpu.memory_space<hbm>> -> memref<5000x128xf32, #tpu.memory_space<hbm>>
    tpu.enqueue_indirect_dma source(%dma_start3A_93 : memref<5000x128xf32, #tpu.memory_space<hbm>>) target(%arg14 : memref<80x128xf32, #tpu.memory_space<vmem>>) offsets(%dma_start3A_90 : memref<80xi32, #tpu.memory_space<vmem>>) semaphore(%arg20 : memref<!tpu.dma_semaphore, #tpu.memory_space<semaphore_mem>>)
    %dma_start3A_94 = arith.constant 1 : i32
    %dma_start3A_95 = arith.constant 1 : i32
    %dma_start3A_96 = arith.constant 0 : i32
    %dma_start3A_97 = tpu.memref_slice %arg9[%dma_start3A_94, %dma_start3A_95, %dma_start3A_96] : memref<3x2x80xi32, #tpu.memory_space<vmem>> -> memref<1x1x80xi32, #tpu.memory_space<vmem>>
    %dma_start3A_98 = tpu.memref_squeeze %dma_start3A_97 : memref<1x1x80xi32, #tpu.memory_space<vmem>> -> memref<80xi32, #tpu.memory_space<vmem>>
    %dma_start3A_99 = arith.constant 0 : i32
    %dma_start3A_100 = arith.constant 0 : i32
    %dma_start3A_101 = tpu.memref_slice %arg3[%dma_start3A_99, %dma_start3A_100] : memref<5000x16xf32, #tpu.memory_space<hbm>> -> memref<5000x16xf32, #tpu.memory_space<hbm>>
    tpu.enqueue_indirect_dma source(%dma_start3A_101 : memref<5000x16xf32, #tpu.memory_space<hbm>>) target(%arg17 : memref<80x16xf32, #tpu.memory_space<vmem>>) offsets(%dma_start3A_98 : memref<80xi32, #tpu.memory_space<vmem>>) semaphore(%arg23 : memref<!tpu.dma_semaphore, #tpu.memory_space<semaphore_mem>>)
    %dma_wait3A_102 = arith.constant 0 : i32
    %dma_wait3A_103 = arith.constant 1 : i32
    %dma_wait3A_104 = arith.constant 0 : i32
    %dma_wait3A_105 = tpu.memref_slice %arg9[%dma_wait3A_102, %dma_wait3A_103, %dma_wait3A_104] : memref<3x2x80xi32, #tpu.memory_space<vmem>> -> memref<1x1x80xi32, #tpu.memory_space<vmem>>
    %dma_wait3A_106 = tpu.memref_squeeze %dma_wait3A_105 : memref<1x1x80xi32, #tpu.memory_space<vmem>> -> memref<80xi32, #tpu.memory_space<vmem>>
    %dma_wait3A_107 = arith.constant 0 : i32
    %dma_wait3A_108 = arith.constant 0 : i32
    %dma_wait3A_109 = tpu.memref_slice %arg2[%dma_wait3A_107, %dma_wait3A_108] : memref<5000x128xf32, #tpu.memory_space<hbm>> -> memref<5000x128xf32, #tpu.memory_space<hbm>>
    tpu.wait_indirect_dma semaphore(%arg19 : memref<!tpu.dma_semaphore, #tpu.memory_space<semaphore_mem>>) src(%dma_wait3A_109 : memref<5000x128xf32, #tpu.memory_space<hbm>>) dst(%arg13 : memref<80x128xf32, #tpu.memory_space<vmem>>)
    %run_scoped3A = arith.constant 0 : i32
    %run_scoped3A_110 = arith.constant 0 : i32
    "tpu.region"() ({
      %run_scoped3A_150 = tpu.sem_alloc : memref<!tpu.dma_semaphore, #tpu.memory_space<semaphore_mem>>
      %dma_start3A_151 = arith.constant 0 : i32
      %dma_start3A_152 = tpu.memref_slice %arg9[%run_scoped3A, %run_scoped3A_110, %dma_start3A_151] : memref<3x2x80xi32, #tpu.memory_space<vmem>> -> memref<1x1x80xi32, #tpu.memory_space<vmem>>
      %dma_start3A_153 = tpu.memref_squeeze %dma_start3A_152 : memref<1x1x80xi32, #tpu.memory_space<vmem>> -> memref<80xi32, #tpu.memory_space<vmem>>
      %dma_start3A_154 = arith.constant 0 : i32
      %dma_start3A_155 = arith.constant 0 : i32
      %dma_start3A_156 = tpu.memref_slice %arg11[%dma_start3A_154, %dma_start3A_155] : memref<10000x128xf32, #tpu.memory_space<vmem_shared>> -> memref<10000x128xf32, #tpu.memory_space<vmem_shared>>
      tpu.enqueue_indirect_dma source(%arg13 : memref<80x128xf32, #tpu.memory_space<vmem>>) target(%dma_start3A_156 : memref<10000x128xf32, #tpu.memory_space<vmem_shared>>) offsets(%dma_start3A_153 : memref<80xi32, #tpu.memory_space<vmem>>) semaphore(%run_scoped3A_150 : memref<!tpu.dma_semaphore, #tpu.memory_space<semaphore_mem>>) {add = true}
      %dma_wait3A_157 = arith.constant 0 : i32
      %dma_wait3A_158 = tpu.memref_slice %arg9[%run_scoped3A, %run_scoped3A_110, %dma_wait3A_157] : memref<3x2x80xi32, #tpu.memory_space<vmem>> -> memref<1x1x80xi32, #tpu.memory_space<vmem>>
      %dma_wait3A_159 = tpu.memref_squeeze %dma_wait3A_158 : memref<1x1x80xi32, #tpu.memory_space<vmem>> -> memref<80xi32, #tpu.memory_space<vmem>>
      %dma_wait3A_160 = arith.constant 0 : i32
      %dma_wait3A_161 = arith.constant 0 : i32
      %dma_wait3A_162 = tpu.memref_slice %arg11[%dma_wait3A_160, %dma_wait3A_161] : memref<10000x128xf32, #tpu.memory_space<vmem_shared>> -> memref<10000x128xf32, #tpu.memory_space<vmem_shared>>
      tpu.wait_indirect_dma semaphore(%run_scoped3A_150 : memref<!tpu.dma_semaphore, #tpu.memory_space<semaphore_mem>>) src(%arg13 : memref<80x128xf32, #tpu.memory_space<vmem>>) dst(%dma_wait3A_162 : memref<10000x128xf32, #tpu.memory_space<vmem_shared>>)
      tpu.yield
    }) : () -> ()
    %dma_wait3A_111 = arith.constant 0 : i32
    %dma_wait3A_112 = arith.constant 1 : i32
    %dma_wait3A_113 = arith.constant 0 : i32
    %dma_wait3A_114 = tpu.memref_slice %arg9[%dma_wait3A_111, %dma_wait3A_112, %dma_wait3A_113] : memref<3x2x80xi32, #tpu.memory_space<vmem>> -> memref<1x1x80xi32, #tpu.memory_space<vmem>>
    %dma_wait3A_115 = tpu.memref_squeeze %dma_wait3A_114 : memref<1x1x80xi32, #tpu.memory_space<vmem>> -> memref<80xi32, #tpu.memory_space<vmem>>
    %dma_wait3A_116 = arith.constant 0 : i32
    %dma_wait3A_117 = arith.constant 0 : i32
    %dma_wait3A_118 = tpu.memref_slice %arg3[%dma_wait3A_116, %dma_wait3A_117] : memref<5000x16xf32, #tpu.memory_space<hbm>> -> memref<5000x16xf32, #tpu.memory_space<hbm>>
    tpu.wait_indirect_dma semaphore(%arg22 : memref<!tpu.dma_semaphore, #tpu.memory_space<semaphore_mem>>) src(%dma_wait3A_118 : memref<5000x16xf32, #tpu.memory_space<hbm>>) dst(%arg16 : memref<80x16xf32, #tpu.memory_space<vmem>>)
    %run_scoped3A_119 = arith.constant 0 : i32
    %run_scoped3A_120 = arith.constant 0 : i32
    "tpu.region"() ({
      %run_scoped3A_150 = tpu.sem_alloc : memref<!tpu.dma_semaphore, #tpu.memory_space<semaphore_mem>>
      %dma_start3A_151 = arith.constant 0 : i32
      %dma_start3A_152 = tpu.memref_slice %arg9[%run_scoped3A_119, %run_scoped3A_120, %dma_start3A_151] : memref<3x2x80xi32, #tpu.memory_space<vmem>> -> memref<1x1x80xi32, #tpu.memory_space<vmem>>
      %dma_start3A_153 = tpu.memref_squeeze %dma_start3A_152 : memref<1x1x80xi32, #tpu.memory_space<vmem>> -> memref<80xi32, #tpu.memory_space<vmem>>
      %dma_start3A_154 = arith.constant 0 : i32
      %dma_start3A_155 = arith.constant 0 : i32
      %dma_start3A_156 = tpu.memref_slice %arg12[%dma_start3A_154, %dma_start3A_155] : memref<10000x16xf32, #tpu.memory_space<vmem_shared>> -> memref<10000x16xf32, #tpu.memory_space<vmem_shared>>
      tpu.enqueue_indirect_dma source(%arg16 : memref<80x16xf32, #tpu.memory_space<vmem>>) target(%dma_start3A_156 : memref<10000x16xf32, #tpu.memory_space<vmem_shared>>) offsets(%dma_start3A_153 : memref<80xi32, #tpu.memory_space<vmem>>) semaphore(%run_scoped3A_150 : memref<!tpu.dma_semaphore, #tpu.memory_space<semaphore_mem>>) {add = true}
      %dma_wait3A_157 = arith.constant 0 : i32
      %dma_wait3A_158 = tpu.memref_slice %arg9[%run_scoped3A_119, %run_scoped3A_120, %dma_wait3A_157] : memref<3x2x80xi32, #tpu.memory_space<vmem>> -> memref<1x1x80xi32, #tpu.memory_space<vmem>>
      %dma_wait3A_159 = tpu.memref_squeeze %dma_wait3A_158 : memref<1x1x80xi32, #tpu.memory_space<vmem>> -> memref<80xi32, #tpu.memory_space<vmem>>
      %dma_wait3A_160 = arith.constant 0 : i32
      %dma_wait3A_161 = arith.constant 0 : i32
      %dma_wait3A_162 = tpu.memref_slice %arg12[%dma_wait3A_160, %dma_wait3A_161] : memref<10000x16xf32, #tpu.memory_space<vmem_shared>> -> memref<10000x16xf32, #tpu.memory_space<vmem_shared>>
      tpu.wait_indirect_dma semaphore(%run_scoped3A_150 : memref<!tpu.dma_semaphore, #tpu.memory_space<semaphore_mem>>) src(%arg16 : memref<80x16xf32, #tpu.memory_space<vmem>>) dst(%dma_wait3A_162 : memref<10000x16xf32, #tpu.memory_space<vmem_shared>>)
      tpu.yield
    }) : () -> ()
    %dma_wait3A_121 = arith.constant 1 : i32
    %dma_wait3A_122 = arith.constant 1 : i32
    %dma_wait3A_123 = arith.constant 0 : i32
    %dma_wait3A_124 = tpu.memref_slice %arg9[%dma_wait3A_121, %dma_wait3A_122, %dma_wait3A_123] : memref<3x2x80xi32, #tpu.memory_space<vmem>> -> memref<1x1x80xi32, #tpu.memory_space<vmem>>
    %dma_wait3A_125 = tpu.memref_squeeze %dma_wait3A_124 : memref<1x1x80xi32, #tpu.memory_space<vmem>> -> memref<80xi32, #tpu.memory_space<vmem>>
    %dma_wait3A_126 = arith.constant 0 : i32
    %dma_wait3A_127 = arith.constant 0 : i32
    %dma_wait3A_128 = tpu.memref_slice %arg2[%dma_wait3A_126, %dma_wait3A_127] : memref<5000x128xf32, #tpu.memory_space<hbm>> -> memref<5000x128xf32, #tpu.memory_space<hbm>>
    tpu.wait_indirect_dma semaphore(%arg20 : memref<!tpu.dma_semaphore, #tpu.memory_space<semaphore_mem>>) src(%dma_wait3A_128 : memref<5000x128xf32, #tpu.memory_space<hbm>>) dst(%arg14 : memref<80x128xf32, #tpu.memory_space<vmem>>)
    %run_scoped3A_129 = arith.constant 1 : i32
    %run_scoped3A_130 = arith.constant 0 : i32
    "tpu.region"() ({
      %run_scoped3A_150 = tpu.sem_alloc : memref<!tpu.dma_semaphore, #tpu.memory_space<semaphore_mem>>
      %dma_start3A_151 = arith.constant 0 : i32
      %dma_start3A_152 = tpu.memref_slice %arg9[%run_scoped3A_129, %run_scoped3A_130, %dma_start3A_151] : memref<3x2x80xi32, #tpu.memory_space<vmem>> -> memref<1x1x80xi32, #tpu.memory_space<vmem>>
      %dma_start3A_153 = tpu.memref_squeeze %dma_start3A_152 : memref<1x1x80xi32, #tpu.memory_space<vmem>> -> memref<80xi32, #tpu.memory_space<vmem>>
      %dma_start3A_154 = arith.constant 0 : i32
      %dma_start3A_155 = arith.constant 0 : i32
      %dma_start3A_156 = tpu.memref_slice %arg11[%dma_start3A_154, %dma_start3A_155] : memref<10000x128xf32, #tpu.memory_space<vmem_shared>> -> memref<10000x128xf32, #tpu.memory_space<vmem_shared>>
      tpu.enqueue_indirect_dma source(%arg14 : memref<80x128xf32, #tpu.memory_space<vmem>>) target(%dma_start3A_156 : memref<10000x128xf32, #tpu.memory_space<vmem_shared>>) offsets(%dma_start3A_153 : memref<80xi32, #tpu.memory_space<vmem>>) semaphore(%run_scoped3A_150 : memref<!tpu.dma_semaphore, #tpu.memory_space<semaphore_mem>>) {add = true}
      %dma_wait3A_157 = arith.constant 0 : i32
      %dma_wait3A_158 = tpu.memref_slice %arg9[%run_scoped3A_129, %run_scoped3A_130, %dma_wait3A_157] : memref<3x2x80xi32, #tpu.memory_space<vmem>> -> memref<1x1x80xi32, #tpu.memory_space<vmem>>
      %dma_wait3A_159 = tpu.memref_squeeze %dma_wait3A_158 : memref<1x1x80xi32, #tpu.memory_space<vmem>> -> memref<80xi32, #tpu.memory_space<vmem>>
      %dma_wait3A_160 = arith.constant 0 : i32
      %dma_wait3A_161 = arith.constant 0 : i32
      %dma_wait3A_162 = tpu.memref_slice %arg11[%dma_wait3A_160, %dma_wait3A_161] : memref<10000x128xf32, #tpu.memory_space<vmem_shared>> -> memref<10000x128xf32, #tpu.memory_space<vmem_shared>>
      tpu.wait_indirect_dma semaphore(%run_scoped3A_150 : memref<!tpu.dma_semaphore, #tpu.memory_space<semaphore_mem>>) src(%arg14 : memref<80x128xf32, #tpu.memory_space<vmem>>) dst(%dma_wait3A_162 : memref<10000x128xf32, #tpu.memory_space<vmem_shared>>)
      tpu.yield
    }) : () -> ()
    %dma_wait3A_131 = arith.constant 1 : i32
    %dma_wait3A_132 = arith.constant 1 : i32
    %dma_wait3A_133 = arith.constant 0 : i32
    %dma_wait3A_134 = tpu.memref_slice %arg9[%dma_wait3A_131, %dma_wait3A_132, %dma_wait3A_133] : memref<3x2x80xi32, #tpu.memory_space<vmem>> -> memref<1x1x80xi32, #tpu.memory_space<vmem>>
    %dma_wait3A_135 = tpu.memref_squeeze %dma_wait3A_134 : memref<1x1x80xi32, #tpu.memory_space<vmem>> -> memref<80xi32, #tpu.memory_space<vmem>>
    %dma_wait3A_136 = arith.constant 0 : i32
    %dma_wait3A_137 = arith.constant 0 : i32
    %dma_wait3A_138 = tpu.memref_slice %arg3[%dma_wait3A_136, %dma_wait3A_137] : memref<5000x16xf32, #tpu.memory_space<hbm>> -> memref<5000x16xf32, #tpu.memory_space<hbm>>
    tpu.wait_indirect_dma semaphore(%arg23 : memref<!tpu.dma_semaphore, #tpu.memory_space<semaphore_mem>>) src(%dma_wait3A_138 : memref<5000x16xf32, #tpu.memory_space<hbm>>) dst(%arg17 : memref<80x16xf32, #tpu.memory_space<vmem>>)
    %run_scoped3A_139 = arith.constant 1 : i32
    %run_scoped3A_140 = arith.constant 0 : i32
    "tpu.region"() ({
      %run_scoped3A_150 = tpu.sem_alloc : memref<!tpu.dma_semaphore, #tpu.memory_space<semaphore_mem>>
      %dma_start3A_151 = arith.constant 0 : i32
      %dma_start3A_152 = tpu.memref_slice %arg9[%run_scoped3A_139, %run_scoped3A_140, %dma_start3A_151] : memref<3x2x80xi32, #tpu.memory_space<vmem>> -> memref<1x1x80xi32, #tpu.memory_space<vmem>>
      %dma_start3A_153 = tpu.memref_squeeze %dma_start3A_152 : memref<1x1x80xi32, #tpu.memory_space<vmem>> -> memref<80xi32, #tpu.memory_space<vmem>>
      %dma_start3A_154 = arith.constant 0 : i32
      %dma_start3A_155 = arith.constant 0 : i32
      %dma_start3A_156 = tpu.memref_slice %arg12[%dma_start3A_154, %dma_start3A_155] : memref<10000x16xf32, #tpu.memory_space<vmem_shared>> -> memref<10000x16xf32, #tpu.memory_space<vmem_shared>>
      tpu.enqueue_indirect_dma source(%arg17 : memref<80x16xf32, #tpu.memory_space<vmem>>) target(%dma_start3A_156 : memref<10000x16xf32, #tpu.memory_space<vmem_shared>>) offsets(%dma_start3A_153 : memref<80xi32, #tpu.memory_space<vmem>>) semaphore(%run_scoped3A_150 : memref<!tpu.dma_semaphore, #tpu.memory_space<semaphore_mem>>) {add = true}
      %dma_wait3A_157 = arith.constant 0 : i32
      %dma_wait3A_158 = tpu.memref_slice %arg9[%run_scoped3A_139, %run_scoped3A_140, %dma_wait3A_157] : memref<3x2x80xi32, #tpu.memory_space<vmem>> -> memref<1x1x80xi32, #tpu.memory_space<vmem>>
      %dma_wait3A_159 = tpu.memref_squeeze %dma_wait3A_158 : memref<1x1x80xi32, #tpu.memory_space<vmem>> -> memref<80xi32, #tpu.memory_space<vmem>>
      %dma_wait3A_160 = arith.constant 0 : i32
      %dma_wait3A_161 = arith.constant 0 : i32
      %dma_wait3A_162 = tpu.memref_slice %arg12[%dma_wait3A_160, %dma_wait3A_161] : memref<10000x16xf32, #tpu.memory_space<vmem_shared>> -> memref<10000x16xf32, #tpu.memory_space<vmem_shared>>
      tpu.wait_indirect_dma semaphore(%run_scoped3A_150 : memref<!tpu.dma_semaphore, #tpu.memory_space<semaphore_mem>>) src(%arg17 : memref<80x16xf32, #tpu.memory_space<vmem>>) dst(%dma_wait3A_162 : memref<10000x16xf32, #tpu.memory_space<vmem_shared>>)
      tpu.yield
    }) : () -> ()
    %barrier3A_141 = arith.constant 0 : index
    tpu.barrier barrier_id(%barrier3A_141)
    %mul3A_142 = arith.constant 625 : i32
    %mul3A_143 = arith.muli %arg1, %mul3A_142 : i32
    %mul3A_144 = arith.constant 625 : i32
    %mul3A_145 = arith.muli %arg1, %mul3A_144 : i32
    "tpu.region"() ({
      %run_scoped3A_150 = tpu.sem_alloc : memref<!tpu.dma_semaphore, #tpu.memory_space<semaphore_mem>>
      %dma_start3A_151 = arith.constant 0 : i32
      %dma_start3A_152 = tpu.memref_slice %arg7[%arg0, %mul3A_145, %dma_start3A_151] : memref<2x10000x128xf32, #tpu.memory_space<hbm>> -> memref<1x625x128xf32, #tpu.memory_space<hbm>>
      %dma_start3A_153 = tpu.memref_squeeze %dma_start3A_152 : memref<1x625x128xf32, #tpu.memory_space<hbm>> -> memref<625x128xf32, #tpu.memory_space<hbm>>
      %dma_start3A_154 = arith.constant 0 : i32
      %dma_start3A_155 = tpu.memref_slice %arg11[%mul3A_143, %dma_start3A_154] : memref<10000x128xf32, #tpu.memory_space<vmem_shared>> -> memref<625x128xf32, #tpu.memory_space<vmem_shared>>
      tpu.enqueue_dma source(%dma_start3A_155 : memref<625x128xf32, #tpu.memory_space<vmem_shared>>) target(%dma_start3A_153 : memref<625x128xf32, #tpu.memory_space<hbm>>) target_semaphore(%run_scoped3A_150 : memref<!tpu.dma_semaphore, #tpu.memory_space<semaphore_mem>>)
      %dma_wait3A_156 = arith.constant 0 : i32
      %dma_wait3A_157 = tpu.memref_slice %arg7[%arg0, %mul3A_145, %dma_wait3A_156] : memref<2x10000x128xf32, #tpu.memory_space<hbm>> -> memref<1x625x128xf32, #tpu.memory_space<hbm>>
      %dma_wait3A_158 = tpu.memref_squeeze %dma_wait3A_157 : memref<1x625x128xf32, #tpu.memory_space<hbm>> -> memref<625x128xf32, #tpu.memory_space<hbm>>
      %dma_wait3A_159 = arith.constant 0 : i32
      %dma_wait3A_160 = tpu.memref_slice %arg11[%mul3A_143, %dma_wait3A_159] : memref<10000x128xf32, #tpu.memory_space<vmem_shared>> -> memref<625x128xf32, #tpu.memory_space<vmem_shared>>
      tpu.wait_dma2 semaphore(%run_scoped3A_150 : memref<!tpu.dma_semaphore, #tpu.memory_space<semaphore_mem>>) src(%dma_wait3A_160 : memref<625x128xf32, #tpu.memory_space<vmem_shared>>) dst(%dma_wait3A_158 : memref<625x128xf32, #tpu.memory_space<hbm>>)
      tpu.yield
    }) : () -> ()
    %mul3A_146 = arith.constant 625 : i32
    %mul3A_147 = arith.muli %arg1, %mul3A_146 : i32
    %mul3A_148 = arith.constant 625 : i32
    %mul3A_149 = arith.muli %arg1, %mul3A_148 : i32
    "tpu.region"() ({
      %run_scoped3A_150 = tpu.sem_alloc : memref<!tpu.dma_semaphore, #tpu.memory_space<semaphore_mem>>
      %dma_start3A_151 = arith.constant 0 : i32
      %dma_start3A_152 = tpu.memref_slice %arg8[%arg0, %mul3A_149, %dma_start3A_151] : memref<2x10000x16xf32, #tpu.memory_space<hbm>> -> memref<1x625x16xf32, #tpu.memory_space<hbm>>
      %dma_start3A_153 = tpu.memref_squeeze %dma_start3A_152 : memref<1x625x16xf32, #tpu.memory_space<hbm>> -> memref<625x16xf32, #tpu.memory_space<hbm>>
      %dma_start3A_154 = arith.constant 0 : i32
      %dma_start3A_155 = tpu.memref_slice %arg12[%mul3A_147, %dma_start3A_154] : memref<10000x16xf32, #tpu.memory_space<vmem_shared>> -> memref<625x16xf32, #tpu.memory_space<vmem_shared>>
      tpu.enqueue_dma source(%dma_start3A_155 : memref<625x16xf32, #tpu.memory_space<vmem_shared>>) target(%dma_start3A_153 : memref<625x16xf32, #tpu.memory_space<hbm>>) target_semaphore(%run_scoped3A_150 : memref<!tpu.dma_semaphore, #tpu.memory_space<semaphore_mem>>)
      %dma_wait3A_156 = arith.constant 0 : i32
      %dma_wait3A_157 = tpu.memref_slice %arg8[%arg0, %mul3A_149, %dma_wait3A_156] : memref<2x10000x16xf32, #tpu.memory_space<hbm>> -> memref<1x625x16xf32, #tpu.memory_space<hbm>>
      %dma_wait3A_158 = tpu.memref_squeeze %dma_wait3A_157 : memref<1x625x16xf32, #tpu.memory_space<hbm>> -> memref<625x16xf32, #tpu.memory_space<hbm>>
      %dma_wait3A_159 = arith.constant 0 : i32
      %dma_wait3A_160 = tpu.memref_slice %arg12[%mul3A_147, %dma_wait3A_159] : memref<10000x16xf32, #tpu.memory_space<vmem_shared>> -> memref<625x16xf32, #tpu.memory_space<vmem_shared>>
      tpu.wait_dma2 semaphore(%run_scoped3A_150 : memref<!tpu.dma_semaphore, #tpu.memory_space<semaphore_mem>>) src(%dma_wait3A_160 : memref<625x16xf32, #tpu.memory_space<vmem_shared>>) dst(%dma_wait3A_158 : memref<625x16xf32, #tpu.memory_space<hbm>>)
      tpu.yield
    }) : () -> ()
    return
  }
}

module attributes {stable_mosaic.version = 14 : i64} {
  func.func @_mm_body(%arg0: i32, %arg1: memref<1000x128xf32, #tpu.memory_space<vmem>>, %arg2: memref<128x128xf32, #tpu.memory_space<vmem>>, %arg3: memref<1000x128xf32, #tpu.memory_space<vmem>>) attributes {dimension_semantics = [#tpu.dimension_semantics<arbitrary>], iteration_bounds = array<i64: 10>, scalar_prefetch = 0 : i64, scratch_operands = 0 : i64, tpu.core_type = #tpu.core_type<tc>, window_params = [{transform_indices = @transform_0, window_bounds = array<i64: 1000, 128>}, {pipeline_mode = #tpu.pipeline_mode<synchronous>, transform_indices = @transform_1, window_bounds = array<i64: 128, 128>}, {transform_indices = @transform_2, window_bounds = array<i64: 1000, 128>}]} {
    %get3A = arith.constant 0 : index
    %get3A_0 = arith.constant 0 : index
    %get3A_1 = vector.load %arg1[%get3A, %get3A_0] : memref<1000x128xf32, #tpu.memory_space<vmem>>, vector<1000x128xf32>
    %get3A_2 = arith.constant 0 : index
    %get3A_3 = arith.constant 0 : index
    %get3A_4 = vector.load %arg2[%get3A_2, %get3A_3] : memref<128x128xf32, #tpu.memory_space<vmem>>, vector<128x128xf32>
    %dot_general3A = arith.constant dense<0.000000e+00> : vector<1000x128xf32>
    %dot_general3A_5 = tpu.matmul %get3A_1, %get3A_4, %dot_general3A {dimension_numbers = #tpu.dot_dimension_numbers<[1], [1], [0], [0], [0, 0, 1, 0], [], []>, transpose_lhs_hint = false} : vector<1000x128xf32>, vector<128x128xf32>, vector<1000x128xf32> -> vector<1000x128xf32>
    %swap3A = arith.constant 0 : index
    %swap3A_6 = arith.constant 0 : index
    %swap3A_7 = vector.load %arg3[%swap3A, %swap3A_6] : memref<1000x128xf32, #tpu.memory_space<vmem>>, vector<1000x128xf32>
    tpu.vector_store %arg3[%swap3A, %swap3A_6], %dot_general3A_5 {strides = array<i32>} : memref<1000x128xf32, #tpu.memory_space<vmem>>, vector<1000x128xf32>,
    return
  }
  func.func @transform_0(%arg0: i32) -> (i32, i32) {
    %c0_i32 = arith.constant 0 : i32
    %c0_i32_0 = arith.constant 0 : i32
    return %arg0, %c0_i32 : i32, i32
  }
  func.func @transform_1(%arg0: i32) -> (i32, i32) {
    %c0_i32 = arith.constant 0 : i32
    %c0_i32_0 = arith.constant 0 : i32
    %c0_i32_1 = arith.constant 0 : i32
    return %c0_i32, %c0_i32_0 : i32, i32
  }
  func.func @transform_2(%arg0: i32) -> (i32, i32) {
    %c0_i32 = arith.constant 0 : i32
    %c0_i32_0 = arith.constant 0 : i32
    return %arg0, %c0_i32 : i32, i32
  }
}

module attributes {stable_mosaic.version = 14 : i64} {
  func.func @_c_body(%arg0: i32, %arg1: i32, %arg2: memref<2x1000x128xf32, #tpu.memory_space<vmem>>, %arg3: memref<2x1000x16xf32, #tpu.memory_space<vmem>>, %arg4: memref<1x128xf32, #tpu.memory_space<vmem>>, %arg5: memref<128x8xf32, #tpu.memory_space<vmem>>, %arg6: memref<8x128xf32, #tpu.memory_space<vmem>>, %arg7: memref<1000x128xf32, #tpu.memory_space<vmem>>, %arg8: memref<1000x16xf32, #tpu.memory_space<vmem>>, %arg9: memref<5000x128xf32, #tpu.memory_space<vmem>>, %arg10: memref<5000x8xf32, #tpu.memory_space<vmem>>, %arg11: memref<1xf32, #tpu.memory_space<smem>>) attributes {dimension_semantics = [#tpu.dimension_semantics<arbitrary>, #tpu.dimension_semantics<arbitrary>], iteration_bounds = array<i64: 2, 5>, scalar_prefetch = 0 : i64, scratch_operands = 3 : i64, tpu.core_type = #tpu.core_type<tc>, window_params = [{transform_indices = @transform_0, window_bounds = array<i64: 2, 1000, 128>}, {transform_indices = @transform_1, window_bounds = array<i64: 2, 1000, 16>}, {pipeline_mode = #tpu.pipeline_mode<synchronous>, transform_indices = @transform_2, window_bounds = array<i64: 1, 128>}, {pipeline_mode = #tpu.pipeline_mode<synchronous>, transform_indices = @transform_3, window_bounds = array<i64: 128, 8>}, {pipeline_mode = #tpu.pipeline_mode<synchronous>, transform_indices = @transform_4, window_bounds = array<i64: 8, 128>}, {transform_indices = @transform_5, window_bounds = array<i64: 1000, 128>}, {transform_indices = @transform_6, window_bounds = array<i64: 1000, 16>}]} {
    %eq3A = arith.constant 0 : i32
    %eq3A_0 = arith.cmpi eq, %arg0, %eq3A : i32
    %convert_element_type3A = arith.extui %eq3A_0 : i1 to i32
    %cond3A = arith.constant 0 : i32
    %cond3A_1 = arith.cmpi ne, %convert_element_type3A, %cond3A : i32
    scf.if %cond3A_1 {
      %get3A = arith.constant 0 : index
      %get3A_7 = arith.constant 0 : index
      %get3A_8 = arith.constant 0 : index
      %get3A_9 = vector.load %arg2[%get3A, %get3A_7, %get3A_8] : memref<2x1000x128xf32, #tpu.memory_space<vmem>>, vector<1x1000x128xf32>
      %get3A_10 = vector.shape_cast %get3A_9 : vector<1x1000x128xf32> to vector<1000x128xf32>
      %get3A_11 = arith.constant 1 : index
      %get3A_12 = arith.constant 0 : index
      %get3A_13 = arith.constant 0 : index
      %get3A_14 = vector.load %arg2[%get3A_11, %get3A_12, %get3A_13] : memref<2x1000x128xf32, #tpu.memory_space<vmem>>, vector<1x1000x128xf32>
      %get3A_15 = vector.shape_cast %get3A_14 : vector<1x1000x128xf32> to vector<1000x128xf32>
      %add3A = arith.addf %get3A_10, %get3A_15 : vector<1000x128xf32>
      %get3A_16 = arith.constant 0 : index
      %get3A_17 = arith.constant 0 : index
      %get3A_18 = arith.constant 0 : index
      %get3A_19 = vector.load %arg3[%get3A_16, %get3A_17, %get3A_18] : memref<2x1000x16xf32, #tpu.memory_space<vmem>>, vector<1x1000x1xf32>
      %get3A_20 = vector.shape_cast %get3A_19 : vector<1x1000x1xf32> to vector<1000x1xf32>
      %get3A_21 = arith.constant 1 : index
      %get3A_22 = arith.constant 0 : index
      %get3A_23 = arith.constant 0 : index
      %get3A_24 = vector.load %arg3[%get3A_21, %get3A_22, %get3A_23] : memref<2x1000x16xf32, #tpu.memory_space<vmem>>, vector<1x1000x1xf32>
      %get3A_25 = vector.shape_cast %get3A_24 : vector<1x1000x1xf32> to vector<1000x1xf32>
      %add3A_26 = arith.addf %get3A_20, %get3A_25 : vector<1000x1xf32>
      %max3A = arith.constant 1.000000e+00 : f32
      %max3A_27 = vector.broadcast %max3A : f32 to vector<1000x1xf32>
      %max3A_28 = arith.maximumf %add3A_26, %max3A_27 : vector<1000x1xf32>
      %div3A = vector.broadcast %max3A_28 : vector<1000x1xf32> to vector<1000x128xf32>
      %div3A_29 = arith.divf %add3A, %div3A : vector<1000x128xf32>
      %get3A_30 = arith.constant 0 : index
      %get3A_31 = arith.constant 0 : index
      %get3A_32 = vector.load %arg4[%get3A_30, %get3A_31] : memref<1x128xf32, #tpu.memory_space<vmem>>, vector<1x128xf32>
      %mul3A = vector.broadcast %get3A_32 : vector<1x128xf32> to vector<1000x128xf32>
      %mul3A_33 = arith.mulf %div3A_29, %mul3A : vector<1000x128xf32>
      %get3A_34 = arith.constant 0 : index
      %get3A_35 = arith.constant 0 : index
      %get3A_36 = vector.load %arg5[%get3A_34, %get3A_35] : memref<128x8xf32, #tpu.memory_space<vmem>>, vector<128x8xf32>
      %dot_general3A = arith.constant dense<0.000000e+00> : vector<1000x8xf32>
      %dot_general3A_37 = tpu.matmul %mul3A_33, %get3A_36, %dot_general3A {dimension_numbers = #tpu.dot_dimension_numbers<[1], [0], [0], [1], [0, 0, 1, 1], [], []>, transpose_lhs_hint = false} : vector<1000x128xf32>, vector<128x8xf32>, vector<1000x8xf32> -> vector<1000x8xf32>
      %ge3A = arith.constant 0.000000e+00 : f32
      %ge3A_38 = vector.broadcast %ge3A : f32 to vector<1000x8xf32>
      %ge3A_39 = arith.cmpf oge, %dot_general3A_37, %ge3A_38 : vector<1000x8xf32>
      %mul3A_40 = arith.constant 2.000000e-01 : f32
      %mul3A_41 = vector.broadcast %mul3A_40 : f32 to vector<1000x8xf32>
      %mul3A_42 = arith.mulf %mul3A_41, %dot_general3A_37 : vector<1000x8xf32>
      %select_n3A = arith.select %ge3A_39, %dot_general3A_37, %mul3A_42 : vector<1000x8xi1>, vector<1000x8xf32>
      %mul3A_43 = arith.constant 1000 : i32
      %mul3A_44 = arith.muli %arg1, %mul3A_43 : i32
      %swap3A = arith.index_cast %mul3A_44 : i32 to index
      %swap3A_45 = arith.constant 0 : index
      %swap3A_46 = vector.load %arg9[%swap3A, %swap3A_45] : memref<5000x128xf32, #tpu.memory_space<vmem>>, vector<1000x128xf32>
      tpu.vector_store %arg9[%swap3A, %swap3A_45], %div3A_29 {strides = array<i32>} : memref<5000x128xf32, #tpu.memory_space<vmem>>, vector<1000x128xf32>,
      %mul3A_47 = arith.constant 1000 : i32
      %mul3A_48 = arith.muli %arg1, %mul3A_47 : i32
      %swap3A_49 = arith.index_cast %mul3A_48 : i32 to index
      %swap3A_50 = arith.constant 0 : index
      %swap3A_51 = vector.load %arg10[%swap3A_49, %swap3A_50] : memref<5000x8xf32, #tpu.memory_space<vmem>>, vector<1000x8xf32>
      tpu.vector_store %arg10[%swap3A_49, %swap3A_50], %select_n3A {strides = array<i32>} : memref<5000x8xf32, #tpu.memory_space<vmem>>, vector<1000x8xf32>,
      %reduce_max3A = vector.shape_cast %select_n3A : vector<1000x8xf32> to vector<1x1000x8xf32>
      %reduce_max3A_52 = arith.constant dense<0xFF800000> : vector<1xf32>
      %reduce_max3A_53 = vector.multi_reduction <maximumf>, %reduce_max3A, %reduce_max3A_52 [1, 2] : vector<1x1000x8xf32> to vector<1xf32>
      %reduce_max3A_54 = vector.shape_cast %reduce_max3A_53 : vector<1xf32> to vector<1x1x1xf32>
      %reduce_max3A_55 = vector.extract %reduce_max3A_54[0, 0, 0] : f32 from vector<1x1x1xf32>
      %eq3A_56 = arith.constant 0 : i32
      %eq3A_57 = arith.cmpi eq, %arg1, %eq3A_56 : i32
      %convert_element_type3A_58 = arith.extui %eq3A_57 : i1 to i32
      %cond3A_59 = arith.constant 0 : i32
      %cond3A_60 = arith.cmpi ne, %convert_element_type3A_58, %cond3A_59 : i32
      scf.if %cond3A_60 {
        %swap3A_65 = arith.constant 0 : index
        %swap3A_66 = memref.load %arg11[%swap3A_65] : memref<1xf32, #tpu.memory_space<smem>>
        memref.store %reduce_max3A_55, %arg11[%swap3A_65] : memref<1xf32, #tpu.memory_space<smem>>
      } else {
      }
      %gt3A = arith.constant 0 : i32
      %gt3A_61 = arith.cmpi sgt, %arg1, %gt3A : i32
      %convert_element_type3A_62 = arith.extui %gt3A_61 : i1 to i32
      %cond3A_63 = arith.constant 0 : i32
      %cond3A_64 = arith.cmpi ne, %convert_element_type3A_62, %cond3A_63 : i32
      scf.if %cond3A_64 {
        %get3A_65 = arith.constant 0 : index
        %get3A_66 = memref.load %arg11[%get3A_65] : memref<1xf32, #tpu.memory_space<smem>>
        %max3A_67 = arith.maximumf %get3A_66, %reduce_max3A_55 : f32
        %swap3A_68 = arith.constant 0 : index
        %swap3A_69 = memref.load %arg11[%swap3A_68] : memref<1xf32, #tpu.memory_space<smem>>
        memref.store %max3A_67, %arg11[%swap3A_68] : memref<1xf32, #tpu.memory_space<smem>>
      } else {
      }
    } else {
    }
    %eq3A_2 = arith.constant 1 : i32
    %eq3A_3 = arith.cmpi eq, %arg0, %eq3A_2 : i32
    %convert_element_type3A_4 = arith.extui %eq3A_3 : i1 to i32
    %cond3A_5 = arith.constant 0 : i32
    %cond3A_6 = arith.cmpi ne, %convert_element_type3A_4, %cond3A_5 : i32
    scf.if %cond3A_6 {
      %mul3A = arith.constant 1000 : i32
      %mul3A_7 = arith.muli %arg1, %mul3A : i32
      %get3A = arith.index_cast %mul3A_7 : i32 to index
      %get3A_8 = arith.constant 0 : index
      %get3A_9 = vector.load %arg10[%get3A, %get3A_8] : memref<5000x8xf32, #tpu.memory_space<vmem>>, vector<1000x8xf32>
      %get3A_10 = arith.constant 0 : index
      %get3A_11 = memref.load %arg11[%get3A_10] : memref<1xf32, #tpu.memory_space<smem>>
      %sub3A = vector.broadcast %get3A_11 : f32 to vector<1000x8xf32>
      %sub3A_12 = arith.subf %get3A_9, %sub3A : vector<1000x8xf32>
      %exp3A = math.exp %sub3A_12 : vector<1000x8xf32>
      %get3A_13 = arith.constant 0 : index
      %get3A_14 = arith.constant 0 : index
      %get3A_15 = vector.load %arg6[%get3A_13, %get3A_14] : memref<8x128xf32, #tpu.memory_space<vmem>>, vector<8x128xf32>
      %dot_general3A = arith.constant dense<0.000000e+00> : vector<1000x128xf32>
      %dot_general3A_16 = tpu.matmul %exp3A, %get3A_15, %dot_general3A {dimension_numbers = #tpu.dot_dimension_numbers<[1], [0], [0], [1], [0, 0, 1, 1], [], []>, transpose_lhs_hint = false} : vector<1000x8xf32>, vector<8x128xf32>, vector<1000x128xf32> -> vector<1000x128xf32>
      %mul3A_17 = arith.constant 1000 : i32
      %mul3A_18 = arith.muli %arg1, %mul3A_17 : i32
      %get3A_19 = arith.index_cast %mul3A_18 : i32 to index
      %get3A_20 = arith.constant 0 : index
      %get3A_21 = vector.load %arg9[%get3A_19, %get3A_20] : memref<5000x128xf32, #tpu.memory_space<vmem>>, vector<1000x128xf32>
      %mul3A_22 = arith.mulf %get3A_21, %dot_general3A_16 : vector<1000x128xf32>
      %swap3A = arith.constant 0 : index
      %swap3A_23 = arith.constant 0 : index
      %swap3A_24 = vector.load %arg7[%swap3A, %swap3A_23] : memref<1000x128xf32, #tpu.memory_space<vmem>>, vector<1000x128xf32>
      tpu.vector_store %arg7[%swap3A, %swap3A_23], %mul3A_22 {strides = array<i32>} : memref<1000x128xf32, #tpu.memory_space<vmem>>, vector<1000x128xf32>,
      %broadcast_in_dim3A = arith.constant 0.000000e+00 : f32
      %broadcast_in_dim3A_25 = vector.broadcast %broadcast_in_dim3A : f32 to vector<1000x8xf32>
      %concatenate3A = tpu.concatenate %exp3A, %broadcast_in_dim3A_25 in 1 : vector<1000x8xf32>, vector<1000x8xf32> -> vector<1000x16xf32>
      %swap3A_26 = arith.constant 0 : index
      %swap3A_27 = arith.constant 0 : index
      %swap3A_28 = vector.load %arg8[%swap3A_26, %swap3A_27] : memref<1000x16xf32, #tpu.memory_space<vmem>>, vector<1000x16xf32>
      tpu.vector_store %arg8[%swap3A_26, %swap3A_27], %concatenate3A {strides = array<i32>} : memref<1000x16xf32, #tpu.memory_space<vmem>>, vector<1000x16xf32>,
    } else {
    }
    return
  }
  func.func @transform_0(%arg0: i32, %arg1: i32) -> (i32, i32, i32) {
    %c0_i32 = arith.constant 0 : i32
    %c0_i32_0 = arith.constant 0 : i32
    %c0_i32_1 = arith.constant 0 : i32
    return %c0_i32, %arg1, %c0_i32_0 : i32, i32, i32
  }
  func.func @transform_1(%arg0: i32, %arg1: i32) -> (i32, i32, i32) {
    %c0_i32 = arith.constant 0 : i32
    %c0_i32_0 = arith.constant 0 : i32
    %c0_i32_1 = arith.constant 0 : i32
    return %c0_i32, %arg1, %c0_i32_0 : i32, i32, i32
  }
  func.func @transform_2(%arg0: i32, %arg1: i32) -> (i32, i32) {
    %c0_i32 = arith.constant 0 : i32
    %c0_i32_0 = arith.constant 0 : i32
    %c0_i32_1 = arith.constant 0 : i32
    return %c0_i32, %c0_i32_0 : i32, i32
  }
  func.func @transform_3(%arg0: i32, %arg1: i32) -> (i32, i32) {
    %c0_i32 = arith.constant 0 : i32
    %c0_i32_0 = arith.constant 0 : i32
    %c0_i32_1 = arith.constant 0 : i32
    return %c0_i32, %c0_i32_0 : i32, i32
  }
  func.func @transform_4(%arg0: i32, %arg1: i32) -> (i32, i32) {
    %c0_i32 = arith.constant 0 : i32
    %c0_i32_0 = arith.constant 0 : i32
    %c0_i32_1 = arith.constant 0 : i32
    return %c0_i32, %c0_i32_0 : i32, i32
  }
  func.func @transform_5(%arg0: i32, %arg1: i32) -> (i32, i32) {
    %c0_i32 = arith.constant 0 : i32
    %c0_i32_0 = arith.constant 0 : i32
    return %arg1, %c0_i32 : i32, i32
  }
  func.func @transform_6(%arg0: i32, %arg1: i32) -> (i32, i32) {
    %c0_i32 = arith.constant 0 : i32
    %c0_i32_0 = arith.constant 0 : i32
    return %arg1, %c0_i32 : i32, i32
  }
}

module attributes {stable_mosaic.version = 14 : i64} {
  func.func @_e_body(%arg0: i32, %arg1: memref<2x1000x128xf32, #tpu.memory_space<vmem>>, %arg2: memref<2x1000x16xf32, #tpu.memory_space<vmem>>, %arg3: memref<8x128xf32, #tpu.memory_space<vmem>>, %arg4: memref<1000x128xf32, #tpu.memory_space<vmem>>) attributes {dimension_semantics = [#tpu.dimension_semantics<arbitrary>], iteration_bounds = array<i64: 10>, scalar_prefetch = 0 : i64, scratch_operands = 0 : i64, tpu.core_type = #tpu.core_type<tc>, window_params = [{transform_indices = @transform_0, window_bounds = array<i64: 2, 1000, 128>}, {transform_indices = @transform_1, window_bounds = array<i64: 2, 1000, 16>}, {pipeline_mode = #tpu.pipeline_mode<synchronous>, transform_indices = @transform_2, window_bounds = array<i64: 8, 128>}, {transform_indices = @transform_3, window_bounds = array<i64: 1000, 128>}]} {
    %get3A = arith.constant 0 : index
    %get3A_0 = arith.constant 0 : index
    %get3A_1 = arith.constant 0 : index
    %get3A_2 = vector.load %arg1[%get3A, %get3A_0, %get3A_1] : memref<2x1000x128xf32, #tpu.memory_space<vmem>>, vector<1x1000x128xf32>
    %get3A_3 = vector.shape_cast %get3A_2 : vector<1x1000x128xf32> to vector<1000x128xf32>
    %get3A_4 = arith.constant 1 : index
    %get3A_5 = arith.constant 0 : index
    %get3A_6 = arith.constant 0 : index
    %get3A_7 = vector.load %arg1[%get3A_4, %get3A_5, %get3A_6] : memref<2x1000x128xf32, #tpu.memory_space<vmem>>, vector<1x1000x128xf32>
    %get3A_8 = vector.shape_cast %get3A_7 : vector<1x1000x128xf32> to vector<1000x128xf32>
    %add3A = arith.addf %get3A_3, %get3A_8 : vector<1000x128xf32>
    %get3A_9 = arith.constant 0 : index
    %get3A_10 = arith.constant 0 : index
    %get3A_11 = arith.constant 0 : index
    %get3A_12 = vector.load %arg2[%get3A_9, %get3A_10, %get3A_11] : memref<2x1000x16xf32, #tpu.memory_space<vmem>>, vector<1x1000x8xf32>
    %get3A_13 = vector.shape_cast %get3A_12 : vector<1x1000x8xf32> to vector<1000x8xf32>
    %get3A_14 = arith.constant 1 : index
    %get3A_15 = arith.constant 0 : index
    %get3A_16 = arith.constant 0 : index
    %get3A_17 = vector.load %arg2[%get3A_14, %get3A_15, %get3A_16] : memref<2x1000x16xf32, #tpu.memory_space<vmem>>, vector<1x1000x8xf32>
    %get3A_18 = vector.shape_cast %get3A_17 : vector<1x1000x8xf32> to vector<1000x8xf32>
    %add3A_19 = arith.addf %get3A_13, %get3A_18 : vector<1000x8xf32>
    %get3A_20 = arith.constant 0 : index
    %get3A_21 = arith.constant 0 : index
    %get3A_22 = vector.load %arg3[%get3A_20, %get3A_21] : memref<8x128xf32, #tpu.memory_space<vmem>>, vector<8x128xf32>
    %dot_general3A = arith.constant dense<0.000000e+00> : vector<1000x128xf32>
    %dot_general3A_23 = tpu.matmul %add3A_19, %get3A_22, %dot_general3A {dimension_numbers = #tpu.dot_dimension_numbers<[1], [0], [0], [1], [0, 0, 1, 1], [], []>, transpose_lhs_hint = false} : vector<1000x8xf32>, vector<8x128xf32>, vector<1000x128xf32> -> vector<1000x128xf32>
    %add3A_24 = arith.constant 1.000000e-16 : f32
    %add3A_25 = vector.broadcast %add3A_24 : f32 to vector<1000x128xf32>
    %add3A_26 = arith.addf %dot_general3A_23, %add3A_25 : vector<1000x128xf32>
    %div3A = arith.divf %add3A, %add3A_26 : vector<1000x128xf32>
    %mul3A = arith.mulf %div3A, %div3A : vector<1000x128xf32>
    %reduce_sum3A = arith.constant dense<0.000000e+00> : vector<1000xf32>
    %reduce_sum3A_27 = vector.multi_reduction <add>, %mul3A, %reduce_sum3A [1] : vector<1000x128xf32> to vector<1000xf32>
    %broadcast_in_dim3A = vector.shape_cast %reduce_sum3A_27 : vector<1000xf32> to vector<1000x1xf32>
    %sqrt3A = math.sqrt %broadcast_in_dim3A : vector<1000x1xf32>
    %gt3A = arith.constant 0.000000e+00 : f32
    %gt3A_28 = vector.broadcast %gt3A : f32 to vector<1000x1xf32>
    %gt3A_29 = arith.cmpf ogt, %sqrt3A, %gt3A_28 : vector<1000x1xf32>
    %div3A_30 = arith.constant 1.000000e+00 : f32
    %div3A_31 = vector.broadcast %div3A_30 : f32 to vector<1000x1xf32>
    %div3A_32 = arith.divf %div3A_31, %sqrt3A : vector<1000x1xf32>
    %jit3A = arith.constant 0.000000e+00 : f32
    %broadcast_in_dim3A_33 = vector.broadcast %jit3A : f32 to vector<1000x1xf32>
    %select_n3A = arith.select %gt3A_29, %div3A_32, %broadcast_in_dim3A_33 : vector<1000x1xi1>, vector<1000x1xf32>
    %mul3A_34 = vector.broadcast %select_n3A : vector<1000x1xf32> to vector<1000x128xf32>
    %mul3A_35 = arith.mulf %div3A, %mul3A_34 : vector<1000x128xf32>
    %swap3A = arith.constant 0 : index
    %swap3A_36 = arith.constant 0 : index
    %swap3A_37 = vector.load %arg4[%swap3A, %swap3A_36] : memref<1000x128xf32, #tpu.memory_space<vmem>>, vector<1000x128xf32>
    tpu.vector_store %arg4[%swap3A, %swap3A_36], %mul3A_35 {strides = array<i32>} : memref<1000x128xf32, #tpu.memory_space<vmem>>, vector<1000x128xf32>,
    return
  }
  func.func @transform_0(%arg0: i32) -> (i32, i32, i32) {
    %c0_i32 = arith.constant 0 : i32
    %c0_i32_0 = arith.constant 0 : i32
    %c0_i32_1 = arith.constant 0 : i32
    return %c0_i32, %arg0, %c0_i32_0 : i32, i32, i32
  }
  func.func @transform_1(%arg0: i32) -> (i32, i32, i32) {
    %c0_i32 = arith.constant 0 : i32
    %c0_i32_0 = arith.constant 0 : i32
    %c0_i32_1 = arith.constant 0 : i32
    return %c0_i32, %arg0, %c0_i32_0 : i32, i32, i32
  }
  func.func @transform_2(%arg0: i32) -> (i32, i32) {
    %c0_i32 = arith.constant 0 : i32
    %c0_i32_0 = arith.constant 0 : i32
    %c0_i32_1 = arith.constant 0 : i32
    return %c0_i32, %c0_i32_0 : i32, i32
  }
  func.func @transform_3(%arg0: i32) -> (i32, i32) {
    %c0_i32 = arith.constant 0 : i32
    %c0_i32_0 = arith.constant 0 : i32
    return %arg0, %c0_i32 : i32, i32
  }
}

</mosaic_0001>

<sc_bundles>
// kernel: kernel.10.cloned.1.call-start
scs
__scs_entry_jumppad:
0x0: {  	(pc) =	sbr.rel $0x88, $3  }
0x1: {  	(tag) =	ssettag $0x0;
	lr =	simm.s32 $0x1  }
0x2: {  	[smem:$0x3F9C] =	sst lr;
	_ =	strace $0xD0000000  }
0x3: {  	_ = 	snop  }
0x4: {  	_ = 	snop  }
0x5: {  	_ = 	snop  }
0x6: {  	_ = 	snop  }
0x7: {  	_ = 	snop  }
__scs_overlays_trampoline_lowered:
0x8: {  	[smem:$0x3FAB] =	sst s0  }
0x9: {  	[smem:$0x3FAC] =	sst s1  }
0xa: {  	[smem:$0x3FAD] =	sst s2  }
0xb: {  	[smem:$0x3FAE] =	sst s3  }
0xc: {  	[smem:$0x3FAF] =	sst s4  }
0xd: {  	[smem:$0x3FB0] =	sst s5  }
0xe: {  	[smem:$0x3FB1] =	sst s6  }
0xf: {  	[smem:$0x3FB2] =	sst s7  }
0x10: {  	[smem:$0x3FB3] =	sst s8  }
0x11: {  	[smem:$0x3FB4] =	sst s9;
	s0 =	simm.s32 @!p0 $0x0  }
0x12: {  	s1 =	sld [smem:$0x3F9A];
	s0 =	simm.s32 @p0 $0x1  }
0x13: {  	[smem:$0x3FB5] =	sst s0;
	s0 =	simm.s32 @!p1 $0x0  }
0x14: {  	s2 =	sld [smem:$0x3F99];
	s0 =	simm.s32 @p1 $0x1  }
0x15: {  	[smem:$0x3FB6] =	sst s0;
	s0 =	simm.s32 @!p2 $0x0  }
0x16: {  	s3 =	sld [smem:$0x3FDB];
	s0 =	simm.s32 @p2 $0x1  }
0x17: {  	s4 =	simm.s32 $0x1BF5;
	[smem:$0x3FB8] =	sst s0  }
0x18: {  	s0 =	sld [smem:$0x3F9B];
	_ =	swait.ge [sflag:s4], $0x0  }
0x19: {  	s7 =	sld [smem:$0x3F9C]  }
0x1a: {  	s8 =	sadd.s32 $0xFFFFE003, lr  }
0x1b: {  	s9 =	sadd.s32 $0xFFFFFEF7, lr;
	s5 =	simm.s32 $0xFFFFFFFF;
	p2 =	slt.u32 s8, $0xFFFFF086  }
0x1c: {  	p1 =	slt.u32 s9, $0xF7A;
	s5 =	simm.s32 @!p2 $0x0  }
0x1d: {  	s5 =	simm.s32 @p1 $0x1;
	p0 =	seq.s32 s7, s2  }
0x1e: {  	s7 =	smul.u32 @!p0 $0xF7A, s2;
	p2 =	seq.s32 @!p0 s5, $0x0  }
0x1f: {  	s9 =	smul.u32 $0xF7A, s1;
	s8 =	simm.s32 @!p0 $0x1BF5;
	p2 =	por !p2, p0  }
0x20: {  	[sflag:s8] =	ssyncset.s32 @!p0 $0xFFFFF086;
	s6 =	sadd.s32 @!p0 s3, s7;
	s7 =	simm.s32 @!p0 $0x108  }
0x21: {  	s3 =	sadd.s32 s3, s9;
	s6 =	sadd.s32 @!p0 $0x88, s6;
	s7 =	simm.s32 @p2 $0x1082  }
0x22: {  	[simem:s7], [sflag:s8] =	dma.local @!p0 [hbm:s6], $0xF7A  }
0x23: {  	s9 =	sor.u32 $0xD0000000, s2;
	s6 =	simm.s32 $0x108;
	_ =	swait.ge @!p0 [sflag:s8], $0x0  }
0x24: {  	s3 =	sadd.s32 $0x88, s3;
	s6 =	simm.s32 @!p1 $0x1082;
	[sflag:s4] =	ssyncset.s32 $0xFFFFF086  }
0x25: {  	[simem:s6], [sflag:s4] =	dma.local [hbm:s3], $0xF7A  }
0x26: {  	[smem:$0x3F9C] =	sst s1;
	(tag) =	ssettag s2;
	_ =	strace s9  }
0x27: {  	s1 =	sld [smem:$0x3FAC]  }
0x28: {  	s2 =	sld [smem:$0x3FAD]  }
0x29: {  	s4 =	sld [smem:$0x3FAF]  }
0x2a: {  	p0 =	seq.s32 s5, $0x0;
	s5 =	sld [smem:$0x3FB0]  }
0x2b: {  	s6 =	sld [smem:$0x3FB1]  }
0x2c: {  	s7 =	sld [smem:$0x3FB2]  }
0x2d: {  	s3 =	simm.s32 $0x108;
	s8 =	sld [smem:$0x3FB3]  }
0x2e: {  	s3 =	simm.s32 @!p0 $0x1082;
	s9 =	sld [smem:$0x3FB4]  }
0x2f: {  	lr =	sadd.s32 s0, s3;
	s0 =	sld [smem:$0x3FAB]  }
0x30: {  	s3 =	sld [smem:$0x3FAE]  }
0x31: {  	[smem:$0x3FB7] =	sst s10  }
0x32: {  	s10 =	sld [smem:$0x3FB5];
	_ =	sdelay $0x3  }
0x33: {  	p0 =	seq.s32 s10, $0x1;
	s10 =	sld [smem:$0x3FB7];
	_ =	sdelay $0x3  }
0x34: {  	[smem:$0x3FB7] =	sst s10  }
0x35: {  	s10 =	sld [smem:$0x3FB6];
	_ =	sdelay $0x3  }
0x36: {  	p1 =	seq.s32 s10, $0x1;
	s10 =	sld [smem:$0x3FB7];
	_ =	sdelay $0x3  }
0x37: {  	[smem:$0x3FB7] =	sst s10  }
0x38: {  	s10 =	sld [smem:$0x3FB8]  }
0x39: {  	_ = 	snop;
	(pc) =	sbr.ind lr, $3  }
0x3a: {  	_ = 	snop  }
0x3b: {  	_ = 	snop  }
0x3c: {  	p2 =	seq.s32 s10, $0x1;
	s10 =	sld [smem:$0x3FB7]  }
0x3d: {  	_ =	shalt  }
0x3e: {  	_ =	shalt  }
0x3f: {  	_ =	shalt  }
0x40: {  	_ =	shalt  }
0x41: {  	_ =	shalt  }
0x42: {  	_ =	shalt  }
0x43: {  	_ =	shalt  }
0x44: {  	_ =	shalt  }
0x45: {  	_ =	shalt  }
0x46: {  	_ =	shalt  }
0x47: {  	_ =	shalt  }
0x48: {  	_ =	shalt  }
0x49: {  	_ =	shalt  }
0x4a: {  	_ =	shalt  }
0x4b: {  	_ =	shalt  }
0x4c: {  	_ =	shalt  }
0x4d: {  	_ =	shalt  }
0x4e: {  	_ =	shalt  }
0x4f: {  	_ =	shalt  }
0x50: {  	_ =	shalt  }
0x51: {  	_ =	shalt  }
0x52: {  	_ =	shalt  }
0x53: {  	_ =	shalt  }
0x54: {  	_ =	shalt  }
0x55: {  	_ =	shalt  }
0x56: {  	_ =	shalt  }
0x57: {  	_ =	shalt  }
0x58: {  	_ =	shalt  }
0x59: {  	_ =	shalt  }
0x5a: {  	_ =	shalt  }
0x5b: {  	_ =	shalt  }
0x5c: {  	_ =	shalt  }
0x5d: {  	_ =	shalt  }
0x5e: {  	_ =	shalt  }
0x5f: {  	_ =	shalt  }
0x60: {  	_ =	shalt  }
0x61: {  	_ =	shalt  }
0x62: {  	_ =	shalt  }
0x63: {  	_ =	shalt  }
0x64: {  	_ =	shalt  }
0x65: {  	_ =	shalt  }
0x66: {  	_ =	shalt  }
0x67: {  	_ =	shalt  }
0x68: {  	_ =	shalt  }
0x69: {  	_ =	shalt  }
0x6a: {  	_ =	shalt  }
0x6b: {  	_ =	shalt  }
0x6c: {  	_ =	shalt  }
0x6d: {  	_ =	shalt  }
0x6e: {  	_ =	shalt  }
0x6f: {  	_ =	shalt  }
0x70: {  	_ =	shalt  }
0x71: {  	_ =	shalt  }
0x72: {  	_ =	shalt  }
0x73: {  	_ =	shalt  }
0x74: {  	_ =	shalt  }
0x75: {  	_ =	shalt  }
0x76: {  	_ =	shalt  }
0x77: {  	_ =	shalt  }
0x78: {  	_ =	shalt  }
0x79: {  	_ =	shalt  }
0x7a: {  	_ =	shalt  }
0x7b: {  	_ =	shalt  }
0x7c: {  	_ =	shalt  }
0x7d: {  	_ =	shalt  }
0x7e: {  	_ =	shalt  }
0x7f: {  	_ =	shalt  }
0x80: {  	_ =	shalt  }
0x81: {  	_ =	shalt  }
0x82: {  	_ =	shalt  }
0x83: {  	_ =	shalt  }
0x84: {  	_ =	shalt  }
0x85: {  	_ =	shalt  }
0x86: {  	_ =	shalt  }
0x87: {  	_ =	shalt  }
.Lfunc_end0:
.L_simem_size_0:
called_computation.1_lowered:
.L_overlay_start_0:
0x88: {  	s2 =	sld [smem:$0x3FD9]  }
0x89: {  	s3 =	sld [smem:$0x3FFE];
	_ =	sdelay $0x1  }
0x8a: {  	s1 =	srdreg.scid  }
0x8b: {  	s0 =	sand.u32 $0x1, s1  }
0x8c: {  	s17 =	sshll.u32 s0, $0xA;
	s2 =	sadd.s32 s3, s2  }
0x8d: {  	s2 =	sadd.s32 s2, s17  }
0x8e: {  	[smem:$0x3FC3] =	sst s2  }
0x8f: {  	_ = 	snop  }
0x90: {  	s2 =	sld [smem:$0x3FD0];
	(tm) =	ssettm $0x1  }
0x91: {  	s18 =	sld [smem:$0x3FFB];
	_ =	sdelay $0x3  }
0x92: {  	_ =	strace s18  }
0x93: {  	s3 =	sld [smem:$0x3FFC];
	_ =	sdelay $0x3  }
0x94: {  	_ =	strace s3  }
0x95: {  	s3 =	sld [smem:$0x3FFD];
	_ =	sdelay $0x3  }
0x96: {  	_ =	strace s3  }
0x97: {  	_ =	strace $0x8FFFFFFF  }
0x98: {  	s19 =	sld [smem:$0x3FDB];
	_ =	sdelay $0x1  }
0x99: {  	s4 =	simm.s32 $_scs_section_size  }
0x9a: {  	s5 =	simm.s32 $_size__tile_overlayer_lowered;
	s6 =	simm.s32 $_tile_overlayer_lowered  }
0x9b: {  	s22 =	simm.s32 $0x1BFF;
	s21 =	sshll.u32 s6, $0x1;
	s3 =	sadd.s32 s4, s19  }
0x9c: {  	s7 =	simm.s32 $0x0;
	s20 =	sshll.u32 s5, $0x1;
	s5 =	sadd.s32 s21, s3  }
0x9d: {  	[timem:s7], [sflag:s22] =	dma.local [hbm:s5], s20  }
0x9e: {  	_ =	swait.ge [sflag:s22], s20  }
0x9f: {  	s4 =	ssub.s32 $0x0, s20;
	[sflag:s22] =	ssyncset.done $0x0  }
0xa0: {  	[sflag:s22] =	ssyncadd.s32 s4;
	_ =	sdelay $0x1  }
0xa1: {  	s23 =	simm.s32 $0x1B8B  }
0xa2: {  	_ =	swait.ge [sflag:s23], $0x1  }
0xa3: {  	[sflag:s23] =	ssyncset.done $0x0  }
0xa4: {  	s25 =	simm.s32 $0x1B8E;
	s24 =	sld [smem:$0x3FFE];
	[sflag:s23] =	ssyncadd.s32 $0xFFFFFFFF  }
0xa5: {  	s26 =	simm.s32 $execute0_lowered;
	[smem:$0x3FD2] =	sst s25  }
0xa6: {  	s5 =	sshll.u32 s26, $0x1;
	_ =	strace $0x80000049;
	[dreg:$0x1] =	wrdreg $0xFFFFFFFF  }
0xa7: {  	s28 =	simm.s32 $_size_execute0_lowered;
	s3 =	sadd.s32 s3, s5;
	[dreg:$0x0] =	wrdreg $0x0  }
0xa8: {  	s5 =	sshll.u32 s28, $0x1;
	[dreg:$0x2] =	wrdreg s3  }
0xa9: {  	[dreg:$0x3] =	wrdreg s5  }
0xaa: {  	[dreg:$0x4] =	wrdreg $0xC0  }
0xab: {  	_ =	task [dreg:s7], $0x5FFFF  }
0xac: {  	[dreg:$0x1] =	wrdreg $0xFFFFFFFF  }
0xad: {  	[dreg:$0x0] =	wrdreg $0x60  }
0xae: {  	[dreg:$0x2] =	wrdreg s24  }
0xaf: {  	[dreg:$0x3] =	wrdreg s2  }
0xb0: {  	[dreg:$0x4] =	wrdreg $0x3C00  }
0xb1: {  	[dreg:$0x5] =	wrdreg $0x13C400  }
0xb2: {  	[dreg:$0x6] =	wrdreg $0x9  }
0xb3: {  	_ =	task.clear_ibuf [dreg:s7], $0x7FFFF;
	_ =	strace $0x90000049  }
0xb4: {  	s29 =	simm.s32 $0x9;
	_ =	strace $0x8000004B  }
0xb5: {  	_ =	swait.ge [sflag:s29], $0x1  }
0xb6: {  	[sflag:s29] =	ssyncadd.s32 $0xFFFFFFFF  }
0xb7: {  	_ =	strace $0x9000004B  }
0xb8: {  	_ =	sfence  }
0xb9: {  	s30 =	sld [smem:$0x0];
	_ =	sdelay $0x2  }
0xba: {  	s31 =	sshll.u32 s1, $0xD;
	s1 =	sshrl.u32 s1, $0x2  }
0xbb: {  	s3 =	sand.u32 $0x4000, s31;
	s1 =	sadd.s32 s1, s30  }
0xbc: {  	s0 =	sor.u32 s3, s0;
	s1 =	sshll.u32 s1, $0x11  }
0xbd: {  	s0 =	sor.u32 s1, s0  }
0xbe: {  	s0 =	sadd.s32 $0x8F2B, s0  }
0xbf: {  	[sflag:s0] =	ssyncadd.remote.s32 $0x1  }
0xc0: {  	_ =	sfence.sel $0xFFFF  }
0xc1: {  	[dreg:$0x0] =	wrdreg $0xFFFFFFFF;
	(pc) =	sbr.abs _section_cstart, $3  }
0xc2: {  	[dreg:$0x1] =	wrdreg $0xFFFFFFFF  }
0xc3: {  	_ =	task.clear_ibuf [dreg:s7], $0x2FFFF;
	_ =	strace $0x9FFFFFFF  }
0xc4: {  	(tm) =	ssettm $0x7FFFFFFF  }
0xc5: {  	_ =	shalt  }
tec
execute0_lowered:
.L_overlay_start_1:
0x0: {  	(tag) =	ssettag $0x1  }
0x1: {  	s0 =	rddreg [dreg:$0x0]  }
0x2: {  	s1 =	rddreg [dreg:$0x1]  }
0x3: {  	s2 =	rddreg [dreg:$0x2]  }
0x4: {  	s3 =	rddreg [dreg:$0x3];
	s15 =	stileid.u32  }
0x5: {  	s4 =	srdreg.scid;
	s5 =	simm.s32 $0x0;
	s30 =	simm.s32 $0xF  }
0x6: {  	s28 =	simm.s32 $0x8;
	s29 =	simm.s32 $0xB;
	s8 =	smul.u32 $0x13880, s15  }
0x7: {  	s31 =	simm.s32 $0x18B50;
	s24 =	simm.s32 $0x0;
	s9 =	smul.u32 $0x2710, s15  }
0x8: {  	s4 =	sand.u32 $0x1, s4;
	[smem:$0x7FF] =	sst s5;
	s19 =	smul.u32 $0x4E20, s15  }
0x9: {  	s5 =	sadd.s32 $0x16200, s0;
	s6 =	sadd.s32 $0x29C00, s0;
	s7 =	smul.u32 $0x138800, s4  }
0xa: {  	_ =	strace $0x8000004A;
	s11 =	smul.u32 $0x27100, s4;
	s13 =	ssub.s32 $0x2, s4  }
0xb: {  	s14 =	sshll.u32 s4, $0x4;
	s4 =	smul.u32 $0x4E200, s4;
	[dreg:$0x10] =	wrdreg s24  }
0xc: {  	s12 =	sshrl.u32 s9, $0x3;
	s25 =	sshrl.u32 s13, $0x1;
	s14 =	sor.u32 s15, s14  }
0xd: {  	s26 =	sshrl.u32 s8, $0x3;
	s10 =	sadd.s32 s8, s7;
	s7 =	sadd.s32 $0x2800, s0  }
0xe: {  	s12 =	sadd.s32 s12, s0;
	s11 =	sadd.s32 s9, s11;
	s14 =	smul.u32 $0x4E20, s14  }
0xf: {  	s8 =	sadd.s32 s8, s2;
	s1 =	sadd.s32 s1, s26;
	s9 =	sadd.s32 s9, s3  }
0x10: {  	s22 =	sadd.s32 s19, s4;
	s26 =	simm.s32 $0x1DB50;
	s19 =	simm.s32 $0x5  }
0x11: {  	s4 =	simm.s32 $0x6;
	s10 =	sshrl.u32 s10, $0x3;
	s11 =	sshrl.u32 s11, $0x3  }
0x12: {  	[dreg:$0x5] =	wrdreg s1;
	s12 =	sadd.s32 $0x2C400, s12;
	s23 =	sshrl.u32 s8, $0x3  }
0x13: {  	s1 =	simm.s32 $0x9;
	s8 =	simm.s32 $0xC;
	s10 =	sadd.s32 s10, s0  }
0x14: {  	s0 =	sadd.s32 s11, s0;
	s11 =	ssub.s32 s13, s25;
	[dreg:$0x8] =	wrdreg s12  }
0x15: {  	s13 =	sshll.u32 s15, $0x6;
	s16 =	sshrl.u32 s14, $0x3;
	[dreg:$0xe] =	wrdreg s23  }
0x16: {  	s23 =	simm.s32 $0x50;
	s25 =	simm.s32 $0x16350;
	s12 =	simm.s32 $0x1B350  }
0x17: {  	s14 =	simm.s32 $0x1;
	s15 =	simm.s32 $0x1E0;
	s17 =	sadd.s32 s7, s16  }
0x18: {  	s18 =	sor.u32 $0x1C0F, s13;
	s10 =	sadd.s32 $0x3B200, s10;
	[dreg:$0x7] =	wrdreg s17  }
0x19: {  	s0 =	sadd.s32 $0x31400, s0;
	s21 =	smax.u32 s11, $0x1;
	[dreg:$0xa] =	wrdreg s10  }
0x1a: {  	s13 =	simm.s32 $0x1E550;
	s16 =	simm.s32 $0x2;
	[dreg:$0xb] =	wrdreg s0  }
.Ltmp0:
0x1b: {  	s20 =	sadd.s32 $0x99C, s17;
	[dreg:$0xc] =	wrdreg s21;
	(pc) =	sbr.rel .LBB2_1-.Ltmp0, $4  }
0x1c: {  	s0 =	sadd.s32 $0x1E0, s22;
	s17 =	sshrl.u32 s9, $0x3;
	[dreg:$0x6] =	wrdreg s18  }
0x1d: {  	s21 =	simm.s32 $0x7;
	s22 =	simm.s32 $0xA;
	[dreg:$0x9] =	wrdreg s20  }
0x1e: {  	s10 =	simm.s32 $0x4;
	s9 =	simm.s32 $0x3;
	[dreg:$0xd] =	wrdreg s0  }
0x1f: {  	s20 =	simm.s32 $0xE;
	s0 =	simm.s32 $0x1E050;
	[dreg:$0xf] =	wrdreg s17  }
.LBB2_10:
0x20: {  	_ =	swait.ge [sflag:s21], $0x2800  }
0x21: {  	[sflag:s21] =	ssyncset.done $0x0  }
0x22: {  	[sflag:s21] =	ssyncadd.s32 $0xFFFFD800  }
0x23: {  	_ =	swait.ge [sflag:s22], $0x500  }
0x24: {  	[sflag:s22] =	ssyncset.done $0x0  }
0x25: {  	[sflag:s22] =	ssyncadd.s32 $0xFFFFFB00  }
0x26: {  	_ =	swait.ge [sflag:s28], $0x2800  }
0x27: {  	[sflag:s28] =	ssyncset.done $0x0  }
0x28: {  	[sflag:s28] =	ssyncadd.s32 $0xFFFFD800  }
0x29: {  	_ =	swait.ge [sflag:s29], $0x500  }
0x2a: {  	[sflag:s29] =	ssyncset.done $0x0  }
0x2b: {  	[sflag:s29] =	ssyncadd.s32 $0xFFFFFB00  }
0x2c: {  	_ =	swait.ge [sflag:s1], $0x2800  }
0x2d: {  	[sflag:s1] =	ssyncset.done $0x0  }
0x2e: {  	[sflag:s1] =	ssyncadd.s32 $0xFFFFD800  }
0x2f: {  	_ =	swait.ge [sflag:s8], $0x500  }
0x30: {  	s17 =	simm.s32 $0x0;
	[sflag:s8] =	ssyncset.done $0x0  }
0x31: {  	s30 =	simm.s32 $0xF;
	s11 =	rddreg [dreg:$0x9];
	[sflag:s8] =	ssyncadd.s32 $0xFFFFFB00  }
0x32: {  	[tilespmem:s17], [sflag:$0xF] =	stream.linear.gather [hbm4b:s11+s17], $0x140, $0x38;
	[tilespmem:$0x1EA50] =	vst v63  }
0x33: {  	_ =	swait.ge [sflag:s30], $0x140  }
0x34: {  	[sflag:s30] =	ssyncset.done $0x0  }
0x35: {  	[sflag:s30] =	ssyncadd.s32 $0xFFFFFEC0  }
0x36: {  	[tilespmem:s25], [sflag:$0x1] =	stream.indirect.gather [hbm4b:s5+s23], $0x80, s23, s23, $0xb8;
	[tilespmem:$0x1EA50] =	vst v63  }
0x37: {  	_ = 	snop  }
0x38: {  	[tilespmem:s26], [sflag:$0x4] =	stream.indirect.gather [hbm4b:s6+s23], $0x10, s23, s23, $0xb8;
	[tilespmem:$0x1EA50] =	vst v63  }
0x39: {  	s18 =	simm.s32 $0xF0  }
0x3a: {  	[tilespmem:s31], [sflag:$0x2] =	stream.indirect.gather [hbm4b:s5+s23], $0x80, s18, s23, $0xb8;
	[tilespmem:$0x1EA50] =	vst v63  }
0x3b: {  	_ = 	snop  }
0x3c: {  	[tilespmem:s0], [sflag:$0x5] =	stream.indirect.gather [hbm4b:s6+s23], $0x10, s18, s23, $0xb8;
	[tilespmem:$0x1EA50] =	vst v63  }
0x3d: {  	_ =	swait.ge [sflag:s14], $0x2800  }
0x3e: {  	[sflag:s14] =	ssyncset.done $0x0  }
0x3f: {  	[sflag:s14] =	ssyncadd.s32 $0xFFFFD800  }
0x40: {  	[spmem:s2] =	stream.indirect.scatter.add.f32 [tilespmem:s25], [sflag:$0xF], $0x80, s17, s23, $0xb8;
	[tilespmem:$0x1EA50] =	vst v63  }
0x41: {  	_ =	swait.ge [sflag:s30], $0x2800  }
0x42: {  	[sflag:s30] =	ssyncset.done $0x0  }
0x43: {  	[sflag:s30] =	ssyncadd.s32 $0xFFFFD800  }
0x44: {  	_ =	swait.ge [sflag:s10], $0x500  }
0x45: {  	[sflag:s10] =	ssyncset.done $0x0  }
0x46: {  	[sflag:s10] =	ssyncadd.s32 $0xFFFFFB00  }
0x47: {  	[spmem:s3] =	stream.indirect.scatter.add.f32 [tilespmem:s26], [sflag:$0xF], $0x10, s17, s23, $0xb8;
	[tilespmem:$0x1EA50] =	vst v63  }
0x48: {  	_ =	swait.ge [sflag:s30], $0x500  }
0x49: {  	[sflag:s30] =	ssyncset.done $0x0  }
0x4a: {  	[sflag:s30] =	ssyncadd.s32 $0xFFFFFB00  }
0x4b: {  	_ =	swait.ge [sflag:s16], $0x2800  }
0x4c: {  	[sflag:s16] =	ssyncset.done $0x0  }
0x4d: {  	s24 =	simm.s32 $0xA0;
	[sflag:s16] =	ssyncadd.s32 $0xFFFFD800  }
0x4e: {  	[spmem:s2] =	stream.indirect.scatter.add.f32 [tilespmem:s31], [sflag:$0xF], $0x80, s24, s23, $0xb8;
	[tilespmem:$0x1EA50] =	vst v63  }
0x4f: {  	_ =	swait.ge [sflag:s30], $0x2800  }
0x50: {  	[sflag:s30] =	ssyncset.done $0x0  }
0x51: {  	[sflag:s30] =	ssyncadd.s32 $0xFFFFD800  }
0x52: {  	_ =	swait.ge [sflag:s19], $0x500  }
0x53: {  	[sflag:s19] =	ssyncset.done $0x0  }
0x54: {  	[sflag:s19] =	ssyncadd.s32 $0xFFFFFB00  }
0x55: {  	[spmem:s3] =	stream.indirect.scatter.add.f32 [tilespmem:s0], [sflag:$0xF], $0x10, s24, s23, $0xb8;
	[tilespmem:$0x1EA50] =	vst v63  }
0x56: {  	_ =	swait.ge [sflag:s30], $0x500  }
0x57: {  	[sflag:s30] =	ssyncset.done $0x0  }
0x58: {  	[sflag:s30] =	ssyncadd.s32 $0xFFFFFB00  }
0x59: {  	[bflag:$0x0] =	sbarrier.arrive $0xFFFF  }
0x5a: {  	s18 =	rddreg [dreg:$0x6]  }
0x5b: {  	s17 =	rddreg [dreg:$0xa]  }
0x5c: {  	s24 =	rddreg [dreg:$0xe]  }
0x5d: {  	[hbm:s17], [sflag:s18] =	dma.local [spmem:s24], $0x2710  }
0x5e: {  	_ =	swait.ge [sflag:s30], $0x2710  }
0x5f: {  	[sflag:s30] =	ssyncset.done $0x0;
	s24 =	rddreg [dreg:$0xb]  }
0x60: {  	s17 =	rddreg [dreg:$0xf];
	[sflag:s30] =	ssyncadd.s32 $0xFFFFD8F0  }
0x61: {  	[hbm:s24], [sflag:s18] =	dma.local [spmem:s17], $0x4E2  }
0x62: {  	_ =	swait.ge [sflag:s30], $0x4E2  }
0x63: {  	s24 =	rddreg [dreg:$0x10]  }
0x64: {  	s11 =	rddreg [dreg:$0xc];
	s24 =	sadd.s32 $0x1, s24  }
0x65: {  	p0 =	sne.s32 s24, s11  }
.Ltmp1:
0x66: {  	_ = 	snop;
	(pc) =	sbr.rel @!p0 .LBB2_11-.Ltmp1, $3  }
0x67: {  	_ =	sdelay $0x1  }
0x68: {  	[sflag:s30] =	ssyncset.done $0x0  }
0x69: {  	[sflag:s30] =	ssyncadd.s32 $0xFFFFFB1E;
	[dreg:$0x10] =	wrdreg s24  }
.LBB2_1:
0x6a: {  	s11 =	rddreg [dreg:$0x5]  }
0x6b: {  	s24 =	rddreg [dreg:$0xe]  }
0x6c: {  	[spmem:s24], [sflag:s18] =	dma.local [hbm:s11], $0x2710  }
0x6d: {  	_ =	swait.ge [sflag:s30], $0x2710  }
0x6e: {  	[sflag:s30] =	ssyncset.done $0x0  }
0x6f: {  	s24 =	rddreg [dreg:$0x8];
	[sflag:s30] =	ssyncadd.s32 $0xFFFFD8F0  }
0x70: {  	[spmem:s17], [sflag:s18] =	dma.local [hbm:s24], $0x4E2  }
0x71: {  	_ =	swait.ge [sflag:s30], $0x4E2  }
.Ltmp2:
0x72: {  	[sflag:s30] =	ssyncset.done $0x0;
	(pc) =	sbr.rel .LBB2_2-.Ltmp2, $4  }
0x73: {  	s24 =	simm.s32 $0x0;
	s18 =	rddreg [dreg:$0x7];
	[sflag:s30] =	ssyncadd.s32 $0xFFFFFB1E  }
0x74: {  	[tilespmem:s24], [sflag:$0xD] =	stream.linear.gather [hbm4b:s18+s24], $0x1E0, $0x38;
	[tilespmem:$0x1EA50] =	vst v63  }
0x75: {  	[bflag:$0x0] =	sbarrier.arrive $0xFFFF  }
0x76: {  	s11 =	simm.s32 $0x0;
	s30 =	rddreg [dreg:$0xd]  }
.LBB2_8:
0x77: {  	_ =	swait.ge [sflag:s20], $0x1E0  }
0x78: {  	[sflag:s20] =	ssyncset.done $0x0  }
0x79: {  	[sflag:s20] =	ssyncadd.s32 $0xFFFFFE20  }
0x7a: {  	_ =	swait.ge [sflag:s21], $0x2800  }
0x7b: {  	[sflag:s21] =	ssyncset.done $0x0  }
0x7c: {  	[sflag:s21] =	ssyncadd.s32 $0xFFFFD800  }
0x7d: {  	_ =	swait.ge [sflag:s22], $0x500  }
0x7e: {  	[sflag:s22] =	ssyncset.done $0x0  }
0x7f: {  	s17 =	simm.s32 $0x230;
	[sflag:s22] =	ssyncadd.s32 $0xFFFFFB00  }
0x80: {  	[tilespmem:s25], [sflag:$0x1] =	stream.indirect.gather [hbm4b:s5+s23], $0x80, s17, s23, $0xb8;
	[tilespmem:$0x1EA50] =	vst v63  }
0x81: {  	_ = 	snop  }
0x82: {  	[tilespmem:s26], [sflag:$0x4] =	stream.indirect.gather [hbm4b:s6+s23], $0x10, s17, s23, $0xb8;
	[tilespmem:$0x1EA50] =	vst v63  }
0x83: {  	_ =	swait.ge [sflag:s28], $0x2800  }
0x84: {  	[sflag:s28] =	ssyncset.done $0x0  }
0x85: {  	[sflag:s28] =	ssyncadd.s32 $0xFFFFD800  }
0x86: {  	_ =	swait.ge [sflag:s29], $0x500  }
0x87: {  	[sflag:s29] =	ssyncset.done $0x0  }
0x88: {  	s18 =	simm.s32 $0x2D0;
	[sflag:s29] =	ssyncadd.s32 $0xFFFFFB00  }
0x89: {  	[tilespmem:s31], [sflag:$0x2] =	stream.indirect.gather [hbm4b:s5+s23], $0x80, s18, s23, $0xb8;
	[tilespmem:$0x1EA50] =	vst v63  }
0x8a: {  	_ = 	snop  }
0x8b: {  	[tilespmem:s0], [sflag:$0x5] =	stream.indirect.gather [hbm4b:s6+s23], $0x10, s18, s23, $0xb8;
	[tilespmem:$0x1EA50] =	vst v63  }
0x8c: {  	_ =	swait.ge [sflag:s1], $0x2800  }
0x8d: {  	[sflag:s1] =	ssyncset.done $0x0  }
0x8e: {  	[sflag:s1] =	ssyncadd.s32 $0xFFFFD800  }
0x8f: {  	_ =	swait.ge [sflag:s8], $0x500  }
0x90: {  	[sflag:s8] =	ssyncset.done $0x0  }
0x91: {  	s24 =	simm.s32 $0x370;
	p0 =	seq.s32 s11, $0x28;
	[sflag:s8] =	ssyncadd.s32 $0xFFFFFB00  }
0x92: {  	[tilespmem:s12], [sflag:$0x3] =	stream.indirect.gather [hbm4b:s5+s23], $0x80, s24, s23, $0xb8;
	[tilespmem:$0x1EA50] =	vst v63  }
0x93: {  	s17 =	sshrl.u32 @!p0 s30, $0x3  }
0x94: {  	[tilespmem:s13], [sflag:$0x6] =	stream.indirect.gather [hbm4b:s6+s23], $0x10, s24, s23, $0xb8;
	[tilespmem:$0x1EA50] =	vst v63  }
0x95: {  	s17 =	sadd.s32 @!p0 s7, s17;
	s18 =	simm.s32 @!p0 $0x0  }
0x96: {  	[tilespmem:s18], [sflag:$0xD] =	stream.linear.gather @!p0 [hbm4b:s17+s18], $0x1E0, $0x38;
	[tilespmem:$0x1EA50] =	vst v63  }
0x97: {  	_ =	swait.ge [sflag:s14], $0x2800  }
0x98: {  	[sflag:s14] =	ssyncset.done $0x0  }
0x99: {  	[sflag:s14] =	ssyncadd.s32 $0xFFFFD800  }
0x9a: {  	[spmem:s2] =	stream.indirect.scatter.add.f32 [tilespmem:s25], [sflag:$0x7], $0x80, s15, s23, $0xb8;
	[tilespmem:$0x1EA50] =	vst v63  }
0x9b: {  	_ =	swait.ge [sflag:s10], $0x500  }
0x9c: {  	[sflag:s10] =	ssyncset.done $0x0  }
0x9d: {  	[sflag:s10] =	ssyncadd.s32 $0xFFFFFB00  }
0x9e: {  	[spmem:s3] =	stream.indirect.scatter.add.f32 [tilespmem:s26], [sflag:$0xA], $0x10, s15, s23, $0xb8;
	[tilespmem:$0x1EA50] =	vst v63  }
0x9f: {  	_ =	swait.ge [sflag:s16], $0x2800  }
0xa0: {  	[sflag:s16] =	ssyncset.done $0x0  }
0xa1: {  	s18 =	simm.s32 $0x280;
	[sflag:s16] =	ssyncadd.s32 $0xFFFFD800  }
0xa2: {  	[spmem:s2] =	stream.indirect.scatter.add.f32 [tilespmem:s31], [sflag:$0x8], $0x80, s18, s23, $0xb8;
	[tilespmem:$0x1EA50] =	vst v63  }
0xa3: {  	_ =	swait.ge [sflag:s19], $0x500  }
0xa4: {  	[sflag:s19] =	ssyncset.done $0x0  }
0xa5: {  	[sflag:s19] =	ssyncadd.s32 $0xFFFFFB00  }
0xa6: {  	[spmem:s3] =	stream.indirect.scatter.add.f32 [tilespmem:s0], [sflag:$0xB], $0x10, s18, s23, $0xb8;
	[tilespmem:$0x1EA50] =	vst v63  }
0xa7: {  	_ =	swait.ge [sflag:s9], $0x2800  }
0xa8: {  	[sflag:s9] =	ssyncset.done $0x0  }
0xa9: {  	s24 =	simm.s32 $0x320;
	[sflag:s9] =	ssyncadd.s32 $0xFFFFD800  }
0xaa: {  	[spmem:s2] =	stream.indirect.scatter.add.f32 [tilespmem:s12], [sflag:$0x9], $0x80, s24, s23, $0xb8;
	[tilespmem:$0x1EA50] =	vst v63  }
0xab: {  	_ =	swait.ge [sflag:s4], $0x500  }
0xac: {  	[sflag:s4] =	ssyncset.done $0x0  }
0xad: {  	[sflag:s4] =	ssyncadd.s32 $0xFFFFFB00  }
0xae: {  	[spmem:s3] =	stream.indirect.scatter.add.f32 [tilespmem:s13], [sflag:$0xC], $0x10, s24, s23, $0xb8;
	[tilespmem:$0x1EA50] =	vst v63  }
.LBB2_9:
0xaf: {  	s11 =	sadd.s32 $0x1, s11  }
0xb0: {  	p0 =	sne.s32 s11, $0x29  }
.Ltmp3:
0xb1: {  	_ = 	snop;
	(pc) =	sbr.rel @!p0 .LBB2_10-.Ltmp3, $2  }
0xb2: {  	_ =	sdelay $0x2  }
0xb3: {  	s30 =	sadd.s32 $0x1E0, s30  }
.LBB2_2:
0xb4: {  	s17 =	sand.u32 $0x1, s11  }
0xb5: {  	p0 =	seq.s32 s17, $0x1  }
.Ltmp4:
0xb6: {  	_ = 	snop;
	(pc) =	sbr.rel @p0 .LBB2_8-.Ltmp4, $1  }
0xb7: {  	_ =	sdelay $0x3  }
0xb8: {  	p0 =	sne.s32 s11, $0x0  }
.Ltmp5:
0xb9: {  	_ = 	snop;
	(pc) =	sbr.rel @!p0 .LBB2_4-.Ltmp5, $4  }
0xba: {  	s18 =	simm.s32 $0xD  }
0xbb: {  	_ =	swait.ge [sflag:s18], $0x1E0  }
0xbc: {  	[sflag:s18] =	ssyncset.done $0x0  }
0xbd: {  	[sflag:s18] =	ssyncadd.s32 $0xFFFFFE20  }
0xbe: {  	_ =	swait.ge [sflag:s21], $0x2800  }
0xbf: {  	[sflag:s21] =	ssyncset.done $0x0  }
0xc0: {  	[sflag:s21] =	ssyncadd.s32 $0xFFFFD800  }
0xc1: {  	_ =	swait.ge [sflag:s22], $0x500  }
0xc2: {  	[sflag:s22] =	ssyncset.done $0x0  }
0xc3: {  	[sflag:s22] =	ssyncadd.s32 $0xFFFFFB00  }
0xc4: {  	[tilespmem:s25], [sflag:$0x1] =	stream.indirect.gather [hbm4b:s5+s23], $0x80, s23, s23, $0xb8;
	[tilespmem:$0x1EA50] =	vst v63  }
0xc5: {  	_ = 	snop  }
0xc6: {  	[tilespmem:s26], [sflag:$0x4] =	stream.indirect.gather [hbm4b:s6+s23], $0x10, s23, s23, $0xb8;
	[tilespmem:$0x1EA50] =	vst v63  }
0xc7: {  	_ =	swait.ge [sflag:s28], $0x2800  }
0xc8: {  	[sflag:s28] =	ssyncset.done $0x0  }
0xc9: {  	[sflag:s28] =	ssyncadd.s32 $0xFFFFD800  }
0xca: {  	_ =	swait.ge [sflag:s29], $0x500  }
0xcb: {  	[sflag:s29] =	ssyncset.done $0x0  }
0xcc: {  	s18 =	simm.s32 $0xF0;
	[sflag:s29] =	ssyncadd.s32 $0xFFFFFB00  }
0xcd: {  	[tilespmem:s31], [sflag:$0x2] =	stream.indirect.gather [hbm4b:s5+s23], $0x80, s18, s23, $0xb8;
	[tilespmem:$0x1EA50] =	vst v63  }
0xce: {  	_ = 	snop  }
0xcf: {  	[tilespmem:s0], [sflag:$0x5] =	stream.indirect.gather [hbm4b:s6+s23], $0x10, s18, s23, $0xb8;
	[tilespmem:$0x1EA50] =	vst v63  }
0xd0: {  	_ =	swait.ge [sflag:s1], $0x2800  }
0xd1: {  	[sflag:s1] =	ssyncset.done $0x0  }
0xd2: {  	[sflag:s1] =	ssyncadd.s32 $0xFFFFD800  }
0xd3: {  	_ =	swait.ge [sflag:s8], $0x500  }
0xd4: {  	[sflag:s8] =	ssyncset.done $0x0  }
0xd5: {  	s24 =	simm.s32 $0x190;
	p0 =	seq.s32 s11, $0x28;
	[sflag:s8] =	ssyncadd.s32 $0xFFFFFB00  }
0xd6: {  	[tilespmem:s12], [sflag:$0x3] =	stream.indirect.gather [hbm4b:s5+s23], $0x80, s24, s23, $0xb8;
	[tilespmem:$0x1EA50] =	vst v63  }
.Ltmp6:
0xd7: {  	_ = 	snop;
	(pc) =	sbr.rel @p0 .LBB2_7-.Ltmp6, $4  }
.Ltmp7:
0xd8: {  	_ = 	snop;
	(pc) =	sbr.rel @!p0 .LBB2_6-.Ltmp7, $4  }
0xd9: {  	_ = 	snop  }
0xda: {  	[tilespmem:s13], [sflag:$0x6] =	stream.indirect.gather [hbm4b:s6+s23], $0x10, s24, s23, $0xb8;
	[tilespmem:$0x1EA50] =	vst v63  }
0xdb: {  	s24 =	simm.s32 $0x0  }
0xdc: {  	_ = 	snop  }
.LBB2_4:
0xdd: {  	[tilespmem:s25], [sflag:$0x1] =	stream.indirect.gather [hbm4b:s5+s23], $0x80, s23, s23, $0xb8;
	[tilespmem:$0x1EA50] =	vst v63  }
0xde: {  	_ = 	snop  }
0xdf: {  	[tilespmem:s26], [sflag:$0x4] =	stream.indirect.gather [hbm4b:s6+s23], $0x10, s23, s23, $0xb8;
	[tilespmem:$0x1EA50] =	vst v63  }
0xe0: {  	s18 =	simm.s32 $0xF0  }
0xe1: {  	[tilespmem:s31], [sflag:$0x2] =	stream.indirect.gather [hbm4b:s5+s23], $0x80, s18, s23, $0xb8;
	[tilespmem:$0x1EA50] =	vst v63  }
0xe2: {  	_ = 	snop  }
0xe3: {  	[tilespmem:s0], [sflag:$0x5] =	stream.indirect.gather [hbm4b:s6+s23], $0x10, s18, s23, $0xb8;
	[tilespmem:$0x1EA50] =	vst v63  }
0xe4: {  	s24 =	simm.s32 $0x190  }
0xe5: {  	[tilespmem:s12], [sflag:$0x3] =	stream.indirect.gather [hbm4b:s5+s23], $0x80, s24, s23, $0xb8;
	[tilespmem:$0x1EA50] =	vst v63  }
0xe6: {  	_ = 	snop  }
0xe7: {  	[tilespmem:s13], [sflag:$0x6] =	stream.indirect.gather [hbm4b:s6+s23], $0x10, s24, s23, $0xb8;
	[tilespmem:$0x1EA50] =	vst v63  }
0xe8: {  	s24 =	simm.s32 $0x0  }
.LBB2_6:
0xe9: {  	s18 =	sshrl.u32 s30, $0x3  }
0xea: {  	s18 =	sadd.s32 s7, s18  }
0xeb: {  	[tilespmem:s15], [sflag:$0xE] =	stream.linear.gather [hbm4b:s18+s24], $0x1E0, $0x38;
	[tilespmem:$0x1EA50] =	vst v63  }
.LBB2_7:
0xec: {  	_ =	swait.ge [sflag:s14], $0x2800  }
0xed: {  	[sflag:s14] =	ssyncset.done $0x0  }
0xee: {  	[sflag:s14] =	ssyncadd.s32 $0xFFFFD800  }
0xef: {  	[spmem:s2] =	stream.indirect.scatter.add.f32 [tilespmem:s25], [sflag:$0x7], $0x80, s24, s23, $0xb8;
	[tilespmem:$0x1EA50] =	vst v63  }
0xf0: {  	_ =	swait.ge [sflag:s10], $0x500  }
0xf1: {  	[sflag:s10] =	ssyncset.done $0x0  }
0xf2: {  	[sflag:s10] =	ssyncadd.s32 $0xFFFFFB00  }
0xf3: {  	[spmem:s3] =	stream.indirect.scatter.add.f32 [tilespmem:s26], [sflag:$0xA], $0x10, s24, s23, $0xb8;
	[tilespmem:$0x1EA50] =	vst v63  }
0xf4: {  	_ =	swait.ge [sflag:s16], $0x2800  }
0xf5: {  	[sflag:s16] =	ssyncset.done $0x0  }
0xf6: {  	s18 =	simm.s32 $0xA0;
	[sflag:s16] =	ssyncadd.s32 $0xFFFFD800  }
0xf7: {  	[spmem:s2] =	stream.indirect.scatter.add.f32 [tilespmem:s31], [sflag:$0x8], $0x80, s18, s23, $0xb8;
	[tilespmem:$0x1EA50] =	vst v63  }
0xf8: {  	_ =	swait.ge [sflag:s19], $0x500  }
0xf9: {  	[sflag:s19] =	ssyncset.done $0x0  }
0xfa: {  	[sflag:s19] =	ssyncadd.s32 $0xFFFFFB00  }
0xfb: {  	[spmem:s3] =	stream.indirect.scatter.add.f32 [tilespmem:s0], [sflag:$0xB], $0x10, s18, s23, $0xb8;
	[tilespmem:$0x1EA50] =	vst v63  }
0xfc: {  	_ =	swait.ge [sflag:s9], $0x2800  }
0xfd: {  	[sflag:s9] =	ssyncset.done $0x0  }
0xfe: {  	p0 =	seq.s32 s17, $0x0;
	s24 =	simm.s32 $0x140;
	[sflag:s9] =	ssyncadd.s32 $0xFFFFD800  }
0xff: {  	[spmem:s2] =	stream.indirect.scatter.add.f32 [tilespmem:s12], [sflag:$0x9], $0x80, s24, s23, $0xb8;
	[tilespmem:$0x1EA50] =	vst v63  }
.Ltmp8:
0x100: {  	_ = 	snop;
	(pc) =	sbr.rel @p0 .LBB2_9-.Ltmp8, $4  }
.Ltmp9:
0x101: {  	_ =	swait.ge [sflag:s4], $0x500;
	(pc) =	sbr.rel @!p0 .LBB2_8-.Ltmp9, $4  }
0x102: {  	[sflag:s4] =	ssyncset.done $0x0  }
0x103: {  	[sflag:s4] =	ssyncadd.s32 $0xFFFFFB00  }
0x104: {  	[spmem:s3] =	stream.indirect.scatter.add.f32 [tilespmem:s13], [sflag:$0xC], $0x10, s24, s23, $0xb8;
	[tilespmem:$0x1EA50] =	vst v63  }
0x105: {  	_ = 	snop  }
.LBB2_11:
0x106: {  	_ =	sfence.sel $0x180000  }
0x107: {  	[bflag:$0x0] =	sbarrier.arrive $0xFFFF  }
0x108: {  	_ =	strace $0x9000004A  }
0x109: {  	s0 =	stileid.u32;
	[bflag:$0x2] =	sbarrier.arrive $0xFFFF  }
0x10a: {  	p0 =	sne.s32 s0, $0x0;
	s0 =	rddreg [dreg:$0x4]  }
0x10b: {  	s0 =	sadd.s32 @!p0 $0x100000, s0  }
0x10c: {  	[sflag:s0] =	ssyncadd.tile.s32 @!p0 $0x1;
	_ =	shalt  }
.Lfunc_end2:
_tile_overlayer_lowered:
.L_overlay_start_2:
0x10d: {  	(tag) =	ssettag $0x2  }
0x10e: {  	s0 =	rddreg [dreg:$0x0];
	s2 =	stileid.u32  }
0x10f: {  	s1 =	rddreg [dreg:$0x1];
	p0 =	sne.s32 s2, $0x0  }
0x110: {  	s3 =	rddreg [dreg:$0x2];
	[bflag:$0x3] =	sbarrier.arrive $0xFFFF;
	s2 =	simm.s32 @!p0 $0x1C0F  }
0x111: {  	[timem:s3], [sflag:s2] =	dma.local @!p0 [hbm:s0], s1  }
0x112: {  	s0 =	simm.s32 @!p0 $0xF  }
0x113: {  	_ =	swait.ge @!p0 [sflag:s0], s1  }
0x114: {  	s1 =	ssub.s32 @!p0 $0x0, s1;
	[sflag:s0] =	ssyncset.done @!p0 $0x0  }
0x115: {  	[sflag:s0] =	ssyncadd.s32 @!p0 s1  }
0x116: {  	[bflag:$0x3] =	sbarrier.arrive $0xFFFF  }
0x117: {  	_ =	shalt  }

// kernel: kernel.7.cloned.1.call-start
scs
__scs_entry_jumppad:
0x0: {  	(pc) =	sbr.rel $0x88, $3  }
0x1: {  	(tag) =	ssettag $0x0;
	lr =	simm.s32 $0x1  }
0x2: {  	[smem:$0x3F9C] =	sst lr;
	_ =	strace $0xD0000000  }
0x3: {  	_ = 	snop  }
0x4: {  	_ = 	snop  }
0x5: {  	_ = 	snop  }
0x6: {  	_ = 	snop  }
0x7: {  	_ = 	snop  }
__scs_overlays_trampoline_lowered:
0x8: {  	[smem:$0x3FAB] =	sst s0  }
0x9: {  	[smem:$0x3FAC] =	sst s1  }
0xa: {  	[smem:$0x3FAD] =	sst s2  }
0xb: {  	[smem:$0x3FAE] =	sst s3  }
0xc: {  	[smem:$0x3FAF] =	sst s4  }
0xd: {  	[smem:$0x3FB0] =	sst s5  }
0xe: {  	[smem:$0x3FB1] =	sst s6  }
0xf: {  	[smem:$0x3FB2] =	sst s7  }
0x10: {  	[smem:$0x3FB3] =	sst s8  }
0x11: {  	[smem:$0x3FB4] =	sst s9;
	s0 =	simm.s32 @!p0 $0x0  }
0x12: {  	s1 =	sld [smem:$0x3F9A];
	s0 =	simm.s32 @p0 $0x1  }
0x13: {  	[smem:$0x3FB5] =	sst s0;
	s0 =	simm.s32 @!p1 $0x0  }
0x14: {  	s2 =	sld [smem:$0x3F99];
	s0 =	simm.s32 @p1 $0x1  }
0x15: {  	[smem:$0x3FB6] =	sst s0;
	s0 =	simm.s32 @!p2 $0x0  }
0x16: {  	s3 =	sld [smem:$0x3FDB];
	s0 =	simm.s32 @p2 $0x1  }
0x17: {  	s4 =	simm.s32 $0x1BF5;
	[smem:$0x3FB8] =	sst s0  }
0x18: {  	s0 =	sld [smem:$0x3F9B];
	_ =	swait.ge [sflag:s4], $0x0  }
0x19: {  	s7 =	sld [smem:$0x3F9C]  }
0x1a: {  	s8 =	sadd.s32 $0xFFFFE003, lr  }
0x1b: {  	s9 =	sadd.s32 $0xFFFFFEF7, lr;
	s5 =	simm.s32 $0xFFFFFFFF;
	p2 =	slt.u32 s8, $0xFFFFF086  }
0x1c: {  	p1 =	slt.u32 s9, $0xF7A;
	s5 =	simm.s32 @!p2 $0x0  }
0x1d: {  	s5 =	simm.s32 @p1 $0x1;
	p0 =	seq.s32 s7, s2  }
0x1e: {  	s7 =	smul.u32 @!p0 $0xF7A, s2;
	p2 =	seq.s32 @!p0 s5, $0x0  }
0x1f: {  	s9 =	smul.u32 $0xF7A, s1;
	s8 =	simm.s32 @!p0 $0x1BF5;
	p2 =	por !p2, p0  }
0x20: {  	[sflag:s8] =	ssyncset.s32 @!p0 $0xFFFFF086;
	s6 =	sadd.s32 @!p0 s3, s7;
	s7 =	simm.s32 @!p0 $0x108  }
0x21: {  	s3 =	sadd.s32 s3, s9;
	s6 =	sadd.s32 @!p0 $0x88, s6;
	s7 =	simm.s32 @p2 $0x1082  }
0x22: {  	[simem:s7], [sflag:s8] =	dma.local @!p0 [hbm:s6], $0xF7A  }
0x23: {  	s9 =	sor.u32 $0xD0000000, s2;
	s6 =	simm.s32 $0x108;
	_ =	swait.ge @!p0 [sflag:s8], $0x0  }
0x24: {  	s3 =	sadd.s32 $0x88, s3;
	s6 =	simm.s32 @!p1 $0x1082;
	[sflag:s4] =	ssyncset.s32 $0xFFFFF086  }
0x25: {  	[simem:s6], [sflag:s4] =	dma.local [hbm:s3], $0xF7A  }
0x26: {  	[smem:$0x3F9C] =	sst s1;
	(tag) =	ssettag s2;
	_ =	strace s9  }
0x27: {  	s1 =	sld [smem:$0x3FAC]  }
0x28: {  	s2 =	sld [smem:$0x3FAD]  }
0x29: {  	s4 =	sld [smem:$0x3FAF]  }
0x2a: {  	p0 =	seq.s32 s5, $0x0;
	s5 =	sld [smem:$0x3FB0]  }
0x2b: {  	s6 =	sld [smem:$0x3FB1]  }
0x2c: {  	s7 =	sld [smem:$0x3FB2]  }
0x2d: {  	s3 =	simm.s32 $0x108;
	s8 =	sld [smem:$0x3FB3]  }
0x2e: {  	s3 =	simm.s32 @!p0 $0x1082;
	s9 =	sld [smem:$0x3FB4]  }
0x2f: {  	lr =	sadd.s32 s0, s3;
	s0 =	sld [smem:$0x3FAB]  }
0x30: {  	s3 =	sld [smem:$0x3FAE]  }
0x31: {  	[smem:$0x3FB7] =	sst s10  }
0x32: {  	s10 =	sld [smem:$0x3FB5];
	_ =	sdelay $0x3  }
0x33: {  	p0 =	seq.s32 s10, $0x1;
	s10 =	sld [smem:$0x3FB7];
	_ =	sdelay $0x3  }
0x34: {  	[smem:$0x3FB7] =	sst s10  }
0x35: {  	s10 =	sld [smem:$0x3FB6];
	_ =	sdelay $0x3  }
0x36: {  	p1 =	seq.s32 s10, $0x1;
	s10 =	sld [smem:$0x3FB7];
	_ =	sdelay $0x3  }
0x37: {  	[smem:$0x3FB7] =	sst s10  }
0x38: {  	s10 =	sld [smem:$0x3FB8]  }
0x39: {  	_ = 	snop;
	(pc) =	sbr.ind lr, $3  }
0x3a: {  	_ = 	snop  }
0x3b: {  	_ = 	snop  }
0x3c: {  	p2 =	seq.s32 s10, $0x1;
	s10 =	sld [smem:$0x3FB7]  }
0x3d: {  	_ =	shalt  }
0x3e: {  	_ =	shalt  }
0x3f: {  	_ =	shalt  }
0x40: {  	_ =	shalt  }
0x41: {  	_ =	shalt  }
0x42: {  	_ =	shalt  }
0x43: {  	_ =	shalt  }
0x44: {  	_ =	shalt  }
0x45: {  	_ =	shalt  }
0x46: {  	_ =	shalt  }
0x47: {  	_ =	shalt  }
0x48: {  	_ =	shalt  }
0x49: {  	_ =	shalt  }
0x4a: {  	_ =	shalt  }
0x4b: {  	_ =	shalt  }
0x4c: {  	_ =	shalt  }
0x4d: {  	_ =	shalt  }
0x4e: {  	_ =	shalt  }
0x4f: {  	_ =	shalt  }
0x50: {  	_ =	shalt  }
0x51: {  	_ =	shalt  }
0x52: {  	_ =	shalt  }
0x53: {  	_ =	shalt  }
0x54: {  	_ =	shalt  }
0x55: {  	_ =	shalt  }
0x56: {  	_ =	shalt  }
0x57: {  	_ =	shalt  }
0x58: {  	_ =	shalt  }
0x59: {  	_ =	shalt  }
0x5a: {  	_ =	shalt  }
0x5b: {  	_ =	shalt  }
0x5c: {  	_ =	shalt  }
0x5d: {  	_ =	shalt  }
0x5e: {  	_ =	shalt  }
0x5f: {  	_ =	shalt  }
0x60: {  	_ =	shalt  }
0x61: {  	_ =	shalt  }
0x62: {  	_ =	shalt  }
0x63: {  	_ =	shalt  }
0x64: {  	_ =	shalt  }
0x65: {  	_ =	shalt  }
0x66: {  	_ =	shalt  }
0x67: {  	_ =	shalt  }
0x68: {  	_ =	shalt  }
0x69: {  	_ =	shalt  }
0x6a: {  	_ =	shalt  }
0x6b: {  	_ =	shalt  }
0x6c: {  	_ =	shalt  }
0x6d: {  	_ =	shalt  }
0x6e: {  	_ =	shalt  }
0x6f: {  	_ =	shalt  }
0x70: {  	_ =	shalt  }
0x71: {  	_ =	shalt  }
0x72: {  	_ =	shalt  }
0x73: {  	_ =	shalt  }
0x74: {  	_ =	shalt  }
0x75: {  	_ =	shalt  }
0x76: {  	_ =	shalt  }
0x77: {  	_ =	shalt  }
0x78: {  	_ =	shalt  }
0x79: {  	_ =	shalt  }
0x7a: {  	_ =	shalt  }
0x7b: {  	_ =	shalt  }
0x7c: {  	_ =	shalt  }
0x7d: {  	_ =	shalt  }
0x7e: {  	_ =	shalt  }
0x7f: {  	_ =	shalt  }
0x80: {  	_ =	shalt  }
0x81: {  	_ =	shalt  }
0x82: {  	_ =	shalt  }
0x83: {  	_ =	shalt  }
0x84: {  	_ =	shalt  }
0x85: {  	_ =	shalt  }
0x86: {  	_ =	shalt  }
0x87: {  	_ =	shalt  }
.Lfunc_end0:
.L_simem_size_0:
called_computation_lowered:
.L_overlay_start_0:
0x88: {  	s2 =	sld [smem:$0x3FD9]  }
0x89: {  	s3 =	sld [smem:$0x3FFE];
	_ =	sdelay $0x1  }
0x8a: {  	s1 =	srdreg.scid  }
0x8b: {  	s0 =	sand.u32 $0x1, s1  }
0x8c: {  	s17 =	sshll.u32 s0, $0xA;
	s2 =	sadd.s32 s3, s2  }
0x8d: {  	s2 =	sadd.s32 s2, s17  }
0x8e: {  	[smem:$0x3FC3] =	sst s2  }
0x8f: {  	_ = 	snop  }
0x90: {  	s2 =	sld [smem:$0x3FD0];
	(tm) =	ssettm $0x1  }
0x91: {  	s18 =	sld [smem:$0x3FFB];
	_ =	sdelay $0x3  }
0x92: {  	_ =	strace s18  }
0x93: {  	s3 =	sld [smem:$0x3FFC];
	_ =	sdelay $0x3  }
0x94: {  	_ =	strace s3  }
0x95: {  	s3 =	sld [smem:$0x3FFD];
	_ =	sdelay $0x3  }
0x96: {  	_ =	strace s3  }
0x97: {  	_ =	strace $0x8FFFFFFF  }
0x98: {  	s19 =	sld [smem:$0x3FDB];
	_ =	sdelay $0x1  }
0x99: {  	s4 =	simm.s32 $_scs_section_size  }
0x9a: {  	s5 =	simm.s32 $_size__tile_overlayer_lowered;
	s6 =	simm.s32 $_tile_overlayer_lowered  }
0x9b: {  	s22 =	simm.s32 $0x1BFF;
	s21 =	sshll.u32 s6, $0x1;
	s3 =	sadd.s32 s4, s19  }
0x9c: {  	s7 =	simm.s32 $0x0;
	s20 =	sshll.u32 s5, $0x1;
	s5 =	sadd.s32 s21, s3  }
0x9d: {  	[timem:s7], [sflag:s22] =	dma.local [hbm:s5], s20  }
0x9e: {  	_ =	swait.ge [sflag:s22], s20  }
0x9f: {  	s4 =	ssub.s32 $0x0, s20;
	[sflag:s22] =	ssyncset.done $0x0  }
0xa0: {  	[sflag:s22] =	ssyncadd.s32 s4;
	_ =	sdelay $0x1  }
0xa1: {  	s23 =	simm.s32 $0x1B8B  }
0xa2: {  	_ =	swait.ge [sflag:s23], $0x1  }
0xa3: {  	[sflag:s23] =	ssyncset.done $0x0  }
0xa4: {  	s25 =	simm.s32 $0x1B8E;
	s24 =	sld [smem:$0x3FFE];
	[sflag:s23] =	ssyncadd.s32 $0xFFFFFFFF  }
0xa5: {  	s26 =	simm.s32 $execute0_lowered;
	[smem:$0x3FD2] =	sst s25  }
0xa6: {  	s5 =	sshll.u32 s26, $0x1;
	_ =	strace $0x80000046;
	[dreg:$0x1] =	wrdreg $0xFFFFFFFF  }
0xa7: {  	s28 =	simm.s32 $_size_execute0_lowered;
	s3 =	sadd.s32 s3, s5;
	[dreg:$0x0] =	wrdreg $0x0  }
0xa8: {  	s5 =	sshll.u32 s28, $0x1;
	[dreg:$0x2] =	wrdreg s3  }
0xa9: {  	[dreg:$0x3] =	wrdreg s5  }
0xaa: {  	[dreg:$0x4] =	wrdreg $0xC0  }
0xab: {  	_ =	task [dreg:s7], $0x5FFFF  }
0xac: {  	[dreg:$0x1] =	wrdreg $0xFFFFFFFF  }
0xad: {  	[dreg:$0x0] =	wrdreg $0x60  }
0xae: {  	[dreg:$0x2] =	wrdreg s2  }
0xaf: {  	[dreg:$0x3] =	wrdreg s24  }
0xb0: {  	[dreg:$0x4] =	wrdreg $0xB400  }
0xb1: {  	[dreg:$0x5] =	wrdreg $0xA7800  }
0xb2: {  	[dreg:$0x6] =	wrdreg $0x9  }
0xb3: {  	_ =	task.clear_ibuf [dreg:s7], $0x7FFFF;
	_ =	strace $0x90000046  }
0xb4: {  	s29 =	simm.s32 $0x9;
	_ =	strace $0x80000048  }
0xb5: {  	_ =	swait.ge [sflag:s29], $0x1  }
0xb6: {  	[sflag:s29] =	ssyncadd.s32 $0xFFFFFFFF  }
0xb7: {  	_ =	strace $0x90000048  }
0xb8: {  	_ =	sfence  }
0xb9: {  	s30 =	sld [smem:$0x0];
	_ =	sdelay $0x2  }
0xba: {  	s31 =	sshll.u32 s1, $0xD;
	s1 =	sshrl.u32 s1, $0x2  }
0xbb: {  	s3 =	sand.u32 $0x4000, s31;
	s1 =	sadd.s32 s1, s30  }
0xbc: {  	s0 =	sor.u32 s3, s0;
	s1 =	sshll.u32 s1, $0x11  }
0xbd: {  	s0 =	sor.u32 s1, s0  }
0xbe: {  	s0 =	sadd.s32 $0x8F2B, s0  }
0xbf: {  	[sflag:s0] =	ssyncadd.remote.s32 $0x1  }
0xc0: {  	_ =	sfence.sel $0xFFFF  }
0xc1: {  	[dreg:$0x0] =	wrdreg $0xFFFFFFFF;
	(pc) =	sbr.abs _section_cstart, $3  }
0xc2: {  	[dreg:$0x1] =	wrdreg $0xFFFFFFFF  }
0xc3: {  	_ =	task.clear_ibuf [dreg:s7], $0x2FFFF;
	_ =	strace $0x9FFFFFFF  }
0xc4: {  	(tm) =	ssettm $0x7FFFFFFF  }
0xc5: {  	_ =	shalt  }
tec
execute0_lowered:
.L_overlay_start_1:
0x0: {  	(tag) =	ssettag $0x1  }
0x1: {  	s1 =	rddreg [dreg:$0x0]  }
0x2: {  	s0 =	rddreg [dreg:$0x1]  }
0x3: {  	s3 =	rddreg [dreg:$0x2]  }
0x4: {  	s4 =	rddreg [dreg:$0x3];
	s14 =	stileid.u32;
	s17 =	simm.s32 $0x0  }
0x5: {  	s5 =	srdreg.scid;
	s31 =	simm.s32 $0x11;
	s28 =	simm.s32 $0x7  }
0x6: {  	s29 =	simm.s32 $0xC;
	s15 =	simm.s32 $0x15B08;
	s16 =	simm.s32 $0x1  }
0x7: {  	s18 =	simm.s32 $0x2;
	s2 =	smul.u32 $0x13880, s14;
	[smem:$0x7FF] =	sst s17  }
0x8: {  	s7 =	smul.u32 $0x2710, s14;
	s5 =	sand.u32 $0x1, s5;
	s6 =	sadd.s32 $0x2800, s0  }
0x9: {  	s9 =	sadd.s32 $0x16200, s0;
	s24 =	smul.u32 $0x4E20, s14;
	p0 =	sgt.u32 s14, $0x7  }
0xa: {  	_ =	strace $0x80000047;
	s8 =	smul.u32 $0x9C400, s5;
	[dreg:$0x6] =	wrdreg s9  }
0xb: {  	s10 =	smul.u32 $0x13880, s5;
	s12 =	ssub.s32 $0x2, s5;
	s13 =	sshll.u32 s5, $0x4  }
0xc: {  	s5 =	smul.u32 $0x4E200, s5;
	[dreg:$0x5] =	wrdreg s6;
	s19 =	sshrl.u32 s2, $0x3  }
0xd: {  	s7 =	sadd.s32 $0xFFFEC780, s7;
	s20 =	sshrl.u32 s12, $0x1;
	s13 =	sor.u32 s14, s13  }
0xe: {  	s8 =	sadd.s32 s2, s8;
	s9 =	sadd.s32 s19, s0;
	s11 =	sshrl.u32 s7, $0x3  }
0xf: {  	s10 =	sadd.s32 s10, s7;
	s2 =	sadd.s32 s2, s3;
	s21 =	smul.u32 $0x4E20, s13  }
0x10: {  	s7 =	sadd.s32 s7, s4;
	s30 =	sadd.s32 s24, s5;
	s5 =	sshll.u32 @!p0 s14, $0x6  }
0x11: {  	s19 =	simm.s32 $0x640;
	s24 =	simm.s32 $0x50;
	s13 =	simm.s32 $0xA  }
0x12: {  	s8 =	sshrl.u32 s8, $0x3;
	s11 =	sadd.s32 s11, s0;
	s10 =	sshrl.u32 s10, $0x3  }
0x13: {  	s9 =	sadd.s32 $0x18C00, s9;
	s7 =	sshrl.u32 @p0 s7, $0x3;
	s8 =	sadd.s32 s8, s0  }
0x14: {  	s0 =	sadd.s32 s10, s0;
	s10 =	ssub.s32 s12, s20;
	[dreg:$0x7] =	wrdreg s9  }
0x15: {  	s22 =	sadd.s32 $0x16400, s11;
	s23 =	sshrl.u32 s21, $0x3;
	s21 =	simm.s32 $0xBB08  }
0x16: {  	s9 =	simm.s32 $0x9;
	s12 =	simm.s32 $0x13308;
	[dreg:$0xf] =	wrdreg s7  }
0x17: {  	s11 =	simm.s32 $0x4;
	[dreg:$0x8] =	wrdreg s22;
	s6 =	sadd.s32 s6, s23  }
0x18: {  	s25 =	sadd.s32 $0x31600, s8;
	s0 =	sadd.s32 $0x2C600, s0;
	[dreg:$0x9] =	wrdreg s6  }
0x19: {  	s26 =	smax.u32 s10, $0x1;
	s23 =	simm.s32 $0xB;
	[dreg:$0xa] =	wrdreg s25  }
0x1a: {  	s8 =	simm.s32 $0x10B08;
	s10 =	simm.s32 $0xE;
	[dreg:$0xb] =	wrdreg s0  }
0x1b: {  	s22 =	simm.s32 $0x0;
	[dreg:$0xc] =	wrdreg s26;
	s0 =	sadd.s32 $0x320, s30  }
.Ltmp0:
0x1c: {  	[dreg:$0xd] =	wrdreg s0;
	s0 =	sshll.u32 @p0 s14, $0x6;
	(pc) =	sbr.rel .LBB2_1-.Ltmp0, $4  }
0x1d: {  	s26 =	simm.s32 $0xE308;
	s20 =	sor.u32 @p0 $0x1C12, s0;
	s0 =	sor.u32 @!p0 $0x1C12, s5  }
0x1e: {  	s25 =	simm.s32 $0x5;
	s14 =	simm.s32 $0xF;
	[dreg:$0x10] =	wrdreg s0  }
0x1f: {  	s5 =	simm.s32 $0x3;
	s0 =	sshrl.u32 @!p0 s2, $0x3;
	[dreg:$0xe] =	wrdreg s20  }
0x20: {  	s2 =	simm.s32 $0xD;
	[dreg:$0x11] =	wrdreg s0;
	s0 =	simm.s32 $0x8  }
.LBB2_10:
0x21: {  	s6 =	simm.s32 $0x6  }
0x22: {  	_ =	swait.ge [sflag:s6], $0x2800  }
0x23: {  	[sflag:s6] =	ssyncset.done $0x0  }
0x24: {  	[sflag:s6] =	ssyncadd.s32 $0xFFFFD800  }
0x25: {  	_ =	swait.ge [sflag:s23], $0x500  }
0x26: {  	[sflag:s23] =	ssyncset.done $0x0  }
0x27: {  	[sflag:s23] =	ssyncadd.s32 $0xFFFFFB00  }
0x28: {  	_ =	swait.ge [sflag:s28], $0x2800  }
0x29: {  	[sflag:s28] =	ssyncset.done $0x0  }
0x2a: {  	[sflag:s28] =	ssyncadd.s32 $0xFFFFD800  }
0x2b: {  	_ =	swait.ge [sflag:s29], $0x500  }
0x2c: {  	[sflag:s29] =	ssyncset.done $0x0  }
0x2d: {  	[sflag:s29] =	ssyncadd.s32 $0xFFFFFB00  }
0x2e: {  	_ =	swait.ge [sflag:s0], $0x2800  }
0x2f: {  	[sflag:s0] =	ssyncset.done $0x0  }
0x30: {  	[sflag:s0] =	ssyncadd.s32 $0xFFFFD800  }
0x31: {  	_ =	swait.ge [sflag:s2], $0x500  }
0x32: {  	[sflag:s2] =	ssyncset.done $0x0  }
0x33: {  	[sflag:s2] =	ssyncadd.s32 $0xFFFFFB00  }
0x34: {  	_ =	swait.ge [sflag:s9], $0x2800  }
0x35: {  	[sflag:s9] =	ssyncset.done $0x0  }
0x36: {  	[sflag:s9] =	ssyncadd.s32 $0xFFFFD800  }
0x37: {  	_ =	swait.ge [sflag:s10], $0x500  }
0x38: {  	[sflag:s10] =	ssyncset.done $0x0  }
0x39: {  	[sflag:s10] =	ssyncadd.s32 $0xFFFFFB00  }
0x3a: {  	_ =	swait.ge [sflag:s13], $0x2800  }
0x3b: {  	[sflag:s13] =	ssyncset.done $0x0  }
0x3c: {  	[sflag:s13] =	ssyncadd.s32 $0xFFFFD800  }
0x3d: {  	_ =	swait.ge [sflag:s14], $0x500  }
0x3e: {  	[sflag:s14] =	ssyncset.done $0x0  }
0x3f: {  	[sflag:s14] =	ssyncadd.s32 $0xFFFFFB00  }
0x40: {  	[bflag:$0x0] =	sbarrier.arrive $0xFFFF  }
0x41: {  	s6 =	rddreg [dreg:$0xb]  }
0x42: {  	s20 =	rddreg [dreg:$0xe]  }
0x43: {  	s7 =	simm.s32 @p0 $0x12;
	s17 =	rddreg [dreg:$0xf]  }
0x44: {  	[hbm:s6], [sflag:s20] =	dma.local @p0 [spmem:s17], $0x4E2  }
0x45: {  	_ =	swait.ge @p0 [sflag:s7], $0x4E2  }
0x46: {  	s6 =	rddreg [dreg:$0xa]  }
0x47: {  	[sflag:s7] =	ssyncset.done @p0 $0x0;
	s30 =	rddreg [dreg:$0x11]  }
0x48: {  	[sflag:s7] =	ssyncadd.s32 @p0 $0xFFFFFB1E;
	s7 =	rddreg [dreg:$0x10]  }
0x49: {  	[hbm:s6], [sflag:s7] =	dma.local @!p0 [spmem:s30], $0x2710  }
0x4a: {  	s7 =	simm.s32 @!p0 $0x12  }
0x4b: {  	_ =	swait.ge @!p0 [sflag:s7], $0x2710  }
0x4c: {  	s22 =	rddreg [dreg:$0x12]  }
0x4d: {  	s30 =	rddreg [dreg:$0xc];
	s22 =	sadd.s32 $0x1, s22  }
0x4e: {  	p1 =	sne.s32 s22, s30  }
.Ltmp1:
0x4f: {  	_ = 	snop;
	(pc) =	sbr.rel @!p1 .LBB2_11-.Ltmp1, $3  }
0x50: {  	_ =	sdelay $0x1  }
0x51: {  	[sflag:s7] =	ssyncset.done @!p0 $0x0  }
0x52: {  	[sflag:s7] =	ssyncadd.s32 @!p0 $0xFFFFD8F0;
	s7 =	smov.u32 s17;
	s17 =	simm.s32 $0x0  }
.LBB2_1:
0x53: {  	[dreg:$0x12] =	wrdreg s22  }
0x54: {  	s6 =	rddreg [dreg:$0x8]  }
0x55: {  	[spmem:s7], [sflag:s20] =	dma.local @p0 [hbm:s6], $0x4E2  }
0x56: {  	s7 =	simm.s32 @p0 $0x12  }
0x57: {  	_ =	swait.ge @p0 [sflag:s7], $0x4E2  }
0x58: {  	s6 =	rddreg [dreg:$0x7]  }
0x59: {  	[sflag:s7] =	ssyncset.done @p0 $0x0;
	s20 =	rddreg [dreg:$0x11]  }
0x5a: {  	[sflag:s7] =	ssyncadd.s32 @p0 $0xFFFFFB1E;
	s7 =	rddreg [dreg:$0x10]  }
0x5b: {  	[spmem:s20], [sflag:s7] =	dma.local @!p0 [hbm:s6], $0x2710  }
0x5c: {  	s7 =	simm.s32 @!p0 $0x12  }
0x5d: {  	_ =	swait.ge @!p0 [sflag:s7], $0x2710  }
0x5e: {  	[sflag:s7] =	ssyncset.done @!p0 $0x0  }
0x5f: {  	s22 =	simm.s32 $0x12;
	s20 =	rddreg [dreg:$0x6];
	[sflag:s7] =	ssyncadd.s32 @!p0 $0xFFFFD8F0  }
0x60: {  	[tilespmem:s19], [sflag:$0x12] =	stream.linear.gather [hbm4b:s20+s17], $0x500, $0x38;
	[tilespmem:$0x18308] =	vst v63  }
0x61: {  	_ =	swait.ge [sflag:s22], $0x500  }
.Ltmp2:
0x62: {  	[sflag:s22] =	ssyncset.done $0x0;
	(pc) =	sbr.rel .LBB2_2-.Ltmp2, $4  }
0x63: {  	s30 =	rddreg [dreg:$0x9];
	[sflag:s22] =	ssyncadd.s32 $0xFFFFFB00  }
0x64: {  	[tilespmem:s17], [sflag:$0x10] =	stream.linear.gather [hbm4b:s30+s17], $0x320, $0x38;
	[tilespmem:$0x18308] =	vst v63  }
0x65: {  	[bflag:$0x0] =	sbarrier.arrive $0xFFFF  }
0x66: {  	s20 =	simm.s32 $0x0;
	s7 =	rddreg [dreg:$0xd]  }
.LBB2_8:
0x67: {  	_ =	swait.ge [sflag:s31], $0x320  }
0x68: {  	[sflag:s31] =	ssyncset.done $0x0  }
0x69: {  	s6 =	simm.s32 $0x6;
	[sflag:s31] =	ssyncadd.s32 $0xFFFFFCE0  }
0x6a: {  	_ =	swait.ge [sflag:s6], $0x2800  }
0x6b: {  	[sflag:s6] =	ssyncset.done $0x0  }
0x6c: {  	[sflag:s6] =	ssyncadd.s32 $0xFFFFD800  }
0x6d: {  	_ =	swait.ge [sflag:s23], $0x500  }
0x6e: {  	[sflag:s23] =	ssyncset.done $0x0  }
0x6f: {  	s12 =	simm.s32 $0x320;
	[sflag:s23] =	ssyncadd.s32 $0xFFFFFB00  }
0x70: {  	[tilespmem:s21], [sflag:$0x1] =	stream.indirect.gather [hbm4b:s1+s24], $0x80, s12, s24, $0xb8;
	[tilespmem:$0x18308] =	vst v63  }
0x71: {  	_ =	swait.ge [sflag:s28], $0x2800  }
0x72: {  	[sflag:s28] =	ssyncset.done $0x0  }
0x73: {  	[sflag:s28] =	ssyncadd.s32 $0xFFFFD800  }
0x74: {  	_ =	swait.ge [sflag:s29], $0x500  }
0x75: {  	[sflag:s29] =	ssyncset.done $0x0  }
0x76: {  	s15 =	simm.s32 $0x3C0;
	s8 =	simm.s32 $0xE308;
	[sflag:s29] =	ssyncadd.s32 $0xFFFFFB00  }
0x77: {  	[tilespmem:s8], [sflag:$0x2] =	stream.indirect.gather [hbm4b:s1+s24], $0x80, s15, s24, $0xb8;
	[tilespmem:$0x18308] =	vst v63  }
0x78: {  	_ =	swait.ge [sflag:s0], $0x2800  }
0x79: {  	[sflag:s0] =	ssyncset.done $0x0  }
0x7a: {  	[sflag:s0] =	ssyncadd.s32 $0xFFFFD800  }
0x7b: {  	_ =	swait.ge [sflag:s2], $0x500  }
0x7c: {  	[sflag:s2] =	ssyncset.done $0x0  }
0x7d: {  	s17 =	simm.s32 $0x460;
	s12 =	simm.s32 $0x10B08;
	[sflag:s2] =	ssyncadd.s32 $0xFFFFFB00  }
0x7e: {  	[tilespmem:s12], [sflag:$0x3] =	stream.indirect.gather [hbm4b:s1+s24], $0x80, s17, s24, $0xb8;
	[tilespmem:$0x18308] =	vst v63  }
0x7f: {  	_ =	swait.ge [sflag:s9], $0x2800  }
0x80: {  	[sflag:s9] =	ssyncset.done $0x0  }
0x81: {  	[sflag:s9] =	ssyncadd.s32 $0xFFFFD800  }
0x82: {  	_ =	swait.ge [sflag:s10], $0x500  }
0x83: {  	[sflag:s10] =	ssyncset.done $0x0  }
0x84: {  	s22 =	simm.s32 $0x500;
	s15 =	simm.s32 $0x13308;
	[sflag:s10] =	ssyncadd.s32 $0xFFFFFB00  }
0x85: {  	[tilespmem:s15], [sflag:$0x4] =	stream.indirect.gather [hbm4b:s1+s24], $0x80, s22, s24, $0xb8;
	[tilespmem:$0x18308] =	vst v63  }
0x86: {  	_ =	swait.ge [sflag:s13], $0x2800  }
0x87: {  	[sflag:s13] =	ssyncset.done $0x0  }
0x88: {  	[sflag:s13] =	ssyncadd.s32 $0xFFFFD800  }
0x89: {  	p1 =	seq.s32 s20, $0x18;
	_ =	swait.ge [sflag:s14], $0x500  }
0x8a: {  	s26 =	simm.s32 $0x5A0;
	s17 =	sshrl.u32 @!p1 s7, $0x3;
	[sflag:s14] =	ssyncset.done $0x0  }
0x8b: {  	s22 =	simm.s32 $0x15B08;
	s6 =	rddreg [dreg:$0x5];
	[sflag:s14] =	ssyncadd.s32 $0xFFFFFB00  }
0x8c: {  	[tilespmem:s22], [sflag:$0x5] =	stream.indirect.gather [hbm4b:s1+s24], $0x80, s26, s24, $0xb8;
	[tilespmem:$0x18308] =	vst v63  }
0x8d: {  	s30 =	simm.s32 @!p1 $0x0;
	s17 =	sadd.s32 @!p1 s6, s17  }
0x8e: {  	[tilespmem:s30], [sflag:$0x10] =	stream.linear.gather @!p1 [hbm4b:s17+s30], $0x320, $0x38;
	[tilespmem:$0x18308] =	vst v63  }
0x8f: {  	_ =	swait.ge [sflag:s16], $0x2800  }
0x90: {  	[sflag:s16] =	ssyncset.done $0x0  }
0x91: {  	s30 =	simm.s32 $0x370;
	[sflag:s16] =	ssyncadd.s32 $0xFFFFD800  }
0x92: {  	[spmem:s3] =	stream.indirect.scatter.add.f32 [tilespmem:s21], [sflag:$0x6], $0x80, s30, s24, $0xb8;
	[tilespmem:$0x18308] =	vst v63  }
0x93: {  	_ = 	snop  }
0x94: {  	[spmem:s4] =	stream.indirect.scatter.add.f32 [tilespmem:s19], [sflag:$0xB], $0x10, s30, s24, $0xb8;
	[tilespmem:$0x18308] =	vst v63  }
0x95: {  	_ =	swait.ge [sflag:s18], $0x2800  }
0x96: {  	[sflag:s18] =	ssyncset.done $0x0  }
0x97: {  	s17 =	simm.s32 $0x410;
	[sflag:s18] =	ssyncadd.s32 $0xFFFFD800  }
0x98: {  	[spmem:s3] =	stream.indirect.scatter.add.f32 [tilespmem:s8], [sflag:$0x7], $0x80, s17, s24, $0xb8;
	[tilespmem:$0x18308] =	vst v63  }
0x99: {  	_ = 	snop  }
0x9a: {  	[spmem:s4] =	stream.indirect.scatter.add.f32 [tilespmem:s19], [sflag:$0xC], $0x10, s17, s24, $0xb8;
	[tilespmem:$0x18308] =	vst v63  }
0x9b: {  	_ =	swait.ge [sflag:s5], $0x2800  }
0x9c: {  	[sflag:s5] =	ssyncset.done $0x0  }
0x9d: {  	s30 =	simm.s32 $0x4B0;
	[sflag:s5] =	ssyncadd.s32 $0xFFFFD800  }
0x9e: {  	[spmem:s3] =	stream.indirect.scatter.add.f32 [tilespmem:s12], [sflag:$0x8], $0x80, s30, s24, $0xb8;
	[tilespmem:$0x18308] =	vst v63  }
0x9f: {  	_ = 	snop  }
0xa0: {  	[spmem:s4] =	stream.indirect.scatter.add.f32 [tilespmem:s19], [sflag:$0xD], $0x10, s30, s24, $0xb8;
	[tilespmem:$0x18308] =	vst v63  }
0xa1: {  	_ =	swait.ge [sflag:s11], $0x2800  }
0xa2: {  	[sflag:s11] =	ssyncset.done $0x0  }
0xa3: {  	s17 =	simm.s32 $0x550;
	[sflag:s11] =	ssyncadd.s32 $0xFFFFD800  }
0xa4: {  	[spmem:s3] =	stream.indirect.scatter.add.f32 [tilespmem:s15], [sflag:$0x9], $0x80, s17, s24, $0xb8;
	[tilespmem:$0x18308] =	vst v63  }
0xa5: {  	_ = 	snop  }
0xa6: {  	[spmem:s4] =	stream.indirect.scatter.add.f32 [tilespmem:s19], [sflag:$0xE], $0x10, s17, s24, $0xb8;
	[tilespmem:$0x18308] =	vst v63  }
0xa7: {  	_ =	swait.ge [sflag:s25], $0x2800  }
0xa8: {  	[sflag:s25] =	ssyncset.done $0x0  }
0xa9: {  	s26 =	simm.s32 $0xE308;
	s30 =	simm.s32 $0x5F0;
	[sflag:s25] =	ssyncadd.s32 $0xFFFFD800  }
0xaa: {  	[spmem:s3] =	stream.indirect.scatter.add.f32 [tilespmem:s22], [sflag:$0xA], $0x80, s30, s24, $0xb8;
	[tilespmem:$0x18308] =	vst v63  }
0xab: {  	s8 =	simm.s32 $0x10B08;
	s12 =	simm.s32 $0x13308;
	s15 =	simm.s32 $0x15B08  }
0xac: {  	[spmem:s4] =	stream.indirect.scatter.add.f32 [tilespmem:s19], [sflag:$0xF], $0x10, s30, s24, $0xb8;
	[tilespmem:$0x18308] =	vst v63  }
.LBB2_9:
0xad: {  	s20 =	sadd.s32 $0x1, s20  }
0xae: {  	p1 =	sne.s32 s20, $0x19  }
.Ltmp3:
0xaf: {  	_ = 	snop;
	(pc) =	sbr.rel @!p1 .LBB2_10-.Ltmp3, $2  }
0xb0: {  	_ =	sdelay $0x2  }
0xb1: {  	s7 =	sadd.s32 $0x320, s7  }
.LBB2_2:
0xb2: {  	s17 =	sand.u32 $0x1, s20  }
0xb3: {  	p1 =	seq.s32 s17, $0x1  }
.Ltmp4:
0xb4: {  	_ = 	snop;
	(pc) =	sbr.rel @p1 .LBB2_8-.Ltmp4, $1  }
0xb5: {  	_ =	sdelay $0x3  }
0xb6: {  	p1 =	sne.s32 s20, $0x0  }
.Ltmp5:
0xb7: {  	_ = 	snop;
	(pc) =	sbr.rel @!p1 .LBB2_4-.Ltmp5, $4  }
0xb8: {  	s6 =	simm.s32 $0x10  }
0xb9: {  	_ =	swait.ge [sflag:s6], $0x320  }
0xba: {  	[sflag:s6] =	ssyncset.done $0x0  }
0xbb: {  	[sflag:s6] =	ssyncadd.s32 $0xFFFFFCE0  }
0xbc: {  	s6 =	simm.s32 $0x6  }
0xbd: {  	_ =	swait.ge [sflag:s6], $0x2800  }
0xbe: {  	[sflag:s6] =	ssyncset.done $0x0  }
0xbf: {  	[sflag:s6] =	ssyncadd.s32 $0xFFFFD800  }
0xc0: {  	_ =	swait.ge [sflag:s23], $0x500  }
0xc1: {  	[sflag:s23] =	ssyncset.done $0x0  }
0xc2: {  	s6 =	simm.s32 $0x0;
	[sflag:s23] =	ssyncadd.s32 $0xFFFFFB00  }
0xc3: {  	[tilespmem:s21], [sflag:$0x1] =	stream.indirect.gather [hbm4b:s1+s24], $0x80, s6, s24, $0xb8;
	[tilespmem:$0x18308] =	vst v63  }
0xc4: {  	_ =	swait.ge [sflag:s28], $0x2800  }
0xc5: {  	[sflag:s28] =	ssyncset.done $0x0  }
0xc6: {  	[sflag:s28] =	ssyncadd.s32 $0xFFFFD800  }
0xc7: {  	_ =	swait.ge [sflag:s29], $0x500  }
0xc8: {  	[sflag:s29] =	ssyncset.done $0x0  }
0xc9: {  	s22 =	simm.s32 $0xA0;
	[sflag:s29] =	ssyncadd.s32 $0xFFFFFB00  }
0xca: {  	[tilespmem:s26], [sflag:$0x2] =	stream.indirect.gather [hbm4b:s1+s24], $0x80, s22, s24, $0xb8;
	[tilespmem:$0x18308] =	vst v63  }
0xcb: {  	_ =	swait.ge [sflag:s0], $0x2800  }
0xcc: {  	[sflag:s0] =	ssyncset.done $0x0  }
0xcd: {  	[sflag:s0] =	ssyncadd.s32 $0xFFFFD800  }
0xce: {  	_ =	swait.ge [sflag:s2], $0x500  }
0xcf: {  	[sflag:s2] =	ssyncset.done $0x0  }
0xd0: {  	s30 =	simm.s32 $0x140;
	[sflag:s2] =	ssyncadd.s32 $0xFFFFFB00  }
0xd1: {  	[tilespmem:s8], [sflag:$0x3] =	stream.indirect.gather [hbm4b:s1+s24], $0x80, s30, s24, $0xb8;
	[tilespmem:$0x18308] =	vst v63  }
0xd2: {  	_ =	swait.ge [sflag:s9], $0x2800  }
0xd3: {  	[sflag:s9] =	ssyncset.done $0x0  }
0xd4: {  	[sflag:s9] =	ssyncadd.s32 $0xFFFFD800  }
0xd5: {  	_ =	swait.ge [sflag:s10], $0x500  }
0xd6: {  	[sflag:s10] =	ssyncset.done $0x0  }
0xd7: {  	s30 =	simm.s32 $0x1E0;
	[sflag:s10] =	ssyncadd.s32 $0xFFFFFB00  }
0xd8: {  	[tilespmem:s12], [sflag:$0x4] =	stream.indirect.gather [hbm4b:s1+s24], $0x80, s30, s24, $0xb8;
	[tilespmem:$0x18308] =	vst v63  }
0xd9: {  	_ =	swait.ge [sflag:s13], $0x2800  }
0xda: {  	p1 =	seq.s32 s20, $0x18;
	[sflag:s13] =	ssyncset.done $0x0  }
.Ltmp6:
0xdb: {  	[sflag:s13] =	ssyncadd.s32 $0xFFFFD800;
	(pc) =	sbr.rel @p1 .LBB2_7-.Ltmp6, $4  }
.Ltmp7:
0xdc: {  	_ =	swait.ge [sflag:s14], $0x500;
	(pc) =	sbr.rel @!p1 .LBB2_6-.Ltmp7, $4  }
0xdd: {  	[sflag:s14] =	ssyncset.done $0x0  }
0xde: {  	s30 =	simm.s32 $0x280;
	[sflag:s14] =	ssyncadd.s32 $0xFFFFFB00  }
0xdf: {  	[tilespmem:s15], [sflag:$0x5] =	stream.indirect.gather [hbm4b:s1+s24], $0x80, s30, s24, $0xb8;
	[tilespmem:$0x18308] =	vst v63  }
0xe0: {  	_ = 	snop  }
.LBB2_4:
0xe1: {  	s6 =	simm.s32 $0x0  }
0xe2: {  	[tilespmem:s21], [sflag:$0x1] =	stream.indirect.gather [hbm4b:s1+s24], $0x80, s6, s24, $0xb8;
	[tilespmem:$0x18308] =	vst v63  }
0xe3: {  	s31 =	simm.s32 $0xA0  }
0xe4: {  	[tilespmem:s26], [sflag:$0x2] =	stream.indirect.gather [hbm4b:s1+s24], $0x80, s31, s24, $0xb8;
	[tilespmem:$0x18308] =	vst v63  }
0xe5: {  	s22 =	simm.s32 $0x140  }
0xe6: {  	[tilespmem:s8], [sflag:$0x3] =	stream.indirect.gather [hbm4b:s1+s24], $0x80, s22, s24, $0xb8;
	[tilespmem:$0x18308] =	vst v63  }
0xe7: {  	s30 =	simm.s32 $0x1E0  }
0xe8: {  	[tilespmem:s12], [sflag:$0x4] =	stream.indirect.gather [hbm4b:s1+s24], $0x80, s30, s24, $0xb8;
	[tilespmem:$0x18308] =	vst v63  }
0xe9: {  	s31 =	simm.s32 $0x280  }
0xea: {  	[tilespmem:s15], [sflag:$0x5] =	stream.indirect.gather [hbm4b:s1+s24], $0x80, s31, s24, $0xb8;
	[tilespmem:$0x18308] =	vst v63  }
.LBB2_6:
0xeb: {  	s30 =	sshrl.u32 s7, $0x3;
	s21 =	rddreg [dreg:$0x5];
	s31 =	simm.s32 $0x11  }
0xec: {  	s22 =	simm.s32 $0x320;
	s30 =	sadd.s32 s21, s30;
	s21 =	simm.s32 $0xBB08  }
0xed: {  	[tilespmem:s22], [sflag:$0x11] =	stream.linear.gather [hbm4b:s30+s6], $0x320, $0x38;
	[tilespmem:$0x18308] =	vst v63  }
.LBB2_7:
0xee: {  	_ =	swait.ge [sflag:s16], $0x2800  }
0xef: {  	[sflag:s16] =	ssyncset.done $0x0  }
0xf0: {  	[sflag:s16] =	ssyncadd.s32 $0xFFFFD800  }
0xf1: {  	[spmem:s3] =	stream.indirect.scatter.add.f32 [tilespmem:s21], [sflag:$0x6], $0x80, s24, s24, $0xb8;
	[tilespmem:$0x18308] =	vst v63  }
0xf2: {  	_ = 	snop  }
0xf3: {  	[spmem:s4] =	stream.indirect.scatter.add.f32 [tilespmem:s19], [sflag:$0xB], $0x10, s24, s24, $0xb8;
	[tilespmem:$0x18308] =	vst v63  }
0xf4: {  	_ =	swait.ge [sflag:s18], $0x2800  }
0xf5: {  	[sflag:s18] =	ssyncset.done $0x0  }
0xf6: {  	s6 =	simm.s32 $0xF0;
	[sflag:s18] =	ssyncadd.s32 $0xFFFFD800  }
0xf7: {  	[spmem:s3] =	stream.indirect.scatter.add.f32 [tilespmem:s26], [sflag:$0x7], $0x80, s6, s24, $0xb8;
	[tilespmem:$0x18308] =	vst v63  }
0xf8: {  	_ = 	snop  }
0xf9: {  	[spmem:s4] =	stream.indirect.scatter.add.f32 [tilespmem:s19], [sflag:$0xC], $0x10, s6, s24, $0xb8;
	[tilespmem:$0x18308] =	vst v63  }
0xfa: {  	_ =	swait.ge [sflag:s5], $0x2800  }
0xfb: {  	[sflag:s5] =	ssyncset.done $0x0  }
0xfc: {  	s30 =	simm.s32 $0x190;
	[sflag:s5] =	ssyncadd.s32 $0xFFFFD800  }
0xfd: {  	[spmem:s3] =	stream.indirect.scatter.add.f32 [tilespmem:s8], [sflag:$0x8], $0x80, s30, s24, $0xb8;
	[tilespmem:$0x18308] =	vst v63  }
0xfe: {  	_ = 	snop  }
0xff: {  	[spmem:s4] =	stream.indirect.scatter.add.f32 [tilespmem:s19], [sflag:$0xD], $0x10, s30, s24, $0xb8;
	[tilespmem:$0x18308] =	vst v63  }
0x100: {  	_ =	swait.ge [sflag:s11], $0x2800  }
0x101: {  	[sflag:s11] =	ssyncset.done $0x0  }
0x102: {  	s22 =	simm.s32 $0x230;
	[sflag:s11] =	ssyncadd.s32 $0xFFFFD800  }
0x103: {  	[spmem:s3] =	stream.indirect.scatter.add.f32 [tilespmem:s12], [sflag:$0x9], $0x80, s22, s24, $0xb8;
	[tilespmem:$0x18308] =	vst v63  }
0x104: {  	_ = 	snop  }
0x105: {  	[spmem:s4] =	stream.indirect.scatter.add.f32 [tilespmem:s19], [sflag:$0xE], $0x10, s22, s24, $0xb8;
	[tilespmem:$0x18308] =	vst v63  }
0x106: {  	p1 =	seq.s32 s17, $0x0;
	_ =	swait.ge [sflag:s25], $0x2800  }
.Ltmp8:
0x107: {  	[sflag:s25] =	ssyncset.done $0x0;
	(pc) =	sbr.rel @p1 .LBB2_9-.Ltmp8, $4  }
.Ltmp9:
0x108: {  	s30 =	simm.s32 $0x2D0;
	[sflag:s25] =	ssyncadd.s32 $0xFFFFD800;
	(pc) =	sbr.rel @!p1 .LBB2_8-.Ltmp9, $4  }
0x109: {  	[spmem:s3] =	stream.indirect.scatter.add.f32 [tilespmem:s15], [sflag:$0xA], $0x80, s30, s24, $0xb8;
	[tilespmem:$0x18308] =	vst v63  }
0x10a: {  	_ = 	snop  }
0x10b: {  	[spmem:s4] =	stream.indirect.scatter.add.f32 [tilespmem:s19], [sflag:$0xF], $0x10, s30, s24, $0xb8;
	[tilespmem:$0x18308] =	vst v63  }
0x10c: {  	_ = 	snop  }
.LBB2_11:
0x10d: {  	_ =	sfence.sel $0x180000  }
0x10e: {  	[bflag:$0x0] =	sbarrier.arrive $0xFFFF  }
0x10f: {  	_ =	strace $0x90000047  }
0x110: {  	s0 =	stileid.u32;
	[bflag:$0x2] =	sbarrier.arrive $0xFFFF  }
0x111: {  	p0 =	sne.s32 s0, $0x0;
	s0 =	rddreg [dreg:$0x4]  }
0x112: {  	s0 =	sadd.s32 @!p0 $0x100000, s0  }
0x113: {  	[sflag:s0] =	ssyncadd.tile.s32 @!p0 $0x1;
	_ =	shalt  }
.Lfunc_end2:
_tile_overlayer_lowered:
.L_overlay_start_2:
0x114: {  	(tag) =	ssettag $0x2  }
0x115: {  	s0 =	rddreg [dreg:$0x0];
	s2 =	stileid.u32  }
0x116: {  	s1 =	rddreg [dreg:$0x1];
	p0 =	sne.s32 s2, $0x0  }
0x117: {  	s3 =	rddreg [dreg:$0x2];
	[bflag:$0x3] =	sbarrier.arrive $0xFFFF;
	s2 =	simm.s32 @!p0 $0x1C12  }
0x118: {  	[timem:s3], [sflag:s2] =	dma.local @!p0 [hbm:s0], s1  }
0x119: {  	s0 =	simm.s32 @!p0 $0x12  }
0x11a: {  	_ =	swait.ge @!p0 [sflag:s0], s1  }
0x11b: {  	s1 =	ssub.s32 @!p0 $0x0, s1;
	[sflag:s0] =	ssyncset.done @!p0 $0x0  }
0x11c: {  	[sflag:s0] =	ssyncadd.s32 @!p0 s1  }
0x11d: {  	[bflag:$0x3] =	sbarrier.arrive $0xFFFF  }
0x11e: {  	_ =	shalt  }

</sc_bundles>
